<compile_context>
chip_gen: v7x
topology: tpu7x:2x2x1
jax: 0.10.2.dev20260603
libtpu: 0.0.44.dev20260713+nightly
codegen_flags: <defaults>
</compile_context>

<pallas_src>
import functools

import numpy as np

import jax
import jax.numpy as jnp
from jax import lax
from jax.experimental import pallas as pl
from jax.experimental.pallas import tpu as pltpu
from jax.experimental.pallas import tpu_sc as plsc

N = 131072
D = 64
K = 8 * 2 * 1024
NROW = 1024
NCOL = 128
PAD = N
PADN = K + PAD

NUM_CORES = 2
NUM_SUBCORES = 16
NW = NUM_CORES * NUM_SUBCORES
RPW = NROW // NW
EPW = N // NW

_NEG_INF_KEY = np.uint32(0x007FFFFF)


PACK = 8


def _select_compute(ks):
    t = jnp.uint32(0)
    for bit in range(31, -1, -1):
        cand = t | jnp.uint32(1 << bit)
        cand_s = lax.bitcast_convert_type(cand ^ jnp.uint32(0x80000000),
                                          jnp.int32)
        cnt = jnp.sum((ks >= cand_s).astype(jnp.int32))
        t = jnp.where(cnt >= K, cand, t)
    t_s = lax.bitcast_convert_type(t ^ jnp.uint32(0x80000000), jnp.int32)

    gt = ks > t_s
    eq = ks == t_s
    need = K - jnp.sum(gt.astype(jnp.int32))

    ri = lax.broadcasted_iota(jnp.int32, (NCOL, NCOL), 0)
    ci = lax.broadcasted_iota(jnp.int32, (NCOL, NCOL), 1)
    u_strict = (ri < ci).astype(jnp.float32)
    rl = lax.broadcasted_iota(jnp.int32, (NROW, NROW), 0)
    cl = lax.broadcasted_iota(jnp.int32, (NROW, NROW), 1)
    l_strict = (cl < rl).astype(jnp.float32)

    def exprefix(m):
        inrow = jnp.dot(m, u_strict, preferred_element_type=jnp.float32)
        rs = jnp.sum(m, axis=1, keepdims=True)
        rowpre = jnp.dot(l_strict, rs, preferred_element_type=jnp.float32)
        return inrow + rowpre

    eq_f = eq.astype(jnp.float32)
    eq_rank = exprefix(eq_f).astype(jnp.int32)
    sel = gt | (eq & (eq_rank < need))
    pos = exprefix(sel.astype(jnp.float32)).astype(jnp.int32)

    r_idx = lax.broadcasted_iota(jnp.int32, (NROW, NCOL), 0)
    c_idx = lax.broadcasted_iota(jnp.int32, (NROW, NCOL), 1)
    flat = r_idx * NCOL + c_idx
    return jnp.where(sel, pos, K + flat)


def _matvec8_body(x_ref, w_ref, o_ref):
    jj = lax.broadcasted_iota(jnp.int32, (1, PACK), 1)
    w_col = w_ref[...]
    acc = jnp.zeros(o_ref.shape, jnp.float32)
    for j in range(PACK):
        w_j = w_col * (jj == j).astype(jnp.float32)
        acc = acc + jnp.dot(x_ref[:, j, :], w_j,
                            preferred_element_type=jnp.float32)
    o_ref[...] = acc


def _scores(x, w):
    x3 = x.reshape(N // PACK, PACK, D)
    rows = N // PACK
    return pl.pallas_call(
        _matvec8_body,
        grid=(8,),
        in_specs=[
            pl.BlockSpec((rows // 8, PACK, D), lambda i: (i, 0, 0)),
            pl.BlockSpec((D, 1), lambda i: (0, 0)),
        ],
        out_specs=pl.BlockSpec((rows // 8, PACK), lambda i: (i, 0)),
        out_shape=jax.ShapeDtypeStruct((rows, PACK), jnp.float32),
    )(x3, w.reshape(D, 1))


def _select_body(s_ref, dst_ref):
    s = s_ref[...]
    b = lax.bitcast_convert_type(s, jnp.uint32)
    ku = jnp.where(b >> 31 == jnp.uint32(1), ~b, b | jnp.uint32(0x80000000))
    ku = jnp.where(jnp.isnan(s), _NEG_INF_KEY, ku)
    ks = lax.bitcast_convert_type(ku ^ jnp.uint32(0x80000000), jnp.int32)
    dst_ref[...] = _select_compute(ks)


def _select(scores2d):
    return pl.pallas_call(
        _select_body,
        out_shape=jax.ShapeDtypeStruct((NROW, NCOL), jnp.int32),
    )(scores2d)


def _sc_select_gather(x, dst2d):
    mesh = plsc.VectorSubcoreMesh(core_axis_name="c", subcore_axis_name="s")
    rps = NROW // NUM_SUBCORES
    opw = K // NW

    @functools.partial(
        pl.kernel,
        mesh=mesh,
        compiler_params=pltpu.CompilerParams(use_tc_tiling_on_sc=False),
        out_type=jax.ShapeDtypeStruct((K, D), jnp.float32),
        scratch_types=[
            pltpu.VMEM((rps, NCOL), jnp.int32),
            pltpu.VMEM((rps, NCOL), jnp.int32),
            pltpu.VMEM_SHARED((PADN,), jnp.int32),
            pltpu.VMEM((opw,), jnp.int32),
            pltpu.VMEM((opw, D), jnp.float32),
            pltpu.SemaphoreType.DMA,
        ],
    )
    def k(x_hbm, dst_hbm, out_hbm, dst_v, vals_v, idx_sh, idx_v, rows_v, sem):
        sid = lax.axis_index("s")
        wid = sid * NUM_CORES + lax.axis_index("c")
        row0 = sid * rps
        pltpu.sync_copy(dst_hbm.at[pl.ds(row0, rps)], dst_v)
        base = row0 * NCOL

        def fill(r, carry):
            first = base + r * NCOL
            for q in range(NCOL // 16):
                vals_v[r, pl.ds(q * 16, 16)] = (
                    first + q * 16 + lax.iota(jnp.int32, 16))
            return carry

        lax.fori_loop(0, rps, fill, 0)
        sc_handles = [
            pltpu.async_copy(vals_v.at[r], idx_sh.at[dst_v.at[r]], sem)
            for r in range(rps)
        ]
        for h in sc_handles:
            h.wait()
        plsc.subcore_barrier()
        j0 = wid * opw
        pltpu.sync_copy(idx_sh.at[pl.ds(j0, opw)], idx_v)
        handles = [
            pltpu.async_copy(x_hbm.at[idx_v.at[pl.ds(ci * NCOL, NCOL)]],
                             rows_v.at[pl.ds(ci * NCOL, NCOL)], sem)
            for ci in range(opw // NCOL)
        ]
        for h in handles:
            h.wait()
        pltpu.sync_copy(rows_v, out_hbm.at[pl.ds(j0, opw)])

    return k(x, dst2d)


def kernel(x, w, block_idx):
    scores = _scores(x, w)
    dst = _select(scores.reshape(NROW, NCOL))
    out = _sc_select_gather(x, dst)
    return out

# --- scband reference (transcript-rebuilt; emitter-appended) ---
"""Pipeline reference for scband-active-sampler-43774306680980 (READ-ONLY COPY).

The authoritative reference and input builder live on the scoring server;
editing this copy changes nothing except your own understanding.
"""

import jax, jax.numpy as jnp
import numpy as np

WANT = 8 * 2 * 1024  # n_batches_per_block * accumulate_grad_batches * batch_size


def setup_inputs(seed: int = 0) -> dict:
    key = jax.random.key(seed)
    k1, k2 = jax.random.split(key)
    # block of uncollated samples, materialized as a dense feature tensor
    x = jax.random.normal(k1, (131072, 64), dtype=jnp.float32)
    # linear relevancy scoring head standing in for relevancy_score_fn(model, batch)
    w = jax.random.normal(k2, (64,), dtype=jnp.float32)
    return {"x": x, "w": w, "block_idx": 0}


def reference(x, w, block_idx):
    block_size = x.shape[0]
    # block_size (131072) > want_samples (16384), so active sampling runs.
    # scores are computed under torch.no_grad() -> stop_gradient
    scores = jax.lax.stop_gradient(x @ w)
    # NaN handling: torch code argpartitions with NaNs pushed to the top and then
    # drops them; equivalent selection = treat NaN as -inf and take top want_samples
    scores = jnp.where(jnp.isnan(scores), -jnp.inf, scores)
    _, idx = jax.lax.top_k(scores, WANT)  # argpartition top-want (unsorted in torch)
    # the datapipe filter preserves the ORIGINAL order of samples in the block
    idx = jnp.sort(idx)
    out = jnp.take(x, idx, axis=0)
    return out

if __name__ == "__main__":
    import jax
    _d = setup_inputs()
    print(jax.jit(kernel)(*tuple(_d.values())))

</pallas_src>

<mosaic_0001>
#map = affine_map<(d0, d1) -> (0, 0)>
module attributes {stable_mosaic.version = 14 : i64} {
  func.func @k(%arg0: i32, %arg1: i32, %arg2: memref<131072x64xf32, #tpu.memory_space<hbm>>, %arg3: memref<1024x128xi32, #tpu.memory_space<hbm>>, %arg4: memref<16384x64xf32, #tpu.memory_space<hbm>>, %arg5: memref<64x128xi32, #tpu.memory_space<vmem>>, %arg6: memref<64x128xi32, #tpu.memory_space<vmem>>, %arg7: memref<147456xi32, #tpu.memory_space<vmem_shared>>, %arg8: memref<512xi32, #tpu.memory_space<vmem>>, %arg9: memref<512x64xf32, #tpu.memory_space<vmem>>, %arg10: memref<!tpu.dma_semaphore, #tpu.memory_space<semaphore_mem>>) attributes {dimension_semantics = [#tpu.dimension_semantics<core_parallel>, #tpu.dimension_semantics<subcore_parallel>], iteration_bounds = array<i64: 2, 16>, scalar_prefetch = 0 : i64, scratch_operands = 6 : i64, tpu.core_type = #tpu.core_type<sc_vector_subcore>, window_params = [{transform_indices = #map}, {transform_indices = #map}, {transform_indices = #map}]} {
    %mul3A = arith.constant 2 : i32
    %mul3A_0 = arith.muli %arg1, %mul3A : i32
    %add3A = arith.addi %mul3A_0, %arg0 : i32
    %mul3A_1 = arith.constant 64 : i32
    %mul3A_2 = arith.muli %arg1, %mul3A_1 : i32
    "tpu.region"() ({
      %run_scoped3A = tpu.sem_alloc : memref<!tpu.dma_semaphore, #tpu.memory_space<semaphore_mem>>
      %dma_start3A_1354 = arith.constant 0 : i32
      %dma_start3A_1355 = tpu.memref_slice %arg3[%mul3A_2, %dma_start3A_1354] : memref<1024x128xi32, #tpu.memory_space<hbm>> -> memref<64x128xi32, #tpu.memory_space<hbm>>
      %dma_start3A_1356 = arith.constant 0 : i32
      %dma_start3A_1357 = tpu.memref_slice %arg3[%mul3A_2, %dma_start3A_1356] : memref<1024x128xi32, #tpu.memory_space<hbm>> -> memref<64x128xi32, #tpu.memory_space<hbm>>
      tpu.enqueue_dma source(%dma_start3A_1357 : memref<64x128xi32, #tpu.memory_space<hbm>>) target(%arg5 : memref<64x128xi32, #tpu.memory_space<vmem>>) target_semaphore(%run_scoped3A : memref<!tpu.dma_semaphore, #tpu.memory_space<semaphore_mem>>)
      %dma_wait3A_1358 = arith.constant 0 : i32
      %dma_wait3A_1359 = tpu.memref_slice %arg3[%mul3A_2, %dma_wait3A_1358] : memref<1024x128xi32, #tpu.memory_space<hbm>> -> memref<64x128xi32, #tpu.memory_space<hbm>>
      %dma_wait3A_1360 = arith.constant 0 : i32
      %dma_wait3A_1361 = tpu.memref_slice %arg3[%mul3A_2, %dma_wait3A_1360] : memref<1024x128xi32, #tpu.memory_space<hbm>> -> memref<64x128xi32, #tpu.memory_space<hbm>>
      tpu.wait_dma2 semaphore(%run_scoped3A : memref<!tpu.dma_semaphore, #tpu.memory_space<semaphore_mem>>) src(%dma_wait3A_1361 : memref<64x128xi32, #tpu.memory_space<hbm>>) dst(%arg5 : memref<64x128xi32, #tpu.memory_space<vmem>>)
      tpu.yield
    }) : () -> ()
    %mul3A_3 = arith.constant 128 : i32
    %mul3A_4 = arith.muli %mul3A_2, %mul3A_3 : i32
    %scan3A = arith.constant 0 : i32
    %scan3A_5 = arith.constant 0 : i32
    %scan3A_6 = arith.constant 64 : i32
    %scan3A_7 = arith.addi %scan3A_5, %scan3A_6 : i32
    %scan3A_8 = arith.constant 1 : i32
    scf.for %scan3A_1354 = %scan3A_5 to %scan3A_7 step %scan3A_8  : i32 {
      %mul3A_1355 = arith.constant 128 : i32
      %mul3A_1356 = arith.muli %scan3A_1354, %mul3A_1355 : i32
      %add3A_1357 = arith.addi %mul3A_4, %mul3A_1356 : i32
      %add3A_1358 = arith.constant 0 : i32
      %add3A_1359 = arith.addi %add3A_1357, %add3A_1358 : i32
      %iota3A = tpu.iota {dimensions = array<i32: 0>} : vector<16xi32>
      %add3A_1360 = vector.broadcast %add3A_1359 : i32 to vector<16xi32>
      %add3A_1361 = arith.addi %add3A_1360, %iota3A : vector<16xi32>
      %swap3A = arith.index_cast %scan3A_1354 : i32 to index
      %swap3A_1362 = arith.constant 0 : index
      %swap3A_1363 = tpu.vector_load %arg6[%swap3A, %swap3A_1362] {strides = array<i32>} : memref<64x128xi32, #tpu.memory_space<vmem>>, vector<1x16xi32>,
      %swap3A_1364 = vector.shape_cast %swap3A_1363 : vector<1x16xi32> to vector<16xi32>
      %swap3A_1365 = vector.shape_cast %add3A_1361 : vector<16xi32> to vector<1x16xi32>
      tpu.vector_store %arg6[%swap3A, %swap3A_1362], %swap3A_1365 {strides = array<i32>} : memref<64x128xi32, #tpu.memory_space<vmem>>, vector<1x16xi32>,
      %add3A_1366 = arith.constant 16 : i32
      %add3A_1367 = arith.addi %add3A_1357, %add3A_1366 : i32
      %iota3A_1368 = tpu.iota {dimensions = array<i32: 0>} : vector<16xi32>
      %add3A_1369 = vector.broadcast %add3A_1367 : i32 to vector<16xi32>
      %add3A_1370 = arith.addi %add3A_1369, %iota3A_1368 : vector<16xi32>
      %swap3A_1371 = arith.index_cast %scan3A_1354 : i32 to index
      %swap3A_1372 = arith.constant 16 : index
      %swap3A_1373 = tpu.vector_load %arg6[%swap3A_1371, %swap3A_1372] {strides = array<i32>} : memref<64x128xi32, #tpu.memory_space<vmem>>, vector<1x16xi32>,
      %swap3A_1374 = vector.shape_cast %swap3A_1373 : vector<1x16xi32> to vector<16xi32>
      %swap3A_1375 = vector.shape_cast %add3A_1370 : vector<16xi32> to vector<1x16xi32>
      tpu.vector_store %arg6[%swap3A_1371, %swap3A_1372], %swap3A_1375 {strides = array<i32>} : memref<64x128xi32, #tpu.memory_space<vmem>>, vector<1x16xi32>,
      %add3A_1376 = arith.constant 32 : i32
      %add3A_1377 = arith.addi %add3A_1357, %add3A_1376 : i32
      %iota3A_1378 = tpu.iota {dimensions = array<i32: 0>} : vector<16xi32>
      %add3A_1379 = vector.broadcast %add3A_1377 : i32 to vector<16xi32>
      %add3A_1380 = arith.addi %add3A_1379, %iota3A_1378 : vector<16xi32>
      %swap3A_1381 = arith.index_cast %scan3A_1354 : i32 to index
      %swap3A_1382 = arith.constant 32 : index
      %swap3A_1383 = tpu.vector_load %arg6[%swap3A_1381, %swap3A_1382] {strides = array<i32>} : memref<64x128xi32, #tpu.memory_space<vmem>>, vector<1x16xi32>,
      %swap3A_1384 = vector.shape_cast %swap3A_1383 : vector<1x16xi32> to vector<16xi32>
      %swap3A_1385 = vector.shape_cast %add3A_1380 : vector<16xi32> to vector<1x16xi32>
      tpu.vector_store %arg6[%swap3A_1381, %swap3A_1382], %swap3A_1385 {strides = array<i32>} : memref<64x128xi32, #tpu.memory_space<vmem>>, vector<1x16xi32>,
      %add3A_1386 = arith.constant 48 : i32
      %add3A_1387 = arith.addi %add3A_1357, %add3A_1386 : i32
      %iota3A_1388 = tpu.iota {dimensions = array<i32: 0>} : vector<16xi32>
      %add3A_1389 = vector.broadcast %add3A_1387 : i32 to vector<16xi32>
      %add3A_1390 = arith.addi %add3A_1389, %iota3A_1388 : vector<16xi32>
      %swap3A_1391 = arith.index_cast %scan3A_1354 : i32 to index
      %swap3A_1392 = arith.constant 48 : index
      %swap3A_1393 = tpu.vector_load %arg6[%swap3A_1391, %swap3A_1392] {strides = array<i32>} : memref<64x128xi32, #tpu.memory_space<vmem>>, vector<1x16xi32>,
      %swap3A_1394 = vector.shape_cast %swap3A_1393 : vector<1x16xi32> to vector<16xi32>
      %swap3A_1395 = vector.shape_cast %add3A_1390 : vector<16xi32> to vector<1x16xi32>
      tpu.vector_store %arg6[%swap3A_1391, %swap3A_1392], %swap3A_1395 {strides = array<i32>} : memref<64x128xi32, #tpu.memory_space<vmem>>, vector<1x16xi32>,
      %add3A_1396 = arith.constant 64 : i32
      %add3A_1397 = arith.addi %add3A_1357, %add3A_1396 : i32
      %iota3A_1398 = tpu.iota {dimensions = array<i32: 0>} : vector<16xi32>
      %add3A_1399 = vector.broadcast %add3A_1397 : i32 to vector<16xi32>
      %add3A_1400 = arith.addi %add3A_1399, %iota3A_1398 : vector<16xi32>
      %swap3A_1401 = arith.index_cast %scan3A_1354 : i32 to index
      %swap3A_1402 = arith.constant 64 : index
      %swap3A_1403 = tpu.vector_load %arg6[%swap3A_1401, %swap3A_1402] {strides = array<i32>} : memref<64x128xi32, #tpu.memory_space<vmem>>, vector<1x16xi32>,
      %swap3A_1404 = vector.shape_cast %swap3A_1403 : vector<1x16xi32> to vector<16xi32>
      %swap3A_1405 = vector.shape_cast %add3A_1400 : vector<16xi32> to vector<1x16xi32>
      tpu.vector_store %arg6[%swap3A_1401, %swap3A_1402], %swap3A_1405 {strides = array<i32>} : memref<64x128xi32, #tpu.memory_space<vmem>>, vector<1x16xi32>,
      %add3A_1406 = arith.constant 80 : i32
      %add3A_1407 = arith.addi %add3A_1357, %add3A_1406 : i32
      %iota3A_1408 = tpu.iota {dimensions = array<i32: 0>} : vector<16xi32>
      %add3A_1409 = vector.broadcast %add3A_1407 : i32 to vector<16xi32>
      %add3A_1410 = arith.addi %add3A_1409, %iota3A_1408 : vector<16xi32>
      %swap3A_1411 = arith.index_cast %scan3A_1354 : i32 to index
      %swap3A_1412 = arith.constant 80 : index
      %swap3A_1413 = tpu.vector_load %arg6[%swap3A_1411, %swap3A_1412] {strides = array<i32>} : memref<64x128xi32, #tpu.memory_space<vmem>>, vector<1x16xi32>,
      %swap3A_1414 = vector.shape_cast %swap3A_1413 : vector<1x16xi32> to vector<16xi32>
      %swap3A_1415 = vector.shape_cast %add3A_1410 : vector<16xi32> to vector<1x16xi32>
      tpu.vector_store %arg6[%swap3A_1411, %swap3A_1412], %swap3A_1415 {strides = array<i32>} : memref<64x128xi32, #tpu.memory_space<vmem>>, vector<1x16xi32>,
      %add3A_1416 = arith.constant 96 : i32
      %add3A_1417 = arith.addi %add3A_1357, %add3A_1416 : i32
      %iota3A_1418 = tpu.iota {dimensions = array<i32: 0>} : vector<16xi32>
      %add3A_1419 = vector.broadcast %add3A_1417 : i32 to vector<16xi32>
      %add3A_1420 = arith.addi %add3A_1419, %iota3A_1418 : vector<16xi32>
      %swap3A_1421 = arith.index_cast %scan3A_1354 : i32 to index
      %swap3A_1422 = arith.constant 96 : index
      %swap3A_1423 = tpu.vector_load %arg6[%swap3A_1421, %swap3A_1422] {strides = array<i32>} : memref<64x128xi32, #tpu.memory_space<vmem>>, vector<1x16xi32>,
      %swap3A_1424 = vector.shape_cast %swap3A_1423 : vector<1x16xi32> to vector<16xi32>
      %swap3A_1425 = vector.shape_cast %add3A_1420 : vector<16xi32> to vector<1x16xi32>
      tpu.vector_store %arg6[%swap3A_1421, %swap3A_1422], %swap3A_1425 {strides = array<i32>} : memref<64x128xi32, #tpu.memory_space<vmem>>, vector<1x16xi32>,
      %add3A_1426 = arith.constant 112 : i32
      %add3A_1427 = arith.addi %add3A_1357, %add3A_1426 : i32
      %iota3A_1428 = tpu.iota {dimensions = array<i32: 0>} : vector<16xi32>
      %add3A_1429 = vector.broadcast %add3A_1427 : i32 to vector<16xi32>
      %add3A_1430 = arith.addi %add3A_1429, %iota3A_1428 : vector<16xi32>
      %swap3A_1431 = arith.index_cast %scan3A_1354 : i32 to index
      %swap3A_1432 = arith.constant 112 : index
      %swap3A_1433 = tpu.vector_load %arg6[%swap3A_1431, %swap3A_1432] {strides = array<i32>} : memref<64x128xi32, #tpu.memory_space<vmem>>, vector<1x16xi32>,
      %swap3A_1434 = vector.shape_cast %swap3A_1433 : vector<1x16xi32> to vector<16xi32>
      %swap3A_1435 = vector.shape_cast %add3A_1430 : vector<16xi32> to vector<1x16xi32>
      tpu.vector_store %arg6[%swap3A_1431, %swap3A_1432], %swap3A_1435 {strides = array<i32>} : memref<64x128xi32, #tpu.memory_space<vmem>>, vector<1x16xi32>,
    }
    %scan3A_9 = arith.constant 64 : i32
    %dma_start3A = arith.constant 0 : i32
    %dma_start3A_10 = arith.constant 0 : i32
    %dma_start3A_11 = arith.constant 0 : i32
    %dma_start3A_12 = tpu.memref_slice %arg6[%dma_start3A, %dma_start3A_11] : memref<64x128xi32, #tpu.memory_space<vmem>> -> memref<1x128xi32, #tpu.memory_space<vmem>>
    %dma_start3A_13 = tpu.memref_squeeze %dma_start3A_12 : memref<1x128xi32, #tpu.memory_space<vmem>> -> memref<128xi32, #tpu.memory_space<vmem>>
    %dma_start3A_14 = arith.constant 0 : i32
    %dma_start3A_15 = tpu.memref_slice %arg5[%dma_start3A_10, %dma_start3A_14] : memref<64x128xi32, #tpu.memory_space<vmem>> -> memref<1x128xi32, #tpu.memory_space<vmem>>
    %dma_start3A_16 = tpu.memref_squeeze %dma_start3A_15 : memref<1x128xi32, #tpu.memory_space<vmem>> -> memref<128xi32, #tpu.memory_space<vmem>>
    %dma_start3A_17 = arith.constant 0 : i32
    %dma_start3A_18 = tpu.memref_slice %arg7[%dma_start3A_17] : memref<147456xi32, #tpu.memory_space<vmem_shared>> -> memref<147456xi32, #tpu.memory_space<vmem_shared>>
    tpu.enqueue_indirect_dma source(%dma_start3A_13 : memref<128xi32, #tpu.memory_space<vmem>>) target(%dma_start3A_18 : memref<147456xi32, #tpu.memory_space<vmem_shared>>) offsets(%dma_start3A_16 : memref<128xi32, #tpu.memory_space<vmem>>) semaphore(%arg10 : memref<!tpu.dma_semaphore, #tpu.memory_space<semaphore_mem>>)
    %dma_start3A_19 = arith.constant 1 : i32
    %dma_start3A_20 = arith.constant 1 : i32
    %dma_start3A_21 = arith.constant 0 : i32
    %dma_start3A_22 = tpu.memref_slice %arg6[%dma_start3A_19, %dma_start3A_21] : memref<64x128xi32, #tpu.memory_space<vmem>> -> memref<1x128xi32, #tpu.memory_space<vmem>>
    %dma_start3A_23 = tpu.memref_squeeze %dma_start3A_22 : memref<1x128xi32, #tpu.memory_space<vmem>> -> memref<128xi32, #tpu.memory_space<vmem>>
    %dma_start3A_24 = arith.constant 0 : i32
    %dma_start3A_25 = tpu.memref_slice %arg5[%dma_start3A_20, %dma_start3A_24] : memref<64x128xi32, #tpu.memory_space<vmem>> -> memref<1x128xi32, #tpu.memory_space<vmem>>
    %dma_start3A_26 = tpu.memref_squeeze %dma_start3A_25 : memref<1x128xi32, #tpu.memory_space<vmem>> -> memref<128xi32, #tpu.memory_space<vmem>>
    %dma_start3A_27 = arith.constant 0 : i32
    %dma_start3A_28 = tpu.memref_slice %arg7[%dma_start3A_27] : memref<147456xi32, #tpu.memory_space<vmem_shared>> -> memref<147456xi32, #tpu.memory_space<vmem_shared>>
    tpu.enqueue_indirect_dma source(%dma_start3A_23 : memref<128xi32, #tpu.memory_space<vmem>>) target(%dma_start3A_28 : memref<147456xi32, #tpu.memory_space<vmem_shared>>) offsets(%dma_start3A_26 : memref<128xi32, #tpu.memory_space<vmem>>) semaphore(%arg10 : memref<!tpu.dma_semaphore, #tpu.memory_space<semaphore_mem>>)
    %dma_start3A_29 = arith.constant 2 : i32
    %dma_start3A_30 = arith.constant 2 : i32
    %dma_start3A_31 = arith.constant 0 : i32
    %dma_start3A_32 = tpu.memref_slice %arg6[%dma_start3A_29, %dma_start3A_31] : memref<64x128xi32, #tpu.memory_space<vmem>> -> memref<1x128xi32, #tpu.memory_space<vmem>>
    %dma_start3A_33 = tpu.memref_squeeze %dma_start3A_32 : memref<1x128xi32, #tpu.memory_space<vmem>> -> memref<128xi32, #tpu.memory_space<vmem>>
    %dma_start3A_34 = arith.constant 0 : i32
    %dma_start3A_35 = tpu.memref_slice %arg5[%dma_start3A_30, %dma_start3A_34] : memref<64x128xi32, #tpu.memory_space<vmem>> -> memref<1x128xi32, #tpu.memory_space<vmem>>
    %dma_start3A_36 = tpu.memref_squeeze %dma_start3A_35 : memref<1x128xi32, #tpu.memory_space<vmem>> -> memref<128xi32, #tpu.memory_space<vmem>>
    %dma_start3A_37 = arith.constant 0 : i32
    %dma_start3A_38 = tpu.memref_slice %arg7[%dma_start3A_37] : memref<147456xi32, #tpu.memory_space<vmem_shared>> -> memref<147456xi32, #tpu.memory_space<vmem_shared>>
    tpu.enqueue_indirect_dma source(%dma_start3A_33 : memref<128xi32, #tpu.memory_space<vmem>>) target(%dma_start3A_38 : memref<147456xi32, #tpu.memory_space<vmem_shared>>) offsets(%dma_start3A_36 : memref<128xi32, #tpu.memory_space<vmem>>) semaphore(%arg10 : memref<!tpu.dma_semaphore, #tpu.memory_space<semaphore_mem>>)
    %dma_start3A_39 = arith.constant 3 : i32
    %dma_start3A_40 = arith.constant 3 : i32
    %dma_start3A_41 = arith.constant 0 : i32
    %dma_start3A_42 = tpu.memref_slice %arg6[%dma_start3A_39, %dma_start3A_41] : memref<64x128xi32, #tpu.memory_space<vmem>> -> memref<1x128xi32, #tpu.memory_space<vmem>>
    %dma_start3A_43 = tpu.memref_squeeze %dma_start3A_42 : memref<1x128xi32, #tpu.memory_space<vmem>> -> memref<128xi32, #tpu.memory_space<vmem>>
    %dma_start3A_44 = arith.constant 0 : i32
    %dma_start3A_45 = tpu.memref_slice %arg5[%dma_start3A_40, %dma_start3A_44] : memref<64x128xi32, #tpu.memory_space<vmem>> -> memref<1x128xi32, #tpu.memory_space<vmem>>
    %dma_start3A_46 = tpu.memref_squeeze %dma_start3A_45 : memref<1x128xi32, #tpu.memory_space<vmem>> -> memref<128xi32, #tpu.memory_space<vmem>>
    %dma_start3A_47 = arith.constant 0 : i32
    %dma_start3A_48 = tpu.memref_slice %arg7[%dma_start3A_47] : memref<147456xi32, #tpu.memory_space<vmem_shared>> -> memref<147456xi32, #tpu.memory_space<vmem_shared>>
    tpu.enqueue_indirect_dma source(%dma_start3A_43 : memref<128xi32, #tpu.memory_space<vmem>>) target(%dma_start3A_48 : memref<147456xi32, #tpu.memory_space<vmem_shared>>) offsets(%dma_start3A_46 : memref<128xi32, #tpu.memory_space<vmem>>) semaphore(%arg10 : memref<!tpu.dma_semaphore, #tpu.memory_space<semaphore_mem>>)
    %dma_start3A_49 = arith.constant 4 : i32
    %dma_start3A_50 = arith.constant 4 : i32
    %dma_start3A_51 = arith.constant 0 : i32
    %dma_start3A_52 = tpu.memref_slice %arg6[%dma_start3A_49, %dma_start3A_51] : memref<64x128xi32, #tpu.memory_space<vmem>> -> memref<1x128xi32, #tpu.memory_space<vmem>>
    %dma_start3A_53 = tpu.memref_squeeze %dma_start3A_52 : memref<1x128xi32, #tpu.memory_space<vmem>> -> memref<128xi32, #tpu.memory_space<vmem>>
    %dma_start3A_54 = arith.constant 0 : i32
    %dma_start3A_55 = tpu.memref_slice %arg5[%dma_start3A_50, %dma_start3A_54] : memref<64x128xi32, #tpu.memory_space<vmem>> -> memref<1x128xi32, #tpu.memory_space<vmem>>
    %dma_start3A_56 = tpu.memref_squeeze %dma_start3A_55 : memref<1x128xi32, #tpu.memory_space<vmem>> -> memref<128xi32, #tpu.memory_space<vmem>>
    %dma_start3A_57 = arith.constant 0 : i32
    %dma_start3A_58 = tpu.memref_slice %arg7[%dma_start3A_57] : memref<147456xi32, #tpu.memory_space<vmem_shared>> -> memref<147456xi32, #tpu.memory_space<vmem_shared>>
    tpu.enqueue_indirect_dma source(%dma_start3A_53 : memref<128xi32, #tpu.memory_space<vmem>>) target(%dma_start3A_58 : memref<147456xi32, #tpu.memory_space<vmem_shared>>) offsets(%dma_start3A_56 : memref<128xi32, #tpu.memory_space<vmem>>) semaphore(%arg10 : memref<!tpu.dma_semaphore, #tpu.memory_space<semaphore_mem>>)
    %dma_start3A_59 = arith.constant 5 : i32
    %dma_start3A_60 = arith.constant 5 : i32
    %dma_start3A_61 = arith.constant 0 : i32
    %dma_start3A_62 = tpu.memref_slice %arg6[%dma_start3A_59, %dma_start3A_61] : memref<64x128xi32, #tpu.memory_space<vmem>> -> memref<1x128xi32, #tpu.memory_space<vmem>>
    %dma_start3A_63 = tpu.memref_squeeze %dma_start3A_62 : memref<1x128xi32, #tpu.memory_space<vmem>> -> memref<128xi32, #tpu.memory_space<vmem>>
    %dma_start3A_64 = arith.constant 0 : i32
    %dma_start3A_65 = tpu.memref_slice %arg5[%dma_start3A_60, %dma_start3A_64] : memref<64x128xi32, #tpu.memory_space<vmem>> -> memref<1x128xi32, #tpu.memory_space<vmem>>
    %dma_start3A_66 = tpu.memref_squeeze %dma_start3A_65 : memref<1x128xi32, #tpu.memory_space<vmem>> -> memref<128xi32, #tpu.memory_space<vmem>>
    %dma_start3A_67 = arith.constant 0 : i32
    %dma_start3A_68 = tpu.memref_slice %arg7[%dma_start3A_67] : memref<147456xi32, #tpu.memory_space<vmem_shared>> -> memref<147456xi32, #tpu.memory_space<vmem_shared>>
    tpu.enqueue_indirect_dma source(%dma_start3A_63 : memref<128xi32, #tpu.memory_space<vmem>>) target(%dma_start3A_68 : memref<147456xi32, #tpu.memory_space<vmem_shared>>) offsets(%dma_start3A_66 : memref<128xi32, #tpu.memory_space<vmem>>) semaphore(%arg10 : memref<!tpu.dma_semaphore, #tpu.memory_space<semaphore_mem>>)
    %dma_start3A_69 = arith.constant 6 : i32
    %dma_start3A_70 = arith.constant 6 : i32
    %dma_start3A_71 = arith.constant 0 : i32
    %dma_start3A_72 = tpu.memref_slice %arg6[%dma_start3A_69, %dma_start3A_71] : memref<64x128xi32, #tpu.memory_space<vmem>> -> memref<1x128xi32, #tpu.memory_space<vmem>>
    %dma_start3A_73 = tpu.memref_squeeze %dma_start3A_72 : memref<1x128xi32, #tpu.memory_space<vmem>> -> memref<128xi32, #tpu.memory_space<vmem>>
    %dma_start3A_74 = arith.constant 0 : i32
    %dma_start3A_75 = tpu.memref_slice %arg5[%dma_start3A_70, %dma_start3A_74] : memref<64x128xi32, #tpu.memory_space<vmem>> -> memref<1x128xi32, #tpu.memory_space<vmem>>
    %dma_start3A_76 = tpu.memref_squeeze %dma_start3A_75 : memref<1x128xi32, #tpu.memory_space<vmem>> -> memref<128xi32, #tpu.memory_space<vmem>>
    %dma_start3A_77 = arith.constant 0 : i32
    %dma_start3A_78 = tpu.memref_slice %arg7[%dma_start3A_77] : memref<147456xi32, #tpu.memory_space<vmem_shared>> -> memref<147456xi32, #tpu.memory_space<vmem_shared>>
    tpu.enqueue_indirect_dma source(%dma_start3A_73 : memref<128xi32, #tpu.memory_space<vmem>>) target(%dma_start3A_78 : memref<147456xi32, #tpu.memory_space<vmem_shared>>) offsets(%dma_start3A_76 : memref<128xi32, #tpu.memory_space<vmem>>) semaphore(%arg10 : memref<!tpu.dma_semaphore, #tpu.memory_space<semaphore_mem>>)
    %dma_start3A_79 = arith.constant 7 : i32
    %dma_start3A_80 = arith.constant 7 : i32
    %dma_start3A_81 = arith.constant 0 : i32
    %dma_start3A_82 = tpu.memref_slice %arg6[%dma_start3A_79, %dma_start3A_81] : memref<64x128xi32, #tpu.memory_space<vmem>> -> memref<1x128xi32, #tpu.memory_space<vmem>>
    %dma_start3A_83 = tpu.memref_squeeze %dma_start3A_82 : memref<1x128xi32, #tpu.memory_space<vmem>> -> memref<128xi32, #tpu.memory_space<vmem>>
    %dma_start3A_84 = arith.constant 0 : i32
    %dma_start3A_85 = tpu.memref_slice %arg5[%dma_start3A_80, %dma_start3A_84] : memref<64x128xi32, #tpu.memory_space<vmem>> -> memref<1x128xi32, #tpu.memory_space<vmem>>
    %dma_start3A_86 = tpu.memref_squeeze %dma_start3A_85 : memref<1x128xi32, #tpu.memory_space<vmem>> -> memref<128xi32, #tpu.memory_space<vmem>>
    %dma_start3A_87 = arith.constant 0 : i32
    %dma_start3A_88 = tpu.memref_slice %arg7[%dma_start3A_87] : memref<147456xi32, #tpu.memory_space<vmem_shared>> -> memref<147456xi32, #tpu.memory_space<vmem_shared>>
    tpu.enqueue_indirect_dma source(%dma_start3A_83 : memref<128xi32, #tpu.memory_space<vmem>>) target(%dma_start3A_88 : memref<147456xi32, #tpu.memory_space<vmem_shared>>) offsets(%dma_start3A_86 : memref<128xi32, #tpu.memory_space<vmem>>) semaphore(%arg10 : memref<!tpu.dma_semaphore, #tpu.memory_space<semaphore_mem>>)
    %dma_start3A_89 = arith.constant 8 : i32
    %dma_start3A_90 = arith.constant 8 : i32
    %dma_start3A_91 = arith.constant 0 : i32
    %dma_start3A_92 = tpu.memref_slice %arg6[%dma_start3A_89, %dma_start3A_91] : memref<64x128xi32, #tpu.memory_space<vmem>> -> memref<1x128xi32, #tpu.memory_space<vmem>>
    %dma_start3A_93 = tpu.memref_squeeze %dma_start3A_92 : memref<1x128xi32, #tpu.memory_space<vmem>> -> memref<128xi32, #tpu.memory_space<vmem>>
    %dma_start3A_94 = arith.constant 0 : i32
    %dma_start3A_95 = tpu.memref_slice %arg5[%dma_start3A_90, %dma_start3A_94] : memref<64x128xi32, #tpu.memory_space<vmem>> -> memref<1x128xi32, #tpu.memory_space<vmem>>
    %dma_start3A_96 = tpu.memref_squeeze %dma_start3A_95 : memref<1x128xi32, #tpu.memory_space<vmem>> -> memref<128xi32, #tpu.memory_space<vmem>>
    %dma_start3A_97 = arith.constant 0 : i32
    %dma_start3A_98 = tpu.memref_slice %arg7[%dma_start3A_97] : memref<147456xi32, #tpu.memory_space<vmem_shared>> -> memref<147456xi32, #tpu.memory_space<vmem_shared>>
    tpu.enqueue_indirect_dma source(%dma_start3A_93 : memref<128xi32, #tpu.memory_space<vmem>>) target(%dma_start3A_98 : memref<147456xi32, #tpu.memory_space<vmem_shared>>) offsets(%dma_start3A_96 : memref<128xi32, #tpu.memory_space<vmem>>) semaphore(%arg10 : memref<!tpu.dma_semaphore, #tpu.memory_space<semaphore_mem>>)
    %dma_start3A_99 = arith.constant 9 : i32
    %dma_start3A_100 = arith.constant 9 : i32
    %dma_start3A_101 = arith.constant 0 : i32
    %dma_start3A_102 = tpu.memref_slice %arg6[%dma_start3A_99, %dma_start3A_101] : memref<64x128xi32, #tpu.memory_space<vmem>> -> memref<1x128xi32, #tpu.memory_space<vmem>>
    %dma_start3A_103 = tpu.memref_squeeze %dma_start3A_102 : memref<1x128xi32, #tpu.memory_space<vmem>> -> memref<128xi32, #tpu.memory_space<vmem>>
    %dma_start3A_104 = arith.constant 0 : i32
    %dma_start3A_105 = tpu.memref_slice %arg5[%dma_start3A_100, %dma_start3A_104] : memref<64x128xi32, #tpu.memory_space<vmem>> -> memref<1x128xi32, #tpu.memory_space<vmem>>
    %dma_start3A_106 = tpu.memref_squeeze %dma_start3A_105 : memref<1x128xi32, #tpu.memory_space<vmem>> -> memref<128xi32, #tpu.memory_space<vmem>>
    %dma_start3A_107 = arith.constant 0 : i32
    %dma_start3A_108 = tpu.memref_slice %arg7[%dma_start3A_107] : memref<147456xi32, #tpu.memory_space<vmem_shared>> -> memref<147456xi32, #tpu.memory_space<vmem_shared>>
    tpu.enqueue_indirect_dma source(%dma_start3A_103 : memref<128xi32, #tpu.memory_space<vmem>>) target(%dma_start3A_108 : memref<147456xi32, #tpu.memory_space<vmem_shared>>) offsets(%dma_start3A_106 : memref<128xi32, #tpu.memory_space<vmem>>) semaphore(%arg10 : memref<!tpu.dma_semaphore, #tpu.memory_space<semaphore_mem>>)
    %dma_start3A_109 = arith.constant 10 : i32
    %dma_start3A_110 = arith.constant 10 : i32
    %dma_start3A_111 = arith.constant 0 : i32
    %dma_start3A_112 = tpu.memref_slice %arg6[%dma_start3A_109, %dma_start3A_111] : memref<64x128xi32, #tpu.memory_space<vmem>> -> memref<1x128xi32, #tpu.memory_space<vmem>>
    %dma_start3A_113 = tpu.memref_squeeze %dma_start3A_112 : memref<1x128xi32, #tpu.memory_space<vmem>> -> memref<128xi32, #tpu.memory_space<vmem>>
    %dma_start3A_114 = arith.constant 0 : i32
    %dma_start3A_115 = tpu.memref_slice %arg5[%dma_start3A_110, %dma_start3A_114] : memref<64x128xi32, #tpu.memory_space<vmem>> -> memref<1x128xi32, #tpu.memory_space<vmem>>
    %dma_start3A_116 = tpu.memref_squeeze %dma_start3A_115 : memref<1x128xi32, #tpu.memory_space<vmem>> -> memref<128xi32, #tpu.memory_space<vmem>>
    %dma_start3A_117 = arith.constant 0 : i32
    %dma_start3A_118 = tpu.memref_slice %arg7[%dma_start3A_117] : memref<147456xi32, #tpu.memory_space<vmem_shared>> -> memref<147456xi32, #tpu.memory_space<vmem_shared>>
    tpu.enqueue_indirect_dma source(%dma_start3A_113 : memref<128xi32, #tpu.memory_space<vmem>>) target(%dma_start3A_118 : memref<147456xi32, #tpu.memory_space<vmem_shared>>) offsets(%dma_start3A_116 : memref<128xi32, #tpu.memory_space<vmem>>) semaphore(%arg10 : memref<!tpu.dma_semaphore, #tpu.memory_space<semaphore_mem>>)
    %dma_start3A_119 = arith.constant 11 : i32
    %dma_start3A_120 = arith.constant 11 : i32
    %dma_start3A_121 = arith.constant 0 : i32
    %dma_start3A_122 = tpu.memref_slice %arg6[%dma_start3A_119, %dma_start3A_121] : memref<64x128xi32, #tpu.memory_space<vmem>> -> memref<1x128xi32, #tpu.memory_space<vmem>>
    %dma_start3A_123 = tpu.memref_squeeze %dma_start3A_122 : memref<1x128xi32, #tpu.memory_space<vmem>> -> memref<128xi32, #tpu.memory_space<vmem>>
    %dma_start3A_124 = arith.constant 0 : i32
    %dma_start3A_125 = tpu.memref_slice %arg5[%dma_start3A_120, %dma_start3A_124] : memref<64x128xi32, #tpu.memory_space<vmem>> -> memref<1x128xi32, #tpu.memory_space<vmem>>
    %dma_start3A_126 = tpu.memref_squeeze %dma_start3A_125 : memref<1x128xi32, #tpu.memory_space<vmem>> -> memref<128xi32, #tpu.memory_space<vmem>>
    %dma_start3A_127 = arith.constant 0 : i32
    %dma_start3A_128 = tpu.memref_slice %arg7[%dma_start3A_127] : memref<147456xi32, #tpu.memory_space<vmem_shared>> -> memref<147456xi32, #tpu.memory_space<vmem_shared>>
    tpu.enqueue_indirect_dma source(%dma_start3A_123 : memref<128xi32, #tpu.memory_space<vmem>>) target(%dma_start3A_128 : memref<147456xi32, #tpu.memory_space<vmem_shared>>) offsets(%dma_start3A_126 : memref<128xi32, #tpu.memory_space<vmem>>) semaphore(%arg10 : memref<!tpu.dma_semaphore, #tpu.memory_space<semaphore_mem>>)
    %dma_start3A_129 = arith.constant 12 : i32
    %dma_start3A_130 = arith.constant 12 : i32
    %dma_start3A_131 = arith.constant 0 : i32
    %dma_start3A_132 = tpu.memref_slice %arg6[%dma_start3A_129, %dma_start3A_131] : memref<64x128xi32, #tpu.memory_space<vmem>> -> memref<1x128xi32, #tpu.memory_space<vmem>>
    %dma_start3A_133 = tpu.memref_squeeze %dma_start3A_132 : memref<1x128xi32, #tpu.memory_space<vmem>> -> memref<128xi32, #tpu.memory_space<vmem>>
    %dma_start3A_134 = arith.constant 0 : i32
    %dma_start3A_135 = tpu.memref_slice %arg5[%dma_start3A_130, %dma_start3A_134] : memref<64x128xi32, #tpu.memory_space<vmem>> -> memref<1x128xi32, #tpu.memory_space<vmem>>
    %dma_start3A_136 = tpu.memref_squeeze %dma_start3A_135 : memref<1x128xi32, #tpu.memory_space<vmem>> -> memref<128xi32, #tpu.memory_space<vmem>>
    %dma_start3A_137 = arith.constant 0 : i32
    %dma_start3A_138 = tpu.memref_slice %arg7[%dma_start3A_137] : memref<147456xi32, #tpu.memory_space<vmem_shared>> -> memref<147456xi32, #tpu.memory_space<vmem_shared>>
    tpu.enqueue_indirect_dma source(%dma_start3A_133 : memref<128xi32, #tpu.memory_space<vmem>>) target(%dma_start3A_138 : memref<147456xi32, #tpu.memory_space<vmem_shared>>) offsets(%dma_start3A_136 : memref<128xi32, #tpu.memory_space<vmem>>) semaphore(%arg10 : memref<!tpu.dma_semaphore, #tpu.memory_space<semaphore_mem>>)
    %dma_start3A_139 = arith.constant 13 : i32
    %dma_start3A_140 = arith.constant 13 : i32
    %dma_start3A_141 = arith.constant 0 : i32
    %dma_start3A_142 = tpu.memref_slice %arg6[%dma_start3A_139, %dma_start3A_141] : memref<64x128xi32, #tpu.memory_space<vmem>> -> memref<1x128xi32, #tpu.memory_space<vmem>>
    %dma_start3A_143 = tpu.memref_squeeze %dma_start3A_142 : memref<1x128xi32, #tpu.memory_space<vmem>> -> memref<128xi32, #tpu.memory_space<vmem>>
    %dma_start3A_144 = arith.constant 0 : i32
    %dma_start3A_145 = tpu.memref_slice %arg5[%dma_start3A_140, %dma_start3A_144] : memref<64x128xi32, #tpu.memory_space<vmem>> -> memref<1x128xi32, #tpu.memory_space<vmem>>
    %dma_start3A_146 = tpu.memref_squeeze %dma_start3A_145 : memref<1x128xi32, #tpu.memory_space<vmem>> -> memref<128xi32, #tpu.memory_space<vmem>>
    %dma_start3A_147 = arith.constant 0 : i32
    %dma_start3A_148 = tpu.memref_slice %arg7[%dma_start3A_147] : memref<147456xi32, #tpu.memory_space<vmem_shared>> -> memref<147456xi32, #tpu.memory_space<vmem_shared>>
    tpu.enqueue_indirect_dma source(%dma_start3A_143 : memref<128xi32, #tpu.memory_space<vmem>>) target(%dma_start3A_148 : memref<147456xi32, #tpu.memory_space<vmem_shared>>) offsets(%dma_start3A_146 : memref<128xi32, #tpu.memory_space<vmem>>) semaphore(%arg10 : memref<!tpu.dma_semaphore, #tpu.memory_space<semaphore_mem>>)
    %dma_start3A_149 = arith.constant 14 : i32
    %dma_start3A_150 = arith.constant 14 : i32
    %dma_start3A_151 = arith.constant 0 : i32
    %dma_start3A_152 = tpu.memref_slice %arg6[%dma_start3A_149, %dma_start3A_151] : memref<64x128xi32, #tpu.memory_space<vmem>> -> memref<1x128xi32, #tpu.memory_space<vmem>>
    %dma_start3A_153 = tpu.memref_squeeze %dma_start3A_152 : memref<1x128xi32, #tpu.memory_space<vmem>> -> memref<128xi32, #tpu.memory_space<vmem>>
    %dma_start3A_154 = arith.constant 0 : i32
    %dma_start3A_155 = tpu.memref_slice %arg5[%dma_start3A_150, %dma_start3A_154] : memref<64x128xi32, #tpu.memory_space<vmem>> -> memref<1x128xi32, #tpu.memory_space<vmem>>
    %dma_start3A_156 = tpu.memref_squeeze %dma_start3A_155 : memref<1x128xi32, #tpu.memory_space<vmem>> -> memref<128xi32, #tpu.memory_space<vmem>>
    %dma_start3A_157 = arith.constant 0 : i32
    %dma_start3A_158 = tpu.memref_slice %arg7[%dma_start3A_157] : memref<147456xi32, #tpu.memory_space<vmem_shared>> -> memref<147456xi32, #tpu.memory_space<vmem_shared>>
    tpu.enqueue_indirect_dma source(%dma_start3A_153 : memref<128xi32, #tpu.memory_space<vmem>>) target(%dma_start3A_158 : memref<147456xi32, #tpu.memory_space<vmem_shared>>) offsets(%dma_start3A_156 : memref<128xi32, #tpu.memory_space<vmem>>) semaphore(%arg10 : memref<!tpu.dma_semaphore, #tpu.memory_space<semaphore_mem>>)
    %dma_start3A_159 = arith.constant 15 : i32
    %dma_start3A_160 = arith.constant 15 : i32
    %dma_start3A_161 = arith.constant 0 : i32
    %dma_start3A_162 = tpu.memref_slice %arg6[%dma_start3A_159, %dma_start3A_161] : memref<64x128xi32, #tpu.memory_space<vmem>> -> memref<1x128xi32, #tpu.memory_space<vmem>>
    %dma_start3A_163 = tpu.memref_squeeze %dma_start3A_162 : memref<1x128xi32, #tpu.memory_space<vmem>> -> memref<128xi32, #tpu.memory_space<vmem>>
    %dma_start3A_164 = arith.constant 0 : i32
    %dma_start3A_165 = tpu.memref_slice %arg5[%dma_start3A_160, %dma_start3A_164] : memref<64x128xi32, #tpu.memory_space<vmem>> -> memref<1x128xi32, #tpu.memory_space<vmem>>
    %dma_start3A_166 = tpu.memref_squeeze %dma_start3A_165 : memref<1x128xi32, #tpu.memory_space<vmem>> -> memref<128xi32, #tpu.memory_space<vmem>>
    %dma_start3A_167 = arith.constant 0 : i32
    %dma_start3A_168 = tpu.memref_slice %arg7[%dma_start3A_167] : memref<147456xi32, #tpu.memory_space<vmem_shared>> -> memref<147456xi32, #tpu.memory_space<vmem_shared>>
    tpu.enqueue_indirect_dma source(%dma_start3A_163 : memref<128xi32, #tpu.memory_space<vmem>>) target(%dma_start3A_168 : memref<147456xi32, #tpu.memory_space<vmem_shared>>) offsets(%dma_start3A_166 : memref<128xi32, #tpu.memory_space<vmem>>) semaphore(%arg10 : memref<!tpu.dma_semaphore, #tpu.memory_space<semaphore_mem>>)
    %dma_start3A_169 = arith.constant 16 : i32
    %dma_start3A_170 = arith.constant 16 : i32
    %dma_start3A_171 = arith.constant 0 : i32
    %dma_start3A_172 = tpu.memref_slice %arg6[%dma_start3A_169, %dma_start3A_171] : memref<64x128xi32, #tpu.memory_space<vmem>> -> memref<1x128xi32, #tpu.memory_space<vmem>>
    %dma_start3A_173 = tpu.memref_squeeze %dma_start3A_172 : memref<1x128xi32, #tpu.memory_space<vmem>> -> memref<128xi32, #tpu.memory_space<vmem>>
    %dma_start3A_174 = arith.constant 0 : i32
    %dma_start3A_175 = tpu.memref_slice %arg5[%dma_start3A_170, %dma_start3A_174] : memref<64x128xi32, #tpu.memory_space<vmem>> -> memref<1x128xi32, #tpu.memory_space<vmem>>
    %dma_start3A_176 = tpu.memref_squeeze %dma_start3A_175 : memref<1x128xi32, #tpu.memory_space<vmem>> -> memref<128xi32, #tpu.memory_space<vmem>>
    %dma_start3A_177 = arith.constant 0 : i32
    %dma_start3A_178 = tpu.memref_slice %arg7[%dma_start3A_177] : memref<147456xi32, #tpu.memory_space<vmem_shared>> -> memref<147456xi32, #tpu.memory_space<vmem_shared>>
    tpu.enqueue_indirect_dma source(%dma_start3A_173 : memref<128xi32, #tpu.memory_space<vmem>>) target(%dma_start3A_178 : memref<147456xi32, #tpu.memory_space<vmem_shared>>) offsets(%dma_start3A_176 : memref<128xi32, #tpu.memory_space<vmem>>) semaphore(%arg10 : memref<!tpu.dma_semaphore, #tpu.memory_space<semaphore_mem>>)
    %dma_start3A_179 = arith.constant 17 : i32
    %dma_start3A_180 = arith.constant 17 : i32
    %dma_start3A_181 = arith.constant 0 : i32
    %dma_start3A_182 = tpu.memref_slice %arg6[%dma_start3A_179, %dma_start3A_181] : memref<64x128xi32, #tpu.memory_space<vmem>> -> memref<1x128xi32, #tpu.memory_space<vmem>>
    %dma_start3A_183 = tpu.memref_squeeze %dma_start3A_182 : memref<1x128xi32, #tpu.memory_space<vmem>> -> memref<128xi32, #tpu.memory_space<vmem>>
    %dma_start3A_184 = arith.constant 0 : i32
    %dma_start3A_185 = tpu.memref_slice %arg5[%dma_start3A_180, %dma_start3A_184] : memref<64x128xi32, #tpu.memory_space<vmem>> -> memref<1x128xi32, #tpu.memory_space<vmem>>
    %dma_start3A_186 = tpu.memref_squeeze %dma_start3A_185 : memref<1x128xi32, #tpu.memory_space<vmem>> -> memref<128xi32, #tpu.memory_space<vmem>>
    %dma_start3A_187 = arith.constant 0 : i32
    %dma_start3A_188 = tpu.memref_slice %arg7[%dma_start3A_187] : memref<147456xi32, #tpu.memory_space<vmem_shared>> -> memref<147456xi32, #tpu.memory_space<vmem_shared>>
    tpu.enqueue_indirect_dma source(%dma_start3A_183 : memref<128xi32, #tpu.memory_space<vmem>>) target(%dma_start3A_188 : memref<147456xi32, #tpu.memory_space<vmem_shared>>) offsets(%dma_start3A_186 : memref<128xi32, #tpu.memory_space<vmem>>) semaphore(%arg10 : memref<!tpu.dma_semaphore, #tpu.memory_space<semaphore_mem>>)
    %dma_start3A_189 = arith.constant 18 : i32
    %dma_start3A_190 = arith.constant 18 : i32
    %dma_start3A_191 = arith.constant 0 : i32
    %dma_start3A_192 = tpu.memref_slice %arg6[%dma_start3A_189, %dma_start3A_191] : memref<64x128xi32, #tpu.memory_space<vmem>> -> memref<1x128xi32, #tpu.memory_space<vmem>>
    %dma_start3A_193 = tpu.memref_squeeze %dma_start3A_192 : memref<1x128xi32, #tpu.memory_space<vmem>> -> memref<128xi32, #tpu.memory_space<vmem>>
    %dma_start3A_194 = arith.constant 0 : i32
    %dma_start3A_195 = tpu.memref_slice %arg5[%dma_start3A_190, %dma_start3A_194] : memref<64x128xi32, #tpu.memory_space<vmem>> -> memref<1x128xi32, #tpu.memory_space<vmem>>
    %dma_start3A_196 = tpu.memref_squeeze %dma_start3A_195 : memref<1x128xi32, #tpu.memory_space<vmem>> -> memref<128xi32, #tpu.memory_space<vmem>>
    %dma_start3A_197 = arith.constant 0 : i32
    %dma_start3A_198 = tpu.memref_slice %arg7[%dma_start3A_197] : memref<147456xi32, #tpu.memory_space<vmem_shared>> -> memref<147456xi32, #tpu.memory_space<vmem_shared>>
    tpu.enqueue_indirect_dma source(%dma_start3A_193 : memref<128xi32, #tpu.memory_space<vmem>>) target(%dma_start3A_198 : memref<147456xi32, #tpu.memory_space<vmem_shared>>) offsets(%dma_start3A_196 : memref<128xi32, #tpu.memory_space<vmem>>) semaphore(%arg10 : memref<!tpu.dma_semaphore, #tpu.memory_space<semaphore_mem>>)
    %dma_start3A_199 = arith.constant 19 : i32
    %dma_start3A_200 = arith.constant 19 : i32
    %dma_start3A_201 = arith.constant 0 : i32
    %dma_start3A_202 = tpu.memref_slice %arg6[%dma_start3A_199, %dma_start3A_201] : memref<64x128xi32, #tpu.memory_space<vmem>> -> memref<1x128xi32, #tpu.memory_space<vmem>>
    %dma_start3A_203 = tpu.memref_squeeze %dma_start3A_202 : memref<1x128xi32, #tpu.memory_space<vmem>> -> memref<128xi32, #tpu.memory_space<vmem>>
    %dma_start3A_204 = arith.constant 0 : i32
    %dma_start3A_205 = tpu.memref_slice %arg5[%dma_start3A_200, %dma_start3A_204] : memref<64x128xi32, #tpu.memory_space<vmem>> -> memref<1x128xi32, #tpu.memory_space<vmem>>
    %dma_start3A_206 = tpu.memref_squeeze %dma_start3A_205 : memref<1x128xi32, #tpu.memory_space<vmem>> -> memref<128xi32, #tpu.memory_space<vmem>>
    %dma_start3A_207 = arith.constant 0 : i32
    %dma_start3A_208 = tpu.memref_slice %arg7[%dma_start3A_207] : memref<147456xi32, #tpu.memory_space<vmem_shared>> -> memref<147456xi32, #tpu.memory_space<vmem_shared>>
    tpu.enqueue_indirect_dma source(%dma_start3A_203 : memref<128xi32, #tpu.memory_space<vmem>>) target(%dma_start3A_208 : memref<147456xi32, #tpu.memory_space<vmem_shared>>) offsets(%dma_start3A_206 : memref<128xi32, #tpu.memory_space<vmem>>) semaphore(%arg10 : memref<!tpu.dma_semaphore, #tpu.memory_space<semaphore_mem>>)
    %dma_start3A_209 = arith.constant 20 : i32
    %dma_start3A_210 = arith.constant 20 : i32
    %dma_start3A_211 = arith.constant 0 : i32
    %dma_start3A_212 = tpu.memref_slice %arg6[%dma_start3A_209, %dma_start3A_211] : memref<64x128xi32, #tpu.memory_space<vmem>> -> memref<1x128xi32, #tpu.memory_space<vmem>>
    %dma_start3A_213 = tpu.memref_squeeze %dma_start3A_212 : memref<1x128xi32, #tpu.memory_space<vmem>> -> memref<128xi32, #tpu.memory_space<vmem>>
    %dma_start3A_214 = arith.constant 0 : i32
    %dma_start3A_215 = tpu.memref_slice %arg5[%dma_start3A_210, %dma_start3A_214] : memref<64x128xi32, #tpu.memory_space<vmem>> -> memref<1x128xi32, #tpu.memory_space<vmem>>
    %dma_start3A_216 = tpu.memref_squeeze %dma_start3A_215 : memref<1x128xi32, #tpu.memory_space<vmem>> -> memref<128xi32, #tpu.memory_space<vmem>>
    %dma_start3A_217 = arith.constant 0 : i32
    %dma_start3A_218 = tpu.memref_slice %arg7[%dma_start3A_217] : memref<147456xi32, #tpu.memory_space<vmem_shared>> -> memref<147456xi32, #tpu.memory_space<vmem_shared>>
    tpu.enqueue_indirect_dma source(%dma_start3A_213 : memref<128xi32, #tpu.memory_space<vmem>>) target(%dma_start3A_218 : memref<147456xi32, #tpu.memory_space<vmem_shared>>) offsets(%dma_start3A_216 : memref<128xi32, #tpu.memory_space<vmem>>) semaphore(%arg10 : memref<!tpu.dma_semaphore, #tpu.memory_space<semaphore_mem>>)
    %dma_start3A_219 = arith.constant 21 : i32
    %dma_start3A_220 = arith.constant 21 : i32
    %dma_start3A_221 = arith.constant 0 : i32
    %dma_start3A_222 = tpu.memref_slice %arg6[%dma_start3A_219, %dma_start3A_221] : memref<64x128xi32, #tpu.memory_space<vmem>> -> memref<1x128xi32, #tpu.memory_space<vmem>>
    %dma_start3A_223 = tpu.memref_squeeze %dma_start3A_222 : memref<1x128xi32, #tpu.memory_space<vmem>> -> memref<128xi32, #tpu.memory_space<vmem>>
    %dma_start3A_224 = arith.constant 0 : i32
    %dma_start3A_225 = tpu.memref_slice %arg5[%dma_start3A_220, %dma_start3A_224] : memref<64x128xi32, #tpu.memory_space<vmem>> -> memref<1x128xi32, #tpu.memory_space<vmem>>
    %dma_start3A_226 = tpu.memref_squeeze %dma_start3A_225 : memref<1x128xi32, #tpu.memory_space<vmem>> -> memref<128xi32, #tpu.memory_space<vmem>>
    %dma_start3A_227 = arith.constant 0 : i32
    %dma_start3A_228 = tpu.memref_slice %arg7[%dma_start3A_227] : memref<147456xi32, #tpu.memory_space<vmem_shared>> -> memref<147456xi32, #tpu.memory_space<vmem_shared>>
    tpu.enqueue_indirect_dma source(%dma_start3A_223 : memref<128xi32, #tpu.memory_space<vmem>>) target(%dma_start3A_228 : memref<147456xi32, #tpu.memory_space<vmem_shared>>) offsets(%dma_start3A_226 : memref<128xi32, #tpu.memory_space<vmem>>) semaphore(%arg10 : memref<!tpu.dma_semaphore, #tpu.memory_space<semaphore_mem>>)
    %dma_start3A_229 = arith.constant 22 : i32
    %dma_start3A_230 = arith.constant 22 : i32
    %dma_start3A_231 = arith.constant 0 : i32
    %dma_start3A_232 = tpu.memref_slice %arg6[%dma_start3A_229, %dma_start3A_231] : memref<64x128xi32, #tpu.memory_space<vmem>> -> memref<1x128xi32, #tpu.memory_space<vmem>>
    %dma_start3A_233 = tpu.memref_squeeze %dma_start3A_232 : memref<1x128xi32, #tpu.memory_space<vmem>> -> memref<128xi32, #tpu.memory_space<vmem>>
    %dma_start3A_234 = arith.constant 0 : i32
    %dma_start3A_235 = tpu.memref_slice %arg5[%dma_start3A_230, %dma_start3A_234] : memref<64x128xi32, #tpu.memory_space<vmem>> -> memref<1x128xi32, #tpu.memory_space<vmem>>
    %dma_start3A_236 = tpu.memref_squeeze %dma_start3A_235 : memref<1x128xi32, #tpu.memory_space<vmem>> -> memref<128xi32, #tpu.memory_space<vmem>>
    %dma_start3A_237 = arith.constant 0 : i32
    %dma_start3A_238 = tpu.memref_slice %arg7[%dma_start3A_237] : memref<147456xi32, #tpu.memory_space<vmem_shared>> -> memref<147456xi32, #tpu.memory_space<vmem_shared>>
    tpu.enqueue_indirect_dma source(%dma_start3A_233 : memref<128xi32, #tpu.memory_space<vmem>>) target(%dma_start3A_238 : memref<147456xi32, #tpu.memory_space<vmem_shared>>) offsets(%dma_start3A_236 : memref<128xi32, #tpu.memory_space<vmem>>) semaphore(%arg10 : memref<!tpu.dma_semaphore, #tpu.memory_space<semaphore_mem>>)
    %dma_start3A_239 = arith.constant 23 : i32
    %dma_start3A_240 = arith.constant 23 : i32
    %dma_start3A_241 = arith.constant 0 : i32
    %dma_start3A_242 = tpu.memref_slice %arg6[%dma_start3A_239, %dma_start3A_241] : memref<64x128xi32, #tpu.memory_space<vmem>> -> memref<1x128xi32, #tpu.memory_space<vmem>>
    %dma_start3A_243 = tpu.memref_squeeze %dma_start3A_242 : memref<1x128xi32, #tpu.memory_space<vmem>> -> memref<128xi32, #tpu.memory_space<vmem>>
    %dma_start3A_244 = arith.constant 0 : i32
    %dma_start3A_245 = tpu.memref_slice %arg5[%dma_start3A_240, %dma_start3A_244] : memref<64x128xi32, #tpu.memory_space<vmem>> -> memref<1x128xi32, #tpu.memory_space<vmem>>
    %dma_start3A_246 = tpu.memref_squeeze %dma_start3A_245 : memref<1x128xi32, #tpu.memory_space<vmem>> -> memref<128xi32, #tpu.memory_space<vmem>>
    %dma_start3A_247 = arith.constant 0 : i32
    %dma_start3A_248 = tpu.memref_slice %arg7[%dma_start3A_247] : memref<147456xi32, #tpu.memory_space<vmem_shared>> -> memref<147456xi32, #tpu.memory_space<vmem_shared>>
    tpu.enqueue_indirect_dma source(%dma_start3A_243 : memref<128xi32, #tpu.memory_space<vmem>>) target(%dma_start3A_248 : memref<147456xi32, #tpu.memory_space<vmem_shared>>) offsets(%dma_start3A_246 : memref<128xi32, #tpu.memory_space<vmem>>) semaphore(%arg10 : memref<!tpu.dma_semaphore, #tpu.memory_space<semaphore_mem>>)
    %dma_start3A_249 = arith.constant 24 : i32
    %dma_start3A_250 = arith.constant 24 : i32
    %dma_start3A_251 = arith.constant 0 : i32
    %dma_start3A_252 = tpu.memref_slice %arg6[%dma_start3A_249, %dma_start3A_251] : memref<64x128xi32, #tpu.memory_space<vmem>> -> memref<1x128xi32, #tpu.memory_space<vmem>>
    %dma_start3A_253 = tpu.memref_squeeze %dma_start3A_252 : memref<1x128xi32, #tpu.memory_space<vmem>> -> memref<128xi32, #tpu.memory_space<vmem>>
    %dma_start3A_254 = arith.constant 0 : i32
    %dma_start3A_255 = tpu.memref_slice %arg5[%dma_start3A_250, %dma_start3A_254] : memref<64x128xi32, #tpu.memory_space<vmem>> -> memref<1x128xi32, #tpu.memory_space<vmem>>
    %dma_start3A_256 = tpu.memref_squeeze %dma_start3A_255 : memref<1x128xi32, #tpu.memory_space<vmem>> -> memref<128xi32, #tpu.memory_space<vmem>>
    %dma_start3A_257 = arith.constant 0 : i32
    %dma_start3A_258 = tpu.memref_slice %arg7[%dma_start3A_257] : memref<147456xi32, #tpu.memory_space<vmem_shared>> -> memref<147456xi32, #tpu.memory_space<vmem_shared>>
    tpu.enqueue_indirect_dma source(%dma_start3A_253 : memref<128xi32, #tpu.memory_space<vmem>>) target(%dma_start3A_258 : memref<147456xi32, #tpu.memory_space<vmem_shared>>) offsets(%dma_start3A_256 : memref<128xi32, #tpu.memory_space<vmem>>) semaphore(%arg10 : memref<!tpu.dma_semaphore, #tpu.memory_space<semaphore_mem>>)
    %dma_start3A_259 = arith.constant 25 : i32
    %dma_start3A_260 = arith.constant 25 : i32
    %dma_start3A_261 = arith.constant 0 : i32
    %dma_start3A_262 = tpu.memref_slice %arg6[%dma_start3A_259, %dma_start3A_261] : memref<64x128xi32, #tpu.memory_space<vmem>> -> memref<1x128xi32, #tpu.memory_space<vmem>>
    %dma_start3A_263 = tpu.memref_squeeze %dma_start3A_262 : memref<1x128xi32, #tpu.memory_space<vmem>> -> memref<128xi32, #tpu.memory_space<vmem>>
    %dma_start3A_264 = arith.constant 0 : i32
    %dma_start3A_265 = tpu.memref_slice %arg5[%dma_start3A_260, %dma_start3A_264] : memref<64x128xi32, #tpu.memory_space<vmem>> -> memref<1x128xi32, #tpu.memory_space<vmem>>
    %dma_start3A_266 = tpu.memref_squeeze %dma_start3A_265 : memref<1x128xi32, #tpu.memory_space<vmem>> -> memref<128xi32, #tpu.memory_space<vmem>>
    %dma_start3A_267 = arith.constant 0 : i32
    %dma_start3A_268 = tpu.memref_slice %arg7[%dma_start3A_267] : memref<147456xi32, #tpu.memory_space<vmem_shared>> -> memref<147456xi32, #tpu.memory_space<vmem_shared>>
    tpu.enqueue_indirect_dma source(%dma_start3A_263 : memref<128xi32, #tpu.memory_space<vmem>>) target(%dma_start3A_268 : memref<147456xi32, #tpu.memory_space<vmem_shared>>) offsets(%dma_start3A_266 : memref<128xi32, #tpu.memory_space<vmem>>) semaphore(%arg10 : memref<!tpu.dma_semaphore, #tpu.memory_space<semaphore_mem>>)
    %dma_start3A_269 = arith.constant 26 : i32
    %dma_start3A_270 = arith.constant 26 : i32
    %dma_start3A_271 = arith.constant 0 : i32
    %dma_start3A_272 = tpu.memref_slice %arg6[%dma_start3A_269, %dma_start3A_271] : memref<64x128xi32, #tpu.memory_space<vmem>> -> memref<1x128xi32, #tpu.memory_space<vmem>>
    %dma_start3A_273 = tpu.memref_squeeze %dma_start3A_272 : memref<1x128xi32, #tpu.memory_space<vmem>> -> memref<128xi32, #tpu.memory_space<vmem>>
    %dma_start3A_274 = arith.constant 0 : i32
    %dma_start3A_275 = tpu.memref_slice %arg5[%dma_start3A_270, %dma_start3A_274] : memref<64x128xi32, #tpu.memory_space<vmem>> -> memref<1x128xi32, #tpu.memory_space<vmem>>
    %dma_start3A_276 = tpu.memref_squeeze %dma_start3A_275 : memref<1x128xi32, #tpu.memory_space<vmem>> -> memref<128xi32, #tpu.memory_space<vmem>>
    %dma_start3A_277 = arith.constant 0 : i32
    %dma_start3A_278 = tpu.memref_slice %arg7[%dma_start3A_277] : memref<147456xi32, #tpu.memory_space<vmem_shared>> -> memref<147456xi32, #tpu.memory_space<vmem_shared>>
    tpu.enqueue_indirect_dma source(%dma_start3A_273 : memref<128xi32, #tpu.memory_space<vmem>>) target(%dma_start3A_278 : memref<147456xi32, #tpu.memory_space<vmem_shared>>) offsets(%dma_start3A_276 : memref<128xi32, #tpu.memory_space<vmem>>) semaphore(%arg10 : memref<!tpu.dma_semaphore, #tpu.memory_space<semaphore_mem>>)
    %dma_start3A_279 = arith.constant 27 : i32
    %dma_start3A_280 = arith.constant 27 : i32
    %dma_start3A_281 = arith.constant 0 : i32
    %dma_start3A_282 = tpu.memref_slice %arg6[%dma_start3A_279, %dma_start3A_281] : memref<64x128xi32, #tpu.memory_space<vmem>> -> memref<1x128xi32, #tpu.memory_space<vmem>>
    %dma_start3A_283 = tpu.memref_squeeze %dma_start3A_282 : memref<1x128xi32, #tpu.memory_space<vmem>> -> memref<128xi32, #tpu.memory_space<vmem>>
    %dma_start3A_284 = arith.constant 0 : i32
    %dma_start3A_285 = tpu.memref_slice %arg5[%dma_start3A_280, %dma_start3A_284] : memref<64x128xi32, #tpu.memory_space<vmem>> -> memref<1x128xi32, #tpu.memory_space<vmem>>
    %dma_start3A_286 = tpu.memref_squeeze %dma_start3A_285 : memref<1x128xi32, #tpu.memory_space<vmem>> -> memref<128xi32, #tpu.memory_space<vmem>>
    %dma_start3A_287 = arith.constant 0 : i32
    %dma_start3A_288 = tpu.memref_slice %arg7[%dma_start3A_287] : memref<147456xi32, #tpu.memory_space<vmem_shared>> -> memref<147456xi32, #tpu.memory_space<vmem_shared>>
    tpu.enqueue_indirect_dma source(%dma_start3A_283 : memref<128xi32, #tpu.memory_space<vmem>>) target(%dma_start3A_288 : memref<147456xi32, #tpu.memory_space<vmem_shared>>) offsets(%dma_start3A_286 : memref<128xi32, #tpu.memory_space<vmem>>) semaphore(%arg10 : memref<!tpu.dma_semaphore, #tpu.memory_space<semaphore_mem>>)
    %dma_start3A_289 = arith.constant 28 : i32
    %dma_start3A_290 = arith.constant 28 : i32
    %dma_start3A_291 = arith.constant 0 : i32
    %dma_start3A_292 = tpu.memref_slice %arg6[%dma_start3A_289, %dma_start3A_291] : memref<64x128xi32, #tpu.memory_space<vmem>> -> memref<1x128xi32, #tpu.memory_space<vmem>>
    %dma_start3A_293 = tpu.memref_squeeze %dma_start3A_292 : memref<1x128xi32, #tpu.memory_space<vmem>> -> memref<128xi32, #tpu.memory_space<vmem>>
    %dma_start3A_294 = arith.constant 0 : i32
    %dma_start3A_295 = tpu.memref_slice %arg5[%dma_start3A_290, %dma_start3A_294] : memref<64x128xi32, #tpu.memory_space<vmem>> -> memref<1x128xi32, #tpu.memory_space<vmem>>
    %dma_start3A_296 = tpu.memref_squeeze %dma_start3A_295 : memref<1x128xi32, #tpu.memory_space<vmem>> -> memref<128xi32, #tpu.memory_space<vmem>>
    %dma_start3A_297 = arith.constant 0 : i32
    %dma_start3A_298 = tpu.memref_slice %arg7[%dma_start3A_297] : memref<147456xi32, #tpu.memory_space<vmem_shared>> -> memref<147456xi32, #tpu.memory_space<vmem_shared>>
    tpu.enqueue_indirect_dma source(%dma_start3A_293 : memref<128xi32, #tpu.memory_space<vmem>>) target(%dma_start3A_298 : memref<147456xi32, #tpu.memory_space<vmem_shared>>) offsets(%dma_start3A_296 : memref<128xi32, #tpu.memory_space<vmem>>) semaphore(%arg10 : memref<!tpu.dma_semaphore, #tpu.memory_space<semaphore_mem>>)
    %dma_start3A_299 = arith.constant 29 : i32
    %dma_start3A_300 = arith.constant 29 : i32
    %dma_start3A_301 = arith.constant 0 : i32
    %dma_start3A_302 = tpu.memref_slice %arg6[%dma_start3A_299, %dma_start3A_301] : memref<64x128xi32, #tpu.memory_space<vmem>> -> memref<1x128xi32, #tpu.memory_space<vmem>>
    %dma_start3A_303 = tpu.memref_squeeze %dma_start3A_302 : memref<1x128xi32, #tpu.memory_space<vmem>> -> memref<128xi32, #tpu.memory_space<vmem>>
    %dma_start3A_304 = arith.constant 0 : i32
    %dma_start3A_305 = tpu.memref_slice %arg5[%dma_start3A_300, %dma_start3A_304] : memref<64x128xi32, #tpu.memory_space<vmem>> -> memref<1x128xi32, #tpu.memory_space<vmem>>
    %dma_start3A_306 = tpu.memref_squeeze %dma_start3A_305 : memref<1x128xi32, #tpu.memory_space<vmem>> -> memref<128xi32, #tpu.memory_space<vmem>>
    %dma_start3A_307 = arith.constant 0 : i32
    %dma_start3A_308 = tpu.memref_slice %arg7[%dma_start3A_307] : memref<147456xi32, #tpu.memory_space<vmem_shared>> -> memref<147456xi32, #tpu.memory_space<vmem_shared>>
    tpu.enqueue_indirect_dma source(%dma_start3A_303 : memref<128xi32, #tpu.memory_space<vmem>>) target(%dma_start3A_308 : memref<147456xi32, #tpu.memory_space<vmem_shared>>) offsets(%dma_start3A_306 : memref<128xi32, #tpu.memory_space<vmem>>) semaphore(%arg10 : memref<!tpu.dma_semaphore, #tpu.memory_space<semaphore_mem>>)
    %dma_start3A_309 = arith.constant 30 : i32
    %dma_start3A_310 = arith.constant 30 : i32
    %dma_start3A_311 = arith.constant 0 : i32
    %dma_start3A_312 = tpu.memref_slice %arg6[%dma_start3A_309, %dma_start3A_311] : memref<64x128xi32, #tpu.memory_space<vmem>> -> memref<1x128xi32, #tpu.memory_space<vmem>>
    %dma_start3A_313 = tpu.memref_squeeze %dma_start3A_312 : memref<1x128xi32, #tpu.memory_space<vmem>> -> memref<128xi32, #tpu.memory_space<vmem>>
    %dma_start3A_314 = arith.constant 0 : i32
    %dma_start3A_315 = tpu.memref_slice %arg5[%dma_start3A_310, %dma_start3A_314] : memref<64x128xi32, #tpu.memory_space<vmem>> -> memref<1x128xi32, #tpu.memory_space<vmem>>
    %dma_start3A_316 = tpu.memref_squeeze %dma_start3A_315 : memref<1x128xi32, #tpu.memory_space<vmem>> -> memref<128xi32, #tpu.memory_space<vmem>>
    %dma_start3A_317 = arith.constant 0 : i32
    %dma_start3A_318 = tpu.memref_slice %arg7[%dma_start3A_317] : memref<147456xi32, #tpu.memory_space<vmem_shared>> -> memref<147456xi32, #tpu.memory_space<vmem_shared>>
    tpu.enqueue_indirect_dma source(%dma_start3A_313 : memref<128xi32, #tpu.memory_space<vmem>>) target(%dma_start3A_318 : memref<147456xi32, #tpu.memory_space<vmem_shared>>) offsets(%dma_start3A_316 : memref<128xi32, #tpu.memory_space<vmem>>) semaphore(%arg10 : memref<!tpu.dma_semaphore, #tpu.memory_space<semaphore_mem>>)
    %dma_start3A_319 = arith.constant 31 : i32
    %dma_start3A_320 = arith.constant 31 : i32
    %dma_start3A_321 = arith.constant 0 : i32
    %dma_start3A_322 = tpu.memref_slice %arg6[%dma_start3A_319, %dma_start3A_321] : memref<64x128xi32, #tpu.memory_space<vmem>> -> memref<1x128xi32, #tpu.memory_space<vmem>>
    %dma_start3A_323 = tpu.memref_squeeze %dma_start3A_322 : memref<1x128xi32, #tpu.memory_space<vmem>> -> memref<128xi32, #tpu.memory_space<vmem>>
    %dma_start3A_324 = arith.constant 0 : i32
    %dma_start3A_325 = tpu.memref_slice %arg5[%dma_start3A_320, %dma_start3A_324] : memref<64x128xi32, #tpu.memory_space<vmem>> -> memref<1x128xi32, #tpu.memory_space<vmem>>
    %dma_start3A_326 = tpu.memref_squeeze %dma_start3A_325 : memref<1x128xi32, #tpu.memory_space<vmem>> -> memref<128xi32, #tpu.memory_space<vmem>>
    %dma_start3A_327 = arith.constant 0 : i32
    %dma_start3A_328 = tpu.memref_slice %arg7[%dma_start3A_327] : memref<147456xi32, #tpu.memory_space<vmem_shared>> -> memref<147456xi32, #tpu.memory_space<vmem_shared>>
    tpu.enqueue_indirect_dma source(%dma_start3A_323 : memref<128xi32, #tpu.memory_space<vmem>>) target(%dma_start3A_328 : memref<147456xi32, #tpu.memory_space<vmem_shared>>) offsets(%dma_start3A_326 : memref<128xi32, #tpu.memory_space<vmem>>) semaphore(%arg10 : memref<!tpu.dma_semaphore, #tpu.memory_space<semaphore_mem>>)
    %dma_start3A_329 = arith.constant 32 : i32
    %dma_start3A_330 = arith.constant 32 : i32
    %dma_start3A_331 = arith.constant 0 : i32
    %dma_start3A_332 = tpu.memref_slice %arg6[%dma_start3A_329, %dma_start3A_331] : memref<64x128xi32, #tpu.memory_space<vmem>> -> memref<1x128xi32, #tpu.memory_space<vmem>>
    %dma_start3A_333 = tpu.memref_squeeze %dma_start3A_332 : memref<1x128xi32, #tpu.memory_space<vmem>> -> memref<128xi32, #tpu.memory_space<vmem>>
    %dma_start3A_334 = arith.constant 0 : i32
    %dma_start3A_335 = tpu.memref_slice %arg5[%dma_start3A_330, %dma_start3A_334] : memref<64x128xi32, #tpu.memory_space<vmem>> -> memref<1x128xi32, #tpu.memory_space<vmem>>
    %dma_start3A_336 = tpu.memref_squeeze %dma_start3A_335 : memref<1x128xi32, #tpu.memory_space<vmem>> -> memref<128xi32, #tpu.memory_space<vmem>>
    %dma_start3A_337 = arith.constant 0 : i32
    %dma_start3A_338 = tpu.memref_slice %arg7[%dma_start3A_337] : memref<147456xi32, #tpu.memory_space<vmem_shared>> -> memref<147456xi32, #tpu.memory_space<vmem_shared>>
    tpu.enqueue_indirect_dma source(%dma_start3A_333 : memref<128xi32, #tpu.memory_space<vmem>>) target(%dma_start3A_338 : memref<147456xi32, #tpu.memory_space<vmem_shared>>) offsets(%dma_start3A_336 : memref<128xi32, #tpu.memory_space<vmem>>) semaphore(%arg10 : memref<!tpu.dma_semaphore, #tpu.memory_space<semaphore_mem>>)
    %dma_start3A_339 = arith.constant 33 : i32
    %dma_start3A_340 = arith.constant 33 : i32
    %dma_start3A_341 = arith.constant 0 : i32
    %dma_start3A_342 = tpu.memref_slice %arg6[%dma_start3A_339, %dma_start3A_341] : memref<64x128xi32, #tpu.memory_space<vmem>> -> memref<1x128xi32, #tpu.memory_space<vmem>>
    %dma_start3A_343 = tpu.memref_squeeze %dma_start3A_342 : memref<1x128xi32, #tpu.memory_space<vmem>> -> memref<128xi32, #tpu.memory_space<vmem>>
    %dma_start3A_344 = arith.constant 0 : i32
    %dma_start3A_345 = tpu.memref_slice %arg5[%dma_start3A_340, %dma_start3A_344] : memref<64x128xi32, #tpu.memory_space<vmem>> -> memref<1x128xi32, #tpu.memory_space<vmem>>
    %dma_start3A_346 = tpu.memref_squeeze %dma_start3A_345 : memref<1x128xi32, #tpu.memory_space<vmem>> -> memref<128xi32, #tpu.memory_space<vmem>>
    %dma_start3A_347 = arith.constant 0 : i32
    %dma_start3A_348 = tpu.memref_slice %arg7[%dma_start3A_347] : memref<147456xi32, #tpu.memory_space<vmem_shared>> -> memref<147456xi32, #tpu.memory_space<vmem_shared>>
    tpu.enqueue_indirect_dma source(%dma_start3A_343 : memref<128xi32, #tpu.memory_space<vmem>>) target(%dma_start3A_348 : memref<147456xi32, #tpu.memory_space<vmem_shared>>) offsets(%dma_start3A_346 : memref<128xi32, #tpu.memory_space<vmem>>) semaphore(%arg10 : memref<!tpu.dma_semaphore, #tpu.memory_space<semaphore_mem>>)
    %dma_start3A_349 = arith.constant 34 : i32
    %dma_start3A_350 = arith.constant 34 : i32
    %dma_start3A_351 = arith.constant 0 : i32
    %dma_start3A_352 = tpu.memref_slice %arg6[%dma_start3A_349, %dma_start3A_351] : memref<64x128xi32, #tpu.memory_space<vmem>> -> memref<1x128xi32, #tpu.memory_space<vmem>>
    %dma_start3A_353 = tpu.memref_squeeze %dma_start3A_352 : memref<1x128xi32, #tpu.memory_space<vmem>> -> memref<128xi32, #tpu.memory_space<vmem>>
    %dma_start3A_354 = arith.constant 0 : i32
    %dma_start3A_355 = tpu.memref_slice %arg5[%dma_start3A_350, %dma_start3A_354] : memref<64x128xi32, #tpu.memory_space<vmem>> -> memref<1x128xi32, #tpu.memory_space<vmem>>
    %dma_start3A_356 = tpu.memref_squeeze %dma_start3A_355 : memref<1x128xi32, #tpu.memory_space<vmem>> -> memref<128xi32, #tpu.memory_space<vmem>>
    %dma_start3A_357 = arith.constant 0 : i32
    %dma_start3A_358 = tpu.memref_slice %arg7[%dma_start3A_357] : memref<147456xi32, #tpu.memory_space<vmem_shared>> -> memref<147456xi32, #tpu.memory_space<vmem_shared>>
    tpu.enqueue_indirect_dma source(%dma_start3A_353 : memref<128xi32, #tpu.memory_space<vmem>>) target(%dma_start3A_358 : memref<147456xi32, #tpu.memory_space<vmem_shared>>) offsets(%dma_start3A_356 : memref<128xi32, #tpu.memory_space<vmem>>) semaphore(%arg10 : memref<!tpu.dma_semaphore, #tpu.memory_space<semaphore_mem>>)
    %dma_start3A_359 = arith.constant 35 : i32
    %dma_start3A_360 = arith.constant 35 : i32
    %dma_start3A_361 = arith.constant 0 : i32
    %dma_start3A_362 = tpu.memref_slice %arg6[%dma_start3A_359, %dma_start3A_361] : memref<64x128xi32, #tpu.memory_space<vmem>> -> memref<1x128xi32, #tpu.memory_space<vmem>>
    %dma_start3A_363 = tpu.memref_squeeze %dma_start3A_362 : memref<1x128xi32, #tpu.memory_space<vmem>> -> memref<128xi32, #tpu.memory_space<vmem>>
    %dma_start3A_364 = arith.constant 0 : i32
    %dma_start3A_365 = tpu.memref_slice %arg5[%dma_start3A_360, %dma_start3A_364] : memref<64x128xi32, #tpu.memory_space<vmem>> -> memref<1x128xi32, #tpu.memory_space<vmem>>
    %dma_start3A_366 = tpu.memref_squeeze %dma_start3A_365 : memref<1x128xi32, #tpu.memory_space<vmem>> -> memref<128xi32, #tpu.memory_space<vmem>>
    %dma_start3A_367 = arith.constant 0 : i32
    %dma_start3A_368 = tpu.memref_slice %arg7[%dma_start3A_367] : memref<147456xi32, #tpu.memory_space<vmem_shared>> -> memref<147456xi32, #tpu.memory_space<vmem_shared>>
    tpu.enqueue_indirect_dma source(%dma_start3A_363 : memref<128xi32, #tpu.memory_space<vmem>>) target(%dma_start3A_368 : memref<147456xi32, #tpu.memory_space<vmem_shared>>) offsets(%dma_start3A_366 : memref<128xi32, #tpu.memory_space<vmem>>) semaphore(%arg10 : memref<!tpu.dma_semaphore, #tpu.memory_space<semaphore_mem>>)
    %dma_start3A_369 = arith.constant 36 : i32
    %dma_start3A_370 = arith.constant 36 : i32
    %dma_start3A_371 = arith.constant 0 : i32
    %dma_start3A_372 = tpu.memref_slice %arg6[%dma_start3A_369, %dma_start3A_371] : memref<64x128xi32, #tpu.memory_space<vmem>> -> memref<1x128xi32, #tpu.memory_space<vmem>>
    %dma_start3A_373 = tpu.memref_squeeze %dma_start3A_372 : memref<1x128xi32, #tpu.memory_space<vmem>> -> memref<128xi32, #tpu.memory_space<vmem>>
    %dma_start3A_374 = arith.constant 0 : i32
    %dma_start3A_375 = tpu.memref_slice %arg5[%dma_start3A_370, %dma_start3A_374] : memref<64x128xi32, #tpu.memory_space<vmem>> -> memref<1x128xi32, #tpu.memory_space<vmem>>
    %dma_start3A_376 = tpu.memref_squeeze %dma_start3A_375 : memref<1x128xi32, #tpu.memory_space<vmem>> -> memref<128xi32, #tpu.memory_space<vmem>>
    %dma_start3A_377 = arith.constant 0 : i32
    %dma_start3A_378 = tpu.memref_slice %arg7[%dma_start3A_377] : memref<147456xi32, #tpu.memory_space<vmem_shared>> -> memref<147456xi32, #tpu.memory_space<vmem_shared>>
    tpu.enqueue_indirect_dma source(%dma_start3A_373 : memref<128xi32, #tpu.memory_space<vmem>>) target(%dma_start3A_378 : memref<147456xi32, #tpu.memory_space<vmem_shared>>) offsets(%dma_start3A_376 : memref<128xi32, #tpu.memory_space<vmem>>) semaphore(%arg10 : memref<!tpu.dma_semaphore, #tpu.memory_space<semaphore_mem>>)
    %dma_start3A_379 = arith.constant 37 : i32
    %dma_start3A_380 = arith.constant 37 : i32
    %dma_start3A_381 = arith.constant 0 : i32
    %dma_start3A_382 = tpu.memref_slice %arg6[%dma_start3A_379, %dma_start3A_381] : memref<64x128xi32, #tpu.memory_space<vmem>> -> memref<1x128xi32, #tpu.memory_space<vmem>>
    %dma_start3A_383 = tpu.memref_squeeze %dma_start3A_382 : memref<1x128xi32, #tpu.memory_space<vmem>> -> memref<128xi32, #tpu.memory_space<vmem>>
    %dma_start3A_384 = arith.constant 0 : i32
    %dma_start3A_385 = tpu.memref_slice %arg5[%dma_start3A_380, %dma_start3A_384] : memref<64x128xi32, #tpu.memory_space<vmem>> -> memref<1x128xi32, #tpu.memory_space<vmem>>
    %dma_start3A_386 = tpu.memref_squeeze %dma_start3A_385 : memref<1x128xi32, #tpu.memory_space<vmem>> -> memref<128xi32, #tpu.memory_space<vmem>>
    %dma_start3A_387 = arith.constant 0 : i32
    %dma_start3A_388 = tpu.memref_slice %arg7[%dma_start3A_387] : memref<147456xi32, #tpu.memory_space<vmem_shared>> -> memref<147456xi32, #tpu.memory_space<vmem_shared>>
    tpu.enqueue_indirect_dma source(%dma_start3A_383 : memref<128xi32, #tpu.memory_space<vmem>>) target(%dma_start3A_388 : memref<147456xi32, #tpu.memory_space<vmem_shared>>) offsets(%dma_start3A_386 : memref<128xi32, #tpu.memory_space<vmem>>) semaphore(%arg10 : memref<!tpu.dma_semaphore, #tpu.memory_space<semaphore_mem>>)
    %dma_start3A_389 = arith.constant 38 : i32
    %dma_start3A_390 = arith.constant 38 : i32
    %dma_start3A_391 = arith.constant 0 : i32
    %dma_start3A_392 = tpu.memref_slice %arg6[%dma_start3A_389, %dma_start3A_391] : memref<64x128xi32, #tpu.memory_space<vmem>> -> memref<1x128xi32, #tpu.memory_space<vmem>>
    %dma_start3A_393 = tpu.memref_squeeze %dma_start3A_392 : memref<1x128xi32, #tpu.memory_space<vmem>> -> memref<128xi32, #tpu.memory_space<vmem>>
    %dma_start3A_394 = arith.constant 0 : i32
    %dma_start3A_395 = tpu.memref_slice %arg5[%dma_start3A_390, %dma_start3A_394] : memref<64x128xi32, #tpu.memory_space<vmem>> -> memref<1x128xi32, #tpu.memory_space<vmem>>
    %dma_start3A_396 = tpu.memref_squeeze %dma_start3A_395 : memref<1x128xi32, #tpu.memory_space<vmem>> -> memref<128xi32, #tpu.memory_space<vmem>>
    %dma_start3A_397 = arith.constant 0 : i32
    %dma_start3A_398 = tpu.memref_slice %arg7[%dma_start3A_397] : memref<147456xi32, #tpu.memory_space<vmem_shared>> -> memref<147456xi32, #tpu.memory_space<vmem_shared>>
    tpu.enqueue_indirect_dma source(%dma_start3A_393 : memref<128xi32, #tpu.memory_space<vmem>>) target(%dma_start3A_398 : memref<147456xi32, #tpu.memory_space<vmem_shared>>) offsets(%dma_start3A_396 : memref<128xi32, #tpu.memory_space<vmem>>) semaphore(%arg10 : memref<!tpu.dma_semaphore, #tpu.memory_space<semaphore_mem>>)
    %dma_start3A_399 = arith.constant 39 : i32
    %dma_start3A_400 = arith.constant 39 : i32
    %dma_start3A_401 = arith.constant 0 : i32
    %dma_start3A_402 = tpu.memref_slice %arg6[%dma_start3A_399, %dma_start3A_401] : memref<64x128xi32, #tpu.memory_space<vmem>> -> memref<1x128xi32, #tpu.memory_space<vmem>>
    %dma_start3A_403 = tpu.memref_squeeze %dma_start3A_402 : memref<1x128xi32, #tpu.memory_space<vmem>> -> memref<128xi32, #tpu.memory_space<vmem>>
    %dma_start3A_404 = arith.constant 0 : i32
    %dma_start3A_405 = tpu.memref_slice %arg5[%dma_start3A_400, %dma_start3A_404] : memref<64x128xi32, #tpu.memory_space<vmem>> -> memref<1x128xi32, #tpu.memory_space<vmem>>
    %dma_start3A_406 = tpu.memref_squeeze %dma_start3A_405 : memref<1x128xi32, #tpu.memory_space<vmem>> -> memref<128xi32, #tpu.memory_space<vmem>>
    %dma_start3A_407 = arith.constant 0 : i32
    %dma_start3A_408 = tpu.memref_slice %arg7[%dma_start3A_407] : memref<147456xi32, #tpu.memory_space<vmem_shared>> -> memref<147456xi32, #tpu.memory_space<vmem_shared>>
    tpu.enqueue_indirect_dma source(%dma_start3A_403 : memref<128xi32, #tpu.memory_space<vmem>>) target(%dma_start3A_408 : memref<147456xi32, #tpu.memory_space<vmem_shared>>) offsets(%dma_start3A_406 : memref<128xi32, #tpu.memory_space<vmem>>) semaphore(%arg10 : memref<!tpu.dma_semaphore, #tpu.memory_space<semaphore_mem>>)
    %dma_start3A_409 = arith.constant 40 : i32
    %dma_start3A_410 = arith.constant 40 : i32
    %dma_start3A_411 = arith.constant 0 : i32
    %dma_start3A_412 = tpu.memref_slice %arg6[%dma_start3A_409, %dma_start3A_411] : memref<64x128xi32, #tpu.memory_space<vmem>> -> memref<1x128xi32, #tpu.memory_space<vmem>>
    %dma_start3A_413 = tpu.memref_squeeze %dma_start3A_412 : memref<1x128xi32, #tpu.memory_space<vmem>> -> memref<128xi32, #tpu.memory_space<vmem>>
    %dma_start3A_414 = arith.constant 0 : i32
    %dma_start3A_415 = tpu.memref_slice %arg5[%dma_start3A_410, %dma_start3A_414] : memref<64x128xi32, #tpu.memory_space<vmem>> -> memref<1x128xi32, #tpu.memory_space<vmem>>
    %dma_start3A_416 = tpu.memref_squeeze %dma_start3A_415 : memref<1x128xi32, #tpu.memory_space<vmem>> -> memref<128xi32, #tpu.memory_space<vmem>>
    %dma_start3A_417 = arith.constant 0 : i32
    %dma_start3A_418 = tpu.memref_slice %arg7[%dma_start3A_417] : memref<147456xi32, #tpu.memory_space<vmem_shared>> -> memref<147456xi32, #tpu.memory_space<vmem_shared>>
    tpu.enqueue_indirect_dma source(%dma_start3A_413 : memref<128xi32, #tpu.memory_space<vmem>>) target(%dma_start3A_418 : memref<147456xi32, #tpu.memory_space<vmem_shared>>) offsets(%dma_start3A_416 : memref<128xi32, #tpu.memory_space<vmem>>) semaphore(%arg10 : memref<!tpu.dma_semaphore, #tpu.memory_space<semaphore_mem>>)
    %dma_start3A_419 = arith.constant 41 : i32
    %dma_start3A_420 = arith.constant 41 : i32
    %dma_start3A_421 = arith.constant 0 : i32
    %dma_start3A_422 = tpu.memref_slice %arg6[%dma_start3A_419, %dma_start3A_421] : memref<64x128xi32, #tpu.memory_space<vmem>> -> memref<1x128xi32, #tpu.memory_space<vmem>>
    %dma_start3A_423 = tpu.memref_squeeze %dma_start3A_422 : memref<1x128xi32, #tpu.memory_space<vmem>> -> memref<128xi32, #tpu.memory_space<vmem>>
    %dma_start3A_424 = arith.constant 0 : i32
    %dma_start3A_425 = tpu.memref_slice %arg5[%dma_start3A_420, %dma_start3A_424] : memref<64x128xi32, #tpu.memory_space<vmem>> -> memref<1x128xi32, #tpu.memory_space<vmem>>
    %dma_start3A_426 = tpu.memref_squeeze %dma_start3A_425 : memref<1x128xi32, #tpu.memory_space<vmem>> -> memref<128xi32, #tpu.memory_space<vmem>>
    %dma_start3A_427 = arith.constant 0 : i32
    %dma_start3A_428 = tpu.memref_slice %arg7[%dma_start3A_427] : memref<147456xi32, #tpu.memory_space<vmem_shared>> -> memref<147456xi32, #tpu.memory_space<vmem_shared>>
    tpu.enqueue_indirect_dma source(%dma_start3A_423 : memref<128xi32, #tpu.memory_space<vmem>>) target(%dma_start3A_428 : memref<147456xi32, #tpu.memory_space<vmem_shared>>) offsets(%dma_start3A_426 : memref<128xi32, #tpu.memory_space<vmem>>) semaphore(%arg10 : memref<!tpu.dma_semaphore, #tpu.memory_space<semaphore_mem>>)
    %dma_start3A_429 = arith.constant 42 : i32
    %dma_start3A_430 = arith.constant 42 : i32
    %dma_start3A_431 = arith.constant 0 : i32
    %dma_start3A_432 = tpu.memref_slice %arg6[%dma_start3A_429, %dma_start3A_431] : memref<64x128xi32, #tpu.memory_space<vmem>> -> memref<1x128xi32, #tpu.memory_space<vmem>>
    %dma_start3A_433 = tpu.memref_squeeze %dma_start3A_432 : memref<1x128xi32, #tpu.memory_space<vmem>> -> memref<128xi32, #tpu.memory_space<vmem>>
    %dma_start3A_434 = arith.constant 0 : i32
    %dma_start3A_435 = tpu.memref_slice %arg5[%dma_start3A_430, %dma_start3A_434] : memref<64x128xi32, #tpu.memory_space<vmem>> -> memref<1x128xi32, #tpu.memory_space<vmem>>
    %dma_start3A_436 = tpu.memref_squeeze %dma_start3A_435 : memref<1x128xi32, #tpu.memory_space<vmem>> -> memref<128xi32, #tpu.memory_space<vmem>>
    %dma_start3A_437 = arith.constant 0 : i32
    %dma_start3A_438 = tpu.memref_slice %arg7[%dma_start3A_437] : memref<147456xi32, #tpu.memory_space<vmem_shared>> -> memref<147456xi32, #tpu.memory_space<vmem_shared>>
    tpu.enqueue_indirect_dma source(%dma_start3A_433 : memref<128xi32, #tpu.memory_space<vmem>>) target(%dma_start3A_438 : memref<147456xi32, #tpu.memory_space<vmem_shared>>) offsets(%dma_start3A_436 : memref<128xi32, #tpu.memory_space<vmem>>) semaphore(%arg10 : memref<!tpu.dma_semaphore, #tpu.memory_space<semaphore_mem>>)
    %dma_start3A_439 = arith.constant 43 : i32
    %dma_start3A_440 = arith.constant 43 : i32
    %dma_start3A_441 = arith.constant 0 : i32
    %dma_start3A_442 = tpu.memref_slice %arg6[%dma_start3A_439, %dma_start3A_441] : memref<64x128xi32, #tpu.memory_space<vmem>> -> memref<1x128xi32, #tpu.memory_space<vmem>>
    %dma_start3A_443 = tpu.memref_squeeze %dma_start3A_442 : memref<1x128xi32, #tpu.memory_space<vmem>> -> memref<128xi32, #tpu.memory_space<vmem>>
    %dma_start3A_444 = arith.constant 0 : i32
    %dma_start3A_445 = tpu.memref_slice %arg5[%dma_start3A_440, %dma_start3A_444] : memref<64x128xi32, #tpu.memory_space<vmem>> -> memref<1x128xi32, #tpu.memory_space<vmem>>
    %dma_start3A_446 = tpu.memref_squeeze %dma_start3A_445 : memref<1x128xi32, #tpu.memory_space<vmem>> -> memref<128xi32, #tpu.memory_space<vmem>>
    %dma_start3A_447 = arith.constant 0 : i32
    %dma_start3A_448 = tpu.memref_slice %arg7[%dma_start3A_447] : memref<147456xi32, #tpu.memory_space<vmem_shared>> -> memref<147456xi32, #tpu.memory_space<vmem_shared>>
    tpu.enqueue_indirect_dma source(%dma_start3A_443 : memref<128xi32, #tpu.memory_space<vmem>>) target(%dma_start3A_448 : memref<147456xi32, #tpu.memory_space<vmem_shared>>) offsets(%dma_start3A_446 : memref<128xi32, #tpu.memory_space<vmem>>) semaphore(%arg10 : memref<!tpu.dma_semaphore, #tpu.memory_space<semaphore_mem>>)
    %dma_start3A_449 = arith.constant 44 : i32
    %dma_start3A_450 = arith.constant 44 : i32
    %dma_start3A_451 = arith.constant 0 : i32
    %dma_start3A_452 = tpu.memref_slice %arg6[%dma_start3A_449, %dma_start3A_451] : memref<64x128xi32, #tpu.memory_space<vmem>> -> memref<1x128xi32, #tpu.memory_space<vmem>>
    %dma_start3A_453 = tpu.memref_squeeze %dma_start3A_452 : memref<1x128xi32, #tpu.memory_space<vmem>> -> memref<128xi32, #tpu.memory_space<vmem>>
    %dma_start3A_454 = arith.constant 0 : i32
    %dma_start3A_455 = tpu.memref_slice %arg5[%dma_start3A_450, %dma_start3A_454] : memref<64x128xi32, #tpu.memory_space<vmem>> -> memref<1x128xi32, #tpu.memory_space<vmem>>
    %dma_start3A_456 = tpu.memref_squeeze %dma_start3A_455 : memref<1x128xi32, #tpu.memory_space<vmem>> -> memref<128xi32, #tpu.memory_space<vmem>>
    %dma_start3A_457 = arith.constant 0 : i32
    %dma_start3A_458 = tpu.memref_slice %arg7[%dma_start3A_457] : memref<147456xi32, #tpu.memory_space<vmem_shared>> -> memref<147456xi32, #tpu.memory_space<vmem_shared>>
    tpu.enqueue_indirect_dma source(%dma_start3A_453 : memref<128xi32, #tpu.memory_space<vmem>>) target(%dma_start3A_458 : memref<147456xi32, #tpu.memory_space<vmem_shared>>) offsets(%dma_start3A_456 : memref<128xi32, #tpu.memory_space<vmem>>) semaphore(%arg10 : memref<!tpu.dma_semaphore, #tpu.memory_space<semaphore_mem>>)
    %dma_start3A_459 = arith.constant 45 : i32
    %dma_start3A_460 = arith.constant 45 : i32
    %dma_start3A_461 = arith.constant 0 : i32
    %dma_start3A_462 = tpu.memref_slice %arg6[%dma_start3A_459, %dma_start3A_461] : memref<64x128xi32, #tpu.memory_space<vmem>> -> memref<1x128xi32, #tpu.memory_space<vmem>>
    %dma_start3A_463 = tpu.memref_squeeze %dma_start3A_462 : memref<1x128xi32, #tpu.memory_space<vmem>> -> memref<128xi32, #tpu.memory_space<vmem>>
    %dma_start3A_464 = arith.constant 0 : i32
    %dma_start3A_465 = tpu.memref_slice %arg5[%dma_start3A_460, %dma_start3A_464] : memref<64x128xi32, #tpu.memory_space<vmem>> -> memref<1x128xi32, #tpu.memory_space<vmem>>
    %dma_start3A_466 = tpu.memref_squeeze %dma_start3A_465 : memref<1x128xi32, #tpu.memory_space<vmem>> -> memref<128xi32, #tpu.memory_space<vmem>>
    %dma_start3A_467 = arith.constant 0 : i32
    %dma_start3A_468 = tpu.memref_slice %arg7[%dma_start3A_467] : memref<147456xi32, #tpu.memory_space<vmem_shared>> -> memref<147456xi32, #tpu.memory_space<vmem_shared>>
    tpu.enqueue_indirect_dma source(%dma_start3A_463 : memref<128xi32, #tpu.memory_space<vmem>>) target(%dma_start3A_468 : memref<147456xi32, #tpu.memory_space<vmem_shared>>) offsets(%dma_start3A_466 : memref<128xi32, #tpu.memory_space<vmem>>) semaphore(%arg10 : memref<!tpu.dma_semaphore, #tpu.memory_space<semaphore_mem>>)
    %dma_start3A_469 = arith.constant 46 : i32
    %dma_start3A_470 = arith.constant 46 : i32
    %dma_start3A_471 = arith.constant 0 : i32
    %dma_start3A_472 = tpu.memref_slice %arg6[%dma_start3A_469, %dma_start3A_471] : memref<64x128xi32, #tpu.memory_space<vmem>> -> memref<1x128xi32, #tpu.memory_space<vmem>>
    %dma_start3A_473 = tpu.memref_squeeze %dma_start3A_472 : memref<1x128xi32, #tpu.memory_space<vmem>> -> memref<128xi32, #tpu.memory_space<vmem>>
    %dma_start3A_474 = arith.constant 0 : i32
    %dma_start3A_475 = tpu.memref_slice %arg5[%dma_start3A_470, %dma_start3A_474] : memref<64x128xi32, #tpu.memory_space<vmem>> -> memref<1x128xi32, #tpu.memory_space<vmem>>
    %dma_start3A_476 = tpu.memref_squeeze %dma_start3A_475 : memref<1x128xi32, #tpu.memory_space<vmem>> -> memref<128xi32, #tpu.memory_space<vmem>>
    %dma_start3A_477 = arith.constant 0 : i32
    %dma_start3A_478 = tpu.memref_slice %arg7[%dma_start3A_477] : memref<147456xi32, #tpu.memory_space<vmem_shared>> -> memref<147456xi32, #tpu.memory_space<vmem_shared>>
    tpu.enqueue_indirect_dma source(%dma_start3A_473 : memref<128xi32, #tpu.memory_space<vmem>>) target(%dma_start3A_478 : memref<147456xi32, #tpu.memory_space<vmem_shared>>) offsets(%dma_start3A_476 : memref<128xi32, #tpu.memory_space<vmem>>) semaphore(%arg10 : memref<!tpu.dma_semaphore, #tpu.memory_space<semaphore_mem>>)
    %dma_start3A_479 = arith.constant 47 : i32
    %dma_start3A_480 = arith.constant 47 : i32
    %dma_start3A_481 = arith.constant 0 : i32
    %dma_start3A_482 = tpu.memref_slice %arg6[%dma_start3A_479, %dma_start3A_481] : memref<64x128xi32, #tpu.memory_space<vmem>> -> memref<1x128xi32, #tpu.memory_space<vmem>>
    %dma_start3A_483 = tpu.memref_squeeze %dma_start3A_482 : memref<1x128xi32, #tpu.memory_space<vmem>> -> memref<128xi32, #tpu.memory_space<vmem>>
    %dma_start3A_484 = arith.constant 0 : i32
    %dma_start3A_485 = tpu.memref_slice %arg5[%dma_start3A_480, %dma_start3A_484] : memref<64x128xi32, #tpu.memory_space<vmem>> -> memref<1x128xi32, #tpu.memory_space<vmem>>
    %dma_start3A_486 = tpu.memref_squeeze %dma_start3A_485 : memref<1x128xi32, #tpu.memory_space<vmem>> -> memref<128xi32, #tpu.memory_space<vmem>>
    %dma_start3A_487 = arith.constant 0 : i32
    %dma_start3A_488 = tpu.memref_slice %arg7[%dma_start3A_487] : memref<147456xi32, #tpu.memory_space<vmem_shared>> -> memref<147456xi32, #tpu.memory_space<vmem_shared>>
    tpu.enqueue_indirect_dma source(%dma_start3A_483 : memref<128xi32, #tpu.memory_space<vmem>>) target(%dma_start3A_488 : memref<147456xi32, #tpu.memory_space<vmem_shared>>) offsets(%dma_start3A_486 : memref<128xi32, #tpu.memory_space<vmem>>) semaphore(%arg10 : memref<!tpu.dma_semaphore, #tpu.memory_space<semaphore_mem>>)
    %dma_start3A_489 = arith.constant 48 : i32
    %dma_start3A_490 = arith.constant 48 : i32
    %dma_start3A_491 = arith.constant 0 : i32
    %dma_start3A_492 = tpu.memref_slice %arg6[%dma_start3A_489, %dma_start3A_491] : memref<64x128xi32, #tpu.memory_space<vmem>> -> memref<1x128xi32, #tpu.memory_space<vmem>>
    %dma_start3A_493 = tpu.memref_squeeze %dma_start3A_492 : memref<1x128xi32, #tpu.memory_space<vmem>> -> memref<128xi32, #tpu.memory_space<vmem>>
    %dma_start3A_494 = arith.constant 0 : i32
    %dma_start3A_495 = tpu.memref_slice %arg5[%dma_start3A_490, %dma_start3A_494] : memref<64x128xi32, #tpu.memory_space<vmem>> -> memref<1x128xi32, #tpu.memory_space<vmem>>
    %dma_start3A_496 = tpu.memref_squeeze %dma_start3A_495 : memref<1x128xi32, #tpu.memory_space<vmem>> -> memref<128xi32, #tpu.memory_space<vmem>>
    %dma_start3A_497 = arith.constant 0 : i32
    %dma_start3A_498 = tpu.memref_slice %arg7[%dma_start3A_497] : memref<147456xi32, #tpu.memory_space<vmem_shared>> -> memref<147456xi32, #tpu.memory_space<vmem_shared>>
    tpu.enqueue_indirect_dma source(%dma_start3A_493 : memref<128xi32, #tpu.memory_space<vmem>>) target(%dma_start3A_498 : memref<147456xi32, #tpu.memory_space<vmem_shared>>) offsets(%dma_start3A_496 : memref<128xi32, #tpu.memory_space<vmem>>) semaphore(%arg10 : memref<!tpu.dma_semaphore, #tpu.memory_space<semaphore_mem>>)
    %dma_start3A_499 = arith.constant 49 : i32
    %dma_start3A_500 = arith.constant 49 : i32
    %dma_start3A_501 = arith.constant 0 : i32
    %dma_start3A_502 = tpu.memref_slice %arg6[%dma_start3A_499, %dma_start3A_501] : memref<64x128xi32, #tpu.memory_space<vmem>> -> memref<1x128xi32, #tpu.memory_space<vmem>>
    %dma_start3A_503 = tpu.memref_squeeze %dma_start3A_502 : memref<1x128xi32, #tpu.memory_space<vmem>> -> memref<128xi32, #tpu.memory_space<vmem>>
    %dma_start3A_504 = arith.constant 0 : i32
    %dma_start3A_505 = tpu.memref_slice %arg5[%dma_start3A_500, %dma_start3A_504] : memref<64x128xi32, #tpu.memory_space<vmem>> -> memref<1x128xi32, #tpu.memory_space<vmem>>
    %dma_start3A_506 = tpu.memref_squeeze %dma_start3A_505 : memref<1x128xi32, #tpu.memory_space<vmem>> -> memref<128xi32, #tpu.memory_space<vmem>>
    %dma_start3A_507 = arith.constant 0 : i32
    %dma_start3A_508 = tpu.memref_slice %arg7[%dma_start3A_507] : memref<147456xi32, #tpu.memory_space<vmem_shared>> -> memref<147456xi32, #tpu.memory_space<vmem_shared>>
    tpu.enqueue_indirect_dma source(%dma_start3A_503 : memref<128xi32, #tpu.memory_space<vmem>>) target(%dma_start3A_508 : memref<147456xi32, #tpu.memory_space<vmem_shared>>) offsets(%dma_start3A_506 : memref<128xi32, #tpu.memory_space<vmem>>) semaphore(%arg10 : memref<!tpu.dma_semaphore, #tpu.memory_space<semaphore_mem>>)
    %dma_start3A_509 = arith.constant 50 : i32
    %dma_start3A_510 = arith.constant 50 : i32
    %dma_start3A_511 = arith.constant 0 : i32
    %dma_start3A_512 = tpu.memref_slice %arg6[%dma_start3A_509, %dma_start3A_511] : memref<64x128xi32, #tpu.memory_space<vmem>> -> memref<1x128xi32, #tpu.memory_space<vmem>>
    %dma_start3A_513 = tpu.memref_squeeze %dma_start3A_512 : memref<1x128xi32, #tpu.memory_space<vmem>> -> memref<128xi32, #tpu.memory_space<vmem>>
    %dma_start3A_514 = arith.constant 0 : i32
    %dma_start3A_515 = tpu.memref_slice %arg5[%dma_start3A_510, %dma_start3A_514] : memref<64x128xi32, #tpu.memory_space<vmem>> -> memref<1x128xi32, #tpu.memory_space<vmem>>
    %dma_start3A_516 = tpu.memref_squeeze %dma_start3A_515 : memref<1x128xi32, #tpu.memory_space<vmem>> -> memref<128xi32, #tpu.memory_space<vmem>>
    %dma_start3A_517 = arith.constant 0 : i32
    %dma_start3A_518 = tpu.memref_slice %arg7[%dma_start3A_517] : memref<147456xi32, #tpu.memory_space<vmem_shared>> -> memref<147456xi32, #tpu.memory_space<vmem_shared>>
    tpu.enqueue_indirect_dma source(%dma_start3A_513 : memref<128xi32, #tpu.memory_space<vmem>>) target(%dma_start3A_518 : memref<147456xi32, #tpu.memory_space<vmem_shared>>) offsets(%dma_start3A_516 : memref<128xi32, #tpu.memory_space<vmem>>) semaphore(%arg10 : memref<!tpu.dma_semaphore, #tpu.memory_space<semaphore_mem>>)
    %dma_start3A_519 = arith.constant 51 : i32
    %dma_start3A_520 = arith.constant 51 : i32
    %dma_start3A_521 = arith.constant 0 : i32
    %dma_start3A_522 = tpu.memref_slice %arg6[%dma_start3A_519, %dma_start3A_521] : memref<64x128xi32, #tpu.memory_space<vmem>> -> memref<1x128xi32, #tpu.memory_space<vmem>>
    %dma_start3A_523 = tpu.memref_squeeze %dma_start3A_522 : memref<1x128xi32, #tpu.memory_space<vmem>> -> memref<128xi32, #tpu.memory_space<vmem>>
    %dma_start3A_524 = arith.constant 0 : i32
    %dma_start3A_525 = tpu.memref_slice %arg5[%dma_start3A_520, %dma_start3A_524] : memref<64x128xi32, #tpu.memory_space<vmem>> -> memref<1x128xi32, #tpu.memory_space<vmem>>
    %dma_start3A_526 = tpu.memref_squeeze %dma_start3A_525 : memref<1x128xi32, #tpu.memory_space<vmem>> -> memref<128xi32, #tpu.memory_space<vmem>>
    %dma_start3A_527 = arith.constant 0 : i32
    %dma_start3A_528 = tpu.memref_slice %arg7[%dma_start3A_527] : memref<147456xi32, #tpu.memory_space<vmem_shared>> -> memref<147456xi32, #tpu.memory_space<vmem_shared>>
    tpu.enqueue_indirect_dma source(%dma_start3A_523 : memref<128xi32, #tpu.memory_space<vmem>>) target(%dma_start3A_528 : memref<147456xi32, #tpu.memory_space<vmem_shared>>) offsets(%dma_start3A_526 : memref<128xi32, #tpu.memory_space<vmem>>) semaphore(%arg10 : memref<!tpu.dma_semaphore, #tpu.memory_space<semaphore_mem>>)
    %dma_start3A_529 = arith.constant 52 : i32
    %dma_start3A_530 = arith.constant 52 : i32
    %dma_start3A_531 = arith.constant 0 : i32
    %dma_start3A_532 = tpu.memref_slice %arg6[%dma_start3A_529, %dma_start3A_531] : memref<64x128xi32, #tpu.memory_space<vmem>> -> memref<1x128xi32, #tpu.memory_space<vmem>>
    %dma_start3A_533 = tpu.memref_squeeze %dma_start3A_532 : memref<1x128xi32, #tpu.memory_space<vmem>> -> memref<128xi32, #tpu.memory_space<vmem>>
    %dma_start3A_534 = arith.constant 0 : i32
    %dma_start3A_535 = tpu.memref_slice %arg5[%dma_start3A_530, %dma_start3A_534] : memref<64x128xi32, #tpu.memory_space<vmem>> -> memref<1x128xi32, #tpu.memory_space<vmem>>
    %dma_start3A_536 = tpu.memref_squeeze %dma_start3A_535 : memref<1x128xi32, #tpu.memory_space<vmem>> -> memref<128xi32, #tpu.memory_space<vmem>>
    %dma_start3A_537 = arith.constant 0 : i32
    %dma_start3A_538 = tpu.memref_slice %arg7[%dma_start3A_537] : memref<147456xi32, #tpu.memory_space<vmem_shared>> -> memref<147456xi32, #tpu.memory_space<vmem_shared>>
    tpu.enqueue_indirect_dma source(%dma_start3A_533 : memref<128xi32, #tpu.memory_space<vmem>>) target(%dma_start3A_538 : memref<147456xi32, #tpu.memory_space<vmem_shared>>) offsets(%dma_start3A_536 : memref<128xi32, #tpu.memory_space<vmem>>) semaphore(%arg10 : memref<!tpu.dma_semaphore, #tpu.memory_space<semaphore_mem>>)
    %dma_start3A_539 = arith.constant 53 : i32
    %dma_start3A_540 = arith.constant 53 : i32
    %dma_start3A_541 = arith.constant 0 : i32
    %dma_start3A_542 = tpu.memref_slice %arg6[%dma_start3A_539, %dma_start3A_541] : memref<64x128xi32, #tpu.memory_space<vmem>> -> memref<1x128xi32, #tpu.memory_space<vmem>>
    %dma_start3A_543 = tpu.memref_squeeze %dma_start3A_542 : memref<1x128xi32, #tpu.memory_space<vmem>> -> memref<128xi32, #tpu.memory_space<vmem>>
    %dma_start3A_544 = arith.constant 0 : i32
    %dma_start3A_545 = tpu.memref_slice %arg5[%dma_start3A_540, %dma_start3A_544] : memref<64x128xi32, #tpu.memory_space<vmem>> -> memref<1x128xi32, #tpu.memory_space<vmem>>
    %dma_start3A_546 = tpu.memref_squeeze %dma_start3A_545 : memref<1x128xi32, #tpu.memory_space<vmem>> -> memref<128xi32, #tpu.memory_space<vmem>>
    %dma_start3A_547 = arith.constant 0 : i32
    %dma_start3A_548 = tpu.memref_slice %arg7[%dma_start3A_547] : memref<147456xi32, #tpu.memory_space<vmem_shared>> -> memref<147456xi32, #tpu.memory_space<vmem_shared>>
    tpu.enqueue_indirect_dma source(%dma_start3A_543 : memref<128xi32, #tpu.memory_space<vmem>>) target(%dma_start3A_548 : memref<147456xi32, #tpu.memory_space<vmem_shared>>) offsets(%dma_start3A_546 : memref<128xi32, #tpu.memory_space<vmem>>) semaphore(%arg10 : memref<!tpu.dma_semaphore, #tpu.memory_space<semaphore_mem>>)
    %dma_start3A_549 = arith.constant 54 : i32
    %dma_start3A_550 = arith.constant 54 : i32
    %dma_start3A_551 = arith.constant 0 : i32
    %dma_start3A_552 = tpu.memref_slice %arg6[%dma_start3A_549, %dma_start3A_551] : memref<64x128xi32, #tpu.memory_space<vmem>> -> memref<1x128xi32, #tpu.memory_space<vmem>>
    %dma_start3A_553 = tpu.memref_squeeze %dma_start3A_552 : memref<1x128xi32, #tpu.memory_space<vmem>> -> memref<128xi32, #tpu.memory_space<vmem>>
    %dma_start3A_554 = arith.constant 0 : i32
    %dma_start3A_555 = tpu.memref_slice %arg5[%dma_start3A_550, %dma_start3A_554] : memref<64x128xi32, #tpu.memory_space<vmem>> -> memref<1x128xi32, #tpu.memory_space<vmem>>
    %dma_start3A_556 = tpu.memref_squeeze %dma_start3A_555 : memref<1x128xi32, #tpu.memory_space<vmem>> -> memref<128xi32, #tpu.memory_space<vmem>>
    %dma_start3A_557 = arith.constant 0 : i32
    %dma_start3A_558 = tpu.memref_slice %arg7[%dma_start3A_557] : memref<147456xi32, #tpu.memory_space<vmem_shared>> -> memref<147456xi32, #tpu.memory_space<vmem_shared>>
    tpu.enqueue_indirect_dma source(%dma_start3A_553 : memref<128xi32, #tpu.memory_space<vmem>>) target(%dma_start3A_558 : memref<147456xi32, #tpu.memory_space<vmem_shared>>) offsets(%dma_start3A_556 : memref<128xi32, #tpu.memory_space<vmem>>) semaphore(%arg10 : memref<!tpu.dma_semaphore, #tpu.memory_space<semaphore_mem>>)
    %dma_start3A_559 = arith.constant 55 : i32
    %dma_start3A_560 = arith.constant 55 : i32
    %dma_start3A_561 = arith.constant 0 : i32
    %dma_start3A_562 = tpu.memref_slice %arg6[%dma_start3A_559, %dma_start3A_561] : memref<64x128xi32, #tpu.memory_space<vmem>> -> memref<1x128xi32, #tpu.memory_space<vmem>>
    %dma_start3A_563 = tpu.memref_squeeze %dma_start3A_562 : memref<1x128xi32, #tpu.memory_space<vmem>> -> memref<128xi32, #tpu.memory_space<vmem>>
    %dma_start3A_564 = arith.constant 0 : i32
    %dma_start3A_565 = tpu.memref_slice %arg5[%dma_start3A_560, %dma_start3A_564] : memref<64x128xi32, #tpu.memory_space<vmem>> -> memref<1x128xi32, #tpu.memory_space<vmem>>
    %dma_start3A_566 = tpu.memref_squeeze %dma_start3A_565 : memref<1x128xi32, #tpu.memory_space<vmem>> -> memref<128xi32, #tpu.memory_space<vmem>>
    %dma_start3A_567 = arith.constant 0 : i32
    %dma_start3A_568 = tpu.memref_slice %arg7[%dma_start3A_567] : memref<147456xi32, #tpu.memory_space<vmem_shared>> -> memref<147456xi32, #tpu.memory_space<vmem_shared>>
    tpu.enqueue_indirect_dma source(%dma_start3A_563 : memref<128xi32, #tpu.memory_space<vmem>>) target(%dma_start3A_568 : memref<147456xi32, #tpu.memory_space<vmem_shared>>) offsets(%dma_start3A_566 : memref<128xi32, #tpu.memory_space<vmem>>) semaphore(%arg10 : memref<!tpu.dma_semaphore, #tpu.memory_space<semaphore_mem>>)
    %dma_start3A_569 = arith.constant 56 : i32
    %dma_start3A_570 = arith.constant 56 : i32
    %dma_start3A_571 = arith.constant 0 : i32
    %dma_start3A_572 = tpu.memref_slice %arg6[%dma_start3A_569, %dma_start3A_571] : memref<64x128xi32, #tpu.memory_space<vmem>> -> memref<1x128xi32, #tpu.memory_space<vmem>>
    %dma_start3A_573 = tpu.memref_squeeze %dma_start3A_572 : memref<1x128xi32, #tpu.memory_space<vmem>> -> memref<128xi32, #tpu.memory_space<vmem>>
    %dma_start3A_574 = arith.constant 0 : i32
    %dma_start3A_575 = tpu.memref_slice %arg5[%dma_start3A_570, %dma_start3A_574] : memref<64x128xi32, #tpu.memory_space<vmem>> -> memref<1x128xi32, #tpu.memory_space<vmem>>
    %dma_start3A_576 = tpu.memref_squeeze %dma_start3A_575 : memref<1x128xi32, #tpu.memory_space<vmem>> -> memref<128xi32, #tpu.memory_space<vmem>>
    %dma_start3A_577 = arith.constant 0 : i32
    %dma_start3A_578 = tpu.memref_slice %arg7[%dma_start3A_577] : memref<147456xi32, #tpu.memory_space<vmem_shared>> -> memref<147456xi32, #tpu.memory_space<vmem_shared>>
    tpu.enqueue_indirect_dma source(%dma_start3A_573 : memref<128xi32, #tpu.memory_space<vmem>>) target(%dma_start3A_578 : memref<147456xi32, #tpu.memory_space<vmem_shared>>) offsets(%dma_start3A_576 : memref<128xi32, #tpu.memory_space<vmem>>) semaphore(%arg10 : memref<!tpu.dma_semaphore, #tpu.memory_space<semaphore_mem>>)
    %dma_start3A_579 = arith.constant 57 : i32
    %dma_start3A_580 = arith.constant 57 : i32
    %dma_start3A_581 = arith.constant 0 : i32
    %dma_start3A_582 = tpu.memref_slice %arg6[%dma_start3A_579, %dma_start3A_581] : memref<64x128xi32, #tpu.memory_space<vmem>> -> memref<1x128xi32, #tpu.memory_space<vmem>>
    %dma_start3A_583 = tpu.memref_squeeze %dma_start3A_582 : memref<1x128xi32, #tpu.memory_space<vmem>> -> memref<128xi32, #tpu.memory_space<vmem>>
    %dma_start3A_584 = arith.constant 0 : i32
    %dma_start3A_585 = tpu.memref_slice %arg5[%dma_start3A_580, %dma_start3A_584] : memref<64x128xi32, #tpu.memory_space<vmem>> -> memref<1x128xi32, #tpu.memory_space<vmem>>
    %dma_start3A_586 = tpu.memref_squeeze %dma_start3A_585 : memref<1x128xi32, #tpu.memory_space<vmem>> -> memref<128xi32, #tpu.memory_space<vmem>>
    %dma_start3A_587 = arith.constant 0 : i32
    %dma_start3A_588 = tpu.memref_slice %arg7[%dma_start3A_587] : memref<147456xi32, #tpu.memory_space<vmem_shared>> -> memref<147456xi32, #tpu.memory_space<vmem_shared>>
    tpu.enqueue_indirect_dma source(%dma_start3A_583 : memref<128xi32, #tpu.memory_space<vmem>>) target(%dma_start3A_588 : memref<147456xi32, #tpu.memory_space<vmem_shared>>) offsets(%dma_start3A_586 : memref<128xi32, #tpu.memory_space<vmem>>) semaphore(%arg10 : memref<!tpu.dma_semaphore, #tpu.memory_space<semaphore_mem>>)
    %dma_start3A_589 = arith.constant 58 : i32
    %dma_start3A_590 = arith.constant 58 : i32
    %dma_start3A_591 = arith.constant 0 : i32
    %dma_start3A_592 = tpu.memref_slice %arg6[%dma_start3A_589, %dma_start3A_591] : memref<64x128xi32, #tpu.memory_space<vmem>> -> memref<1x128xi32, #tpu.memory_space<vmem>>
    %dma_start3A_593 = tpu.memref_squeeze %dma_start3A_592 : memref<1x128xi32, #tpu.memory_space<vmem>> -> memref<128xi32, #tpu.memory_space<vmem>>
    %dma_start3A_594 = arith.constant 0 : i32
    %dma_start3A_595 = tpu.memref_slice %arg5[%dma_start3A_590, %dma_start3A_594] : memref<64x128xi32, #tpu.memory_space<vmem>> -> memref<1x128xi32, #tpu.memory_space<vmem>>
    %dma_start3A_596 = tpu.memref_squeeze %dma_start3A_595 : memref<1x128xi32, #tpu.memory_space<vmem>> -> memref<128xi32, #tpu.memory_space<vmem>>
    %dma_start3A_597 = arith.constant 0 : i32
    %dma_start3A_598 = tpu.memref_slice %arg7[%dma_start3A_597] : memref<147456xi32, #tpu.memory_space<vmem_shared>> -> memref<147456xi32, #tpu.memory_space<vmem_shared>>
    tpu.enqueue_indirect_dma source(%dma_start3A_593 : memref<128xi32, #tpu.memory_space<vmem>>) target(%dma_start3A_598 : memref<147456xi32, #tpu.memory_space<vmem_shared>>) offsets(%dma_start3A_596 : memref<128xi32, #tpu.memory_space<vmem>>) semaphore(%arg10 : memref<!tpu.dma_semaphore, #tpu.memory_space<semaphore_mem>>)
    %dma_start3A_599 = arith.constant 59 : i32
    %dma_start3A_600 = arith.constant 59 : i32
    %dma_start3A_601 = arith.constant 0 : i32
    %dma_start3A_602 = tpu.memref_slice %arg6[%dma_start3A_599, %dma_start3A_601] : memref<64x128xi32, #tpu.memory_space<vmem>> -> memref<1x128xi32, #tpu.memory_space<vmem>>
    %dma_start3A_603 = tpu.memref_squeeze %dma_start3A_602 : memref<1x128xi32, #tpu.memory_space<vmem>> -> memref<128xi32, #tpu.memory_space<vmem>>
    %dma_start3A_604 = arith.constant 0 : i32
    %dma_start3A_605 = tpu.memref_slice %arg5[%dma_start3A_600, %dma_start3A_604] : memref<64x128xi32, #tpu.memory_space<vmem>> -> memref<1x128xi32, #tpu.memory_space<vmem>>
    %dma_start3A_606 = tpu.memref_squeeze %dma_start3A_605 : memref<1x128xi32, #tpu.memory_space<vmem>> -> memref<128xi32, #tpu.memory_space<vmem>>
    %dma_start3A_607 = arith.constant 0 : i32
    %dma_start3A_608 = tpu.memref_slice %arg7[%dma_start3A_607] : memref<147456xi32, #tpu.memory_space<vmem_shared>> -> memref<147456xi32, #tpu.memory_space<vmem_shared>>
    tpu.enqueue_indirect_dma source(%dma_start3A_603 : memref<128xi32, #tpu.memory_space<vmem>>) target(%dma_start3A_608 : memref<147456xi32, #tpu.memory_space<vmem_shared>>) offsets(%dma_start3A_606 : memref<128xi32, #tpu.memory_space<vmem>>) semaphore(%arg10 : memref<!tpu.dma_semaphore, #tpu.memory_space<semaphore_mem>>)
    %dma_start3A_609 = arith.constant 60 : i32
    %dma_start3A_610 = arith.constant 60 : i32
    %dma_start3A_611 = arith.constant 0 : i32
    %dma_start3A_612 = tpu.memref_slice %arg6[%dma_start3A_609, %dma_start3A_611] : memref<64x128xi32, #tpu.memory_space<vmem>> -> memref<1x128xi32, #tpu.memory_space<vmem>>
    %dma_start3A_613 = tpu.memref_squeeze %dma_start3A_612 : memref<1x128xi32, #tpu.memory_space<vmem>> -> memref<128xi32, #tpu.memory_space<vmem>>
    %dma_start3A_614 = arith.constant 0 : i32
    %dma_start3A_615 = tpu.memref_slice %arg5[%dma_start3A_610, %dma_start3A_614] : memref<64x128xi32, #tpu.memory_space<vmem>> -> memref<1x128xi32, #tpu.memory_space<vmem>>
    %dma_start3A_616 = tpu.memref_squeeze %dma_start3A_615 : memref<1x128xi32, #tpu.memory_space<vmem>> -> memref<128xi32, #tpu.memory_space<vmem>>
    %dma_start3A_617 = arith.constant 0 : i32
    %dma_start3A_618 = tpu.memref_slice %arg7[%dma_start3A_617] : memref<147456xi32, #tpu.memory_space<vmem_shared>> -> memref<147456xi32, #tpu.memory_space<vmem_shared>>
    tpu.enqueue_indirect_dma source(%dma_start3A_613 : memref<128xi32, #tpu.memory_space<vmem>>) target(%dma_start3A_618 : memref<147456xi32, #tpu.memory_space<vmem_shared>>) offsets(%dma_start3A_616 : memref<128xi32, #tpu.memory_space<vmem>>) semaphore(%arg10 : memref<!tpu.dma_semaphore, #tpu.memory_space<semaphore_mem>>)
    %dma_start3A_619 = arith.constant 61 : i32
    %dma_start3A_620 = arith.constant 61 : i32
    %dma_start3A_621 = arith.constant 0 : i32
    %dma_start3A_622 = tpu.memref_slice %arg6[%dma_start3A_619, %dma_start3A_621] : memref<64x128xi32, #tpu.memory_space<vmem>> -> memref<1x128xi32, #tpu.memory_space<vmem>>
    %dma_start3A_623 = tpu.memref_squeeze %dma_start3A_622 : memref<1x128xi32, #tpu.memory_space<vmem>> -> memref<128xi32, #tpu.memory_space<vmem>>
    %dma_start3A_624 = arith.constant 0 : i32
    %dma_start3A_625 = tpu.memref_slice %arg5[%dma_start3A_620, %dma_start3A_624] : memref<64x128xi32, #tpu.memory_space<vmem>> -> memref<1x128xi32, #tpu.memory_space<vmem>>
    %dma_start3A_626 = tpu.memref_squeeze %dma_start3A_625 : memref<1x128xi32, #tpu.memory_space<vmem>> -> memref<128xi32, #tpu.memory_space<vmem>>
    %dma_start3A_627 = arith.constant 0 : i32
    %dma_start3A_628 = tpu.memref_slice %arg7[%dma_start3A_627] : memref<147456xi32, #tpu.memory_space<vmem_shared>> -> memref<147456xi32, #tpu.memory_space<vmem_shared>>
    tpu.enqueue_indirect_dma source(%dma_start3A_623 : memref<128xi32, #tpu.memory_space<vmem>>) target(%dma_start3A_628 : memref<147456xi32, #tpu.memory_space<vmem_shared>>) offsets(%dma_start3A_626 : memref<128xi32, #tpu.memory_space<vmem>>) semaphore(%arg10 : memref<!tpu.dma_semaphore, #tpu.memory_space<semaphore_mem>>)
    %dma_start3A_629 = arith.constant 62 : i32
    %dma_start3A_630 = arith.constant 62 : i32
    %dma_start3A_631 = arith.constant 0 : i32
    %dma_start3A_632 = tpu.memref_slice %arg6[%dma_start3A_629, %dma_start3A_631] : memref<64x128xi32, #tpu.memory_space<vmem>> -> memref<1x128xi32, #tpu.memory_space<vmem>>
    %dma_start3A_633 = tpu.memref_squeeze %dma_start3A_632 : memref<1x128xi32, #tpu.memory_space<vmem>> -> memref<128xi32, #tpu.memory_space<vmem>>
    %dma_start3A_634 = arith.constant 0 : i32
    %dma_start3A_635 = tpu.memref_slice %arg5[%dma_start3A_630, %dma_start3A_634] : memref<64x128xi32, #tpu.memory_space<vmem>> -> memref<1x128xi32, #tpu.memory_space<vmem>>
    %dma_start3A_636 = tpu.memref_squeeze %dma_start3A_635 : memref<1x128xi32, #tpu.memory_space<vmem>> -> memref<128xi32, #tpu.memory_space<vmem>>
    %dma_start3A_637 = arith.constant 0 : i32
    %dma_start3A_638 = tpu.memref_slice %arg7[%dma_start3A_637] : memref<147456xi32, #tpu.memory_space<vmem_shared>> -> memref<147456xi32, #tpu.memory_space<vmem_shared>>
    tpu.enqueue_indirect_dma source(%dma_start3A_633 : memref<128xi32, #tpu.memory_space<vmem>>) target(%dma_start3A_638 : memref<147456xi32, #tpu.memory_space<vmem_shared>>) offsets(%dma_start3A_636 : memref<128xi32, #tpu.memory_space<vmem>>) semaphore(%arg10 : memref<!tpu.dma_semaphore, #tpu.memory_space<semaphore_mem>>)
    %dma_start3A_639 = arith.constant 63 : i32
    %dma_start3A_640 = arith.constant 63 : i32
    %dma_start3A_641 = arith.constant 0 : i32
    %dma_start3A_642 = tpu.memref_slice %arg6[%dma_start3A_639, %dma_start3A_641] : memref<64x128xi32, #tpu.memory_space<vmem>> -> memref<1x128xi32, #tpu.memory_space<vmem>>
    %dma_start3A_643 = tpu.memref_squeeze %dma_start3A_642 : memref<1x128xi32, #tpu.memory_space<vmem>> -> memref<128xi32, #tpu.memory_space<vmem>>
    %dma_start3A_644 = arith.constant 0 : i32
    %dma_start3A_645 = tpu.memref_slice %arg5[%dma_start3A_640, %dma_start3A_644] : memref<64x128xi32, #tpu.memory_space<vmem>> -> memref<1x128xi32, #tpu.memory_space<vmem>>
    %dma_start3A_646 = tpu.memref_squeeze %dma_start3A_645 : memref<1x128xi32, #tpu.memory_space<vmem>> -> memref<128xi32, #tpu.memory_space<vmem>>
    %dma_start3A_647 = arith.constant 0 : i32
    %dma_start3A_648 = tpu.memref_slice %arg7[%dma_start3A_647] : memref<147456xi32, #tpu.memory_space<vmem_shared>> -> memref<147456xi32, #tpu.memory_space<vmem_shared>>
    tpu.enqueue_indirect_dma source(%dma_start3A_643 : memref<128xi32, #tpu.memory_space<vmem>>) target(%dma_start3A_648 : memref<147456xi32, #tpu.memory_space<vmem_shared>>) offsets(%dma_start3A_646 : memref<128xi32, #tpu.memory_space<vmem>>) semaphore(%arg10 : memref<!tpu.dma_semaphore, #tpu.memory_space<semaphore_mem>>)
    %dma_wait3A = arith.constant 0 : i32
    %dma_wait3A_649 = arith.constant 0 : i32
    %dma_wait3A_650 = arith.constant 0 : i32
    %dma_wait3A_651 = tpu.memref_slice %arg6[%dma_wait3A, %dma_wait3A_650] : memref<64x128xi32, #tpu.memory_space<vmem>> -> memref<1x128xi32, #tpu.memory_space<vmem>>
    %dma_wait3A_652 = tpu.memref_squeeze %dma_wait3A_651 : memref<1x128xi32, #tpu.memory_space<vmem>> -> memref<128xi32, #tpu.memory_space<vmem>>
    %dma_wait3A_653 = arith.constant 0 : i32
    %dma_wait3A_654 = tpu.memref_slice %arg5[%dma_wait3A_649, %dma_wait3A_653] : memref<64x128xi32, #tpu.memory_space<vmem>> -> memref<1x128xi32, #tpu.memory_space<vmem>>
    %dma_wait3A_655 = tpu.memref_squeeze %dma_wait3A_654 : memref<1x128xi32, #tpu.memory_space<vmem>> -> memref<128xi32, #tpu.memory_space<vmem>>
    %dma_wait3A_656 = arith.constant 0 : i32
    %dma_wait3A_657 = tpu.memref_slice %arg7[%dma_wait3A_656] : memref<147456xi32, #tpu.memory_space<vmem_shared>> -> memref<147456xi32, #tpu.memory_space<vmem_shared>>
    tpu.wait_indirect_dma semaphore(%arg10 : memref<!tpu.dma_semaphore, #tpu.memory_space<semaphore_mem>>) src(%dma_wait3A_652 : memref<128xi32, #tpu.memory_space<vmem>>) dst(%dma_wait3A_657 : memref<147456xi32, #tpu.memory_space<vmem_shared>>)
    %dma_wait3A_658 = arith.constant 1 : i32
    %dma_wait3A_659 = arith.constant 1 : i32
    %dma_wait3A_660 = arith.constant 0 : i32
    %dma_wait3A_661 = tpu.memref_slice %arg6[%dma_wait3A_658, %dma_wait3A_660] : memref<64x128xi32, #tpu.memory_space<vmem>> -> memref<1x128xi32, #tpu.memory_space<vmem>>
    %dma_wait3A_662 = tpu.memref_squeeze %dma_wait3A_661 : memref<1x128xi32, #tpu.memory_space<vmem>> -> memref<128xi32, #tpu.memory_space<vmem>>
    %dma_wait3A_663 = arith.constant 0 : i32
    %dma_wait3A_664 = tpu.memref_slice %arg5[%dma_wait3A_659, %dma_wait3A_663] : memref<64x128xi32, #tpu.memory_space<vmem>> -> memref<1x128xi32, #tpu.memory_space<vmem>>
    %dma_wait3A_665 = tpu.memref_squeeze %dma_wait3A_664 : memref<1x128xi32, #tpu.memory_space<vmem>> -> memref<128xi32, #tpu.memory_space<vmem>>
    %dma_wait3A_666 = arith.constant 0 : i32
    %dma_wait3A_667 = tpu.memref_slice %arg7[%dma_wait3A_666] : memref<147456xi32, #tpu.memory_space<vmem_shared>> -> memref<147456xi32, #tpu.memory_space<vmem_shared>>
    tpu.wait_indirect_dma semaphore(%arg10 : memref<!tpu.dma_semaphore, #tpu.memory_space<semaphore_mem>>) src(%dma_wait3A_662 : memref<128xi32, #tpu.memory_space<vmem>>) dst(%dma_wait3A_667 : memref<147456xi32, #tpu.memory_space<vmem_shared>>)
    %dma_wait3A_668 = arith.constant 2 : i32
    %dma_wait3A_669 = arith.constant 2 : i32
    %dma_wait3A_670 = arith.constant 0 : i32
    %dma_wait3A_671 = tpu.memref_slice %arg6[%dma_wait3A_668, %dma_wait3A_670] : memref<64x128xi32, #tpu.memory_space<vmem>> -> memref<1x128xi32, #tpu.memory_space<vmem>>
    %dma_wait3A_672 = tpu.memref_squeeze %dma_wait3A_671 : memref<1x128xi32, #tpu.memory_space<vmem>> -> memref<128xi32, #tpu.memory_space<vmem>>
    %dma_wait3A_673 = arith.constant 0 : i32
    %dma_wait3A_674 = tpu.memref_slice %arg5[%dma_wait3A_669, %dma_wait3A_673] : memref<64x128xi32, #tpu.memory_space<vmem>> -> memref<1x128xi32, #tpu.memory_space<vmem>>
    %dma_wait3A_675 = tpu.memref_squeeze %dma_wait3A_674 : memref<1x128xi32, #tpu.memory_space<vmem>> -> memref<128xi32, #tpu.memory_space<vmem>>
    %dma_wait3A_676 = arith.constant 0 : i32
    %dma_wait3A_677 = tpu.memref_slice %arg7[%dma_wait3A_676] : memref<147456xi32, #tpu.memory_space<vmem_shared>> -> memref<147456xi32, #tpu.memory_space<vmem_shared>>
    tpu.wait_indirect_dma semaphore(%arg10 : memref<!tpu.dma_semaphore, #tpu.memory_space<semaphore_mem>>) src(%dma_wait3A_672 : memref<128xi32, #tpu.memory_space<vmem>>) dst(%dma_wait3A_677 : memref<147456xi32, #tpu.memory_space<vmem_shared>>)
    %dma_wait3A_678 = arith.constant 3 : i32
    %dma_wait3A_679 = arith.constant 3 : i32
    %dma_wait3A_680 = arith.constant 0 : i32
    %dma_wait3A_681 = tpu.memref_slice %arg6[%dma_wait3A_678, %dma_wait3A_680] : memref<64x128xi32, #tpu.memory_space<vmem>> -> memref<1x128xi32, #tpu.memory_space<vmem>>
    %dma_wait3A_682 = tpu.memref_squeeze %dma_wait3A_681 : memref<1x128xi32, #tpu.memory_space<vmem>> -> memref<128xi32, #tpu.memory_space<vmem>>
    %dma_wait3A_683 = arith.constant 0 : i32
    %dma_wait3A_684 = tpu.memref_slice %arg5[%dma_wait3A_679, %dma_wait3A_683] : memref<64x128xi32, #tpu.memory_space<vmem>> -> memref<1x128xi32, #tpu.memory_space<vmem>>
    %dma_wait3A_685 = tpu.memref_squeeze %dma_wait3A_684 : memref<1x128xi32, #tpu.memory_space<vmem>> -> memref<128xi32, #tpu.memory_space<vmem>>
    %dma_wait3A_686 = arith.constant 0 : i32
    %dma_wait3A_687 = tpu.memref_slice %arg7[%dma_wait3A_686] : memref<147456xi32, #tpu.memory_space<vmem_shared>> -> memref<147456xi32, #tpu.memory_space<vmem_shared>>
    tpu.wait_indirect_dma semaphore(%arg10 : memref<!tpu.dma_semaphore, #tpu.memory_space<semaphore_mem>>) src(%dma_wait3A_682 : memref<128xi32, #tpu.memory_space<vmem>>) dst(%dma_wait3A_687 : memref<147456xi32, #tpu.memory_space<vmem_shared>>)
    %dma_wait3A_688 = arith.constant 4 : i32
    %dma_wait3A_689 = arith.constant 4 : i32
    %dma_wait3A_690 = arith.constant 0 : i32
    %dma_wait3A_691 = tpu.memref_slice %arg6[%dma_wait3A_688, %dma_wait3A_690] : memref<64x128xi32, #tpu.memory_space<vmem>> -> memref<1x128xi32, #tpu.memory_space<vmem>>
    %dma_wait3A_692 = tpu.memref_squeeze %dma_wait3A_691 : memref<1x128xi32, #tpu.memory_space<vmem>> -> memref<128xi32, #tpu.memory_space<vmem>>
    %dma_wait3A_693 = arith.constant 0 : i32
    %dma_wait3A_694 = tpu.memref_slice %arg5[%dma_wait3A_689, %dma_wait3A_693] : memref<64x128xi32, #tpu.memory_space<vmem>> -> memref<1x128xi32, #tpu.memory_space<vmem>>
    %dma_wait3A_695 = tpu.memref_squeeze %dma_wait3A_694 : memref<1x128xi32, #tpu.memory_space<vmem>> -> memref<128xi32, #tpu.memory_space<vmem>>
    %dma_wait3A_696 = arith.constant 0 : i32
    %dma_wait3A_697 = tpu.memref_slice %arg7[%dma_wait3A_696] : memref<147456xi32, #tpu.memory_space<vmem_shared>> -> memref<147456xi32, #tpu.memory_space<vmem_shared>>
    tpu.wait_indirect_dma semaphore(%arg10 : memref<!tpu.dma_semaphore, #tpu.memory_space<semaphore_mem>>) src(%dma_wait3A_692 : memref<128xi32, #tpu.memory_space<vmem>>) dst(%dma_wait3A_697 : memref<147456xi32, #tpu.memory_space<vmem_shared>>)
    %dma_wait3A_698 = arith.constant 5 : i32
    %dma_wait3A_699 = arith.constant 5 : i32
    %dma_wait3A_700 = arith.constant 0 : i32
    %dma_wait3A_701 = tpu.memref_slice %arg6[%dma_wait3A_698, %dma_wait3A_700] : memref<64x128xi32, #tpu.memory_space<vmem>> -> memref<1x128xi32, #tpu.memory_space<vmem>>
    %dma_wait3A_702 = tpu.memref_squeeze %dma_wait3A_701 : memref<1x128xi32, #tpu.memory_space<vmem>> -> memref<128xi32, #tpu.memory_space<vmem>>
    %dma_wait3A_703 = arith.constant 0 : i32
    %dma_wait3A_704 = tpu.memref_slice %arg5[%dma_wait3A_699, %dma_wait3A_703] : memref<64x128xi32, #tpu.memory_space<vmem>> -> memref<1x128xi32, #tpu.memory_space<vmem>>
    %dma_wait3A_705 = tpu.memref_squeeze %dma_wait3A_704 : memref<1x128xi32, #tpu.memory_space<vmem>> -> memref<128xi32, #tpu.memory_space<vmem>>
    %dma_wait3A_706 = arith.constant 0 : i32
    %dma_wait3A_707 = tpu.memref_slice %arg7[%dma_wait3A_706] : memref<147456xi32, #tpu.memory_space<vmem_shared>> -> memref<147456xi32, #tpu.memory_space<vmem_shared>>
    tpu.wait_indirect_dma semaphore(%arg10 : memref<!tpu.dma_semaphore, #tpu.memory_space<semaphore_mem>>) src(%dma_wait3A_702 : memref<128xi32, #tpu.memory_space<vmem>>) dst(%dma_wait3A_707 : memref<147456xi32, #tpu.memory_space<vmem_shared>>)
    %dma_wait3A_708 = arith.constant 6 : i32
    %dma_wait3A_709 = arith.constant 6 : i32
    %dma_wait3A_710 = arith.constant 0 : i32
    %dma_wait3A_711 = tpu.memref_slice %arg6[%dma_wait3A_708, %dma_wait3A_710] : memref<64x128xi32, #tpu.memory_space<vmem>> -> memref<1x128xi32, #tpu.memory_space<vmem>>
    %dma_wait3A_712 = tpu.memref_squeeze %dma_wait3A_711 : memref<1x128xi32, #tpu.memory_space<vmem>> -> memref<128xi32, #tpu.memory_space<vmem>>
    %dma_wait3A_713 = arith.constant 0 : i32
    %dma_wait3A_714 = tpu.memref_slice %arg5[%dma_wait3A_709, %dma_wait3A_713] : memref<64x128xi32, #tpu.memory_space<vmem>> -> memref<1x128xi32, #tpu.memory_space<vmem>>
    %dma_wait3A_715 = tpu.memref_squeeze %dma_wait3A_714 : memref<1x128xi32, #tpu.memory_space<vmem>> -> memref<128xi32, #tpu.memory_space<vmem>>
    %dma_wait3A_716 = arith.constant 0 : i32
    %dma_wait3A_717 = tpu.memref_slice %arg7[%dma_wait3A_716] : memref<147456xi32, #tpu.memory_space<vmem_shared>> -> memref<147456xi32, #tpu.memory_space<vmem_shared>>
    tpu.wait_indirect_dma semaphore(%arg10 : memref<!tpu.dma_semaphore, #tpu.memory_space<semaphore_mem>>) src(%dma_wait3A_712 : memref<128xi32, #tpu.memory_space<vmem>>) dst(%dma_wait3A_717 : memref<147456xi32, #tpu.memory_space<vmem_shared>>)
    %dma_wait3A_718 = arith.constant 7 : i32
    %dma_wait3A_719 = arith.constant 7 : i32
    %dma_wait3A_720 = arith.constant 0 : i32
    %dma_wait3A_721 = tpu.memref_slice %arg6[%dma_wait3A_718, %dma_wait3A_720] : memref<64x128xi32, #tpu.memory_space<vmem>> -> memref<1x128xi32, #tpu.memory_space<vmem>>
    %dma_wait3A_722 = tpu.memref_squeeze %dma_wait3A_721 : memref<1x128xi32, #tpu.memory_space<vmem>> -> memref<128xi32, #tpu.memory_space<vmem>>
    %dma_wait3A_723 = arith.constant 0 : i32
    %dma_wait3A_724 = tpu.memref_slice %arg5[%dma_wait3A_719, %dma_wait3A_723] : memref<64x128xi32, #tpu.memory_space<vmem>> -> memref<1x128xi32, #tpu.memory_space<vmem>>
    %dma_wait3A_725 = tpu.memref_squeeze %dma_wait3A_724 : memref<1x128xi32, #tpu.memory_space<vmem>> -> memref<128xi32, #tpu.memory_space<vmem>>
    %dma_wait3A_726 = arith.constant 0 : i32
    %dma_wait3A_727 = tpu.memref_slice %arg7[%dma_wait3A_726] : memref<147456xi32, #tpu.memory_space<vmem_shared>> -> memref<147456xi32, #tpu.memory_space<vmem_shared>>
    tpu.wait_indirect_dma semaphore(%arg10 : memref<!tpu.dma_semaphore, #tpu.memory_space<semaphore_mem>>) src(%dma_wait3A_722 : memref<128xi32, #tpu.memory_space<vmem>>) dst(%dma_wait3A_727 : memref<147456xi32, #tpu.memory_space<vmem_shared>>)
    %dma_wait3A_728 = arith.constant 8 : i32
    %dma_wait3A_729 = arith.constant 8 : i32
    %dma_wait3A_730 = arith.constant 0 : i32
    %dma_wait3A_731 = tpu.memref_slice %arg6[%dma_wait3A_728, %dma_wait3A_730] : memref<64x128xi32, #tpu.memory_space<vmem>> -> memref<1x128xi32, #tpu.memory_space<vmem>>
    %dma_wait3A_732 = tpu.memref_squeeze %dma_wait3A_731 : memref<1x128xi32, #tpu.memory_space<vmem>> -> memref<128xi32, #tpu.memory_space<vmem>>
    %dma_wait3A_733 = arith.constant 0 : i32
    %dma_wait3A_734 = tpu.memref_slice %arg5[%dma_wait3A_729, %dma_wait3A_733] : memref<64x128xi32, #tpu.memory_space<vmem>> -> memref<1x128xi32, #tpu.memory_space<vmem>>
    %dma_wait3A_735 = tpu.memref_squeeze %dma_wait3A_734 : memref<1x128xi32, #tpu.memory_space<vmem>> -> memref<128xi32, #tpu.memory_space<vmem>>
    %dma_wait3A_736 = arith.constant 0 : i32
    %dma_wait3A_737 = tpu.memref_slice %arg7[%dma_wait3A_736] : memref<147456xi32, #tpu.memory_space<vmem_shared>> -> memref<147456xi32, #tpu.memory_space<vmem_shared>>
    tpu.wait_indirect_dma semaphore(%arg10 : memref<!tpu.dma_semaphore, #tpu.memory_space<semaphore_mem>>) src(%dma_wait3A_732 : memref<128xi32, #tpu.memory_space<vmem>>) dst(%dma_wait3A_737 : memref<147456xi32, #tpu.memory_space<vmem_shared>>)
    %dma_wait3A_738 = arith.constant 9 : i32
    %dma_wait3A_739 = arith.constant 9 : i32
    %dma_wait3A_740 = arith.constant 0 : i32
    %dma_wait3A_741 = tpu.memref_slice %arg6[%dma_wait3A_738, %dma_wait3A_740] : memref<64x128xi32, #tpu.memory_space<vmem>> -> memref<1x128xi32, #tpu.memory_space<vmem>>
    %dma_wait3A_742 = tpu.memref_squeeze %dma_wait3A_741 : memref<1x128xi32, #tpu.memory_space<vmem>> -> memref<128xi32, #tpu.memory_space<vmem>>
    %dma_wait3A_743 = arith.constant 0 : i32
    %dma_wait3A_744 = tpu.memref_slice %arg5[%dma_wait3A_739, %dma_wait3A_743] : memref<64x128xi32, #tpu.memory_space<vmem>> -> memref<1x128xi32, #tpu.memory_space<vmem>>
    %dma_wait3A_745 = tpu.memref_squeeze %dma_wait3A_744 : memref<1x128xi32, #tpu.memory_space<vmem>> -> memref<128xi32, #tpu.memory_space<vmem>>
    %dma_wait3A_746 = arith.constant 0 : i32
    %dma_wait3A_747 = tpu.memref_slice %arg7[%dma_wait3A_746] : memref<147456xi32, #tpu.memory_space<vmem_shared>> -> memref<147456xi32, #tpu.memory_space<vmem_shared>>
    tpu.wait_indirect_dma semaphore(%arg10 : memref<!tpu.dma_semaphore, #tpu.memory_space<semaphore_mem>>) src(%dma_wait3A_742 : memref<128xi32, #tpu.memory_space<vmem>>) dst(%dma_wait3A_747 : memref<147456xi32, #tpu.memory_space<vmem_shared>>)
    %dma_wait3A_748 = arith.constant 10 : i32
    %dma_wait3A_749 = arith.constant 10 : i32
    %dma_wait3A_750 = arith.constant 0 : i32
    %dma_wait3A_751 = tpu.memref_slice %arg6[%dma_wait3A_748, %dma_wait3A_750] : memref<64x128xi32, #tpu.memory_space<vmem>> -> memref<1x128xi32, #tpu.memory_space<vmem>>
    %dma_wait3A_752 = tpu.memref_squeeze %dma_wait3A_751 : memref<1x128xi32, #tpu.memory_space<vmem>> -> memref<128xi32, #tpu.memory_space<vmem>>
    %dma_wait3A_753 = arith.constant 0 : i32
    %dma_wait3A_754 = tpu.memref_slice %arg5[%dma_wait3A_749, %dma_wait3A_753] : memref<64x128xi32, #tpu.memory_space<vmem>> -> memref<1x128xi32, #tpu.memory_space<vmem>>
    %dma_wait3A_755 = tpu.memref_squeeze %dma_wait3A_754 : memref<1x128xi32, #tpu.memory_space<vmem>> -> memref<128xi32, #tpu.memory_space<vmem>>
    %dma_wait3A_756 = arith.constant 0 : i32
    %dma_wait3A_757 = tpu.memref_slice %arg7[%dma_wait3A_756] : memref<147456xi32, #tpu.memory_space<vmem_shared>> -> memref<147456xi32, #tpu.memory_space<vmem_shared>>
    tpu.wait_indirect_dma semaphore(%arg10 : memref<!tpu.dma_semaphore, #tpu.memory_space<semaphore_mem>>) src(%dma_wait3A_752 : memref<128xi32, #tpu.memory_space<vmem>>) dst(%dma_wait3A_757 : memref<147456xi32, #tpu.memory_space<vmem_shared>>)
    %dma_wait3A_758 = arith.constant 11 : i32
    %dma_wait3A_759 = arith.constant 11 : i32
    %dma_wait3A_760 = arith.constant 0 : i32
    %dma_wait3A_761 = tpu.memref_slice %arg6[%dma_wait3A_758, %dma_wait3A_760] : memref<64x128xi32, #tpu.memory_space<vmem>> -> memref<1x128xi32, #tpu.memory_space<vmem>>
    %dma_wait3A_762 = tpu.memref_squeeze %dma_wait3A_761 : memref<1x128xi32, #tpu.memory_space<vmem>> -> memref<128xi32, #tpu.memory_space<vmem>>
    %dma_wait3A_763 = arith.constant 0 : i32
    %dma_wait3A_764 = tpu.memref_slice %arg5[%dma_wait3A_759, %dma_wait3A_763] : memref<64x128xi32, #tpu.memory_space<vmem>> -> memref<1x128xi32, #tpu.memory_space<vmem>>
    %dma_wait3A_765 = tpu.memref_squeeze %dma_wait3A_764 : memref<1x128xi32, #tpu.memory_space<vmem>> -> memref<128xi32, #tpu.memory_space<vmem>>
    %dma_wait3A_766 = arith.constant 0 : i32
    %dma_wait3A_767 = tpu.memref_slice %arg7[%dma_wait3A_766] : memref<147456xi32, #tpu.memory_space<vmem_shared>> -> memref<147456xi32, #tpu.memory_space<vmem_shared>>
    tpu.wait_indirect_dma semaphore(%arg10 : memref<!tpu.dma_semaphore, #tpu.memory_space<semaphore_mem>>) src(%dma_wait3A_762 : memref<128xi32, #tpu.memory_space<vmem>>) dst(%dma_wait3A_767 : memref<147456xi32, #tpu.memory_space<vmem_shared>>)
    %dma_wait3A_768 = arith.constant 12 : i32
    %dma_wait3A_769 = arith.constant 12 : i32
    %dma_wait3A_770 = arith.constant 0 : i32
    %dma_wait3A_771 = tpu.memref_slice %arg6[%dma_wait3A_768, %dma_wait3A_770] : memref<64x128xi32, #tpu.memory_space<vmem>> -> memref<1x128xi32, #tpu.memory_space<vmem>>
    %dma_wait3A_772 = tpu.memref_squeeze %dma_wait3A_771 : memref<1x128xi32, #tpu.memory_space<vmem>> -> memref<128xi32, #tpu.memory_space<vmem>>
    %dma_wait3A_773 = arith.constant 0 : i32
    %dma_wait3A_774 = tpu.memref_slice %arg5[%dma_wait3A_769, %dma_wait3A_773] : memref<64x128xi32, #tpu.memory_space<vmem>> -> memref<1x128xi32, #tpu.memory_space<vmem>>
    %dma_wait3A_775 = tpu.memref_squeeze %dma_wait3A_774 : memref<1x128xi32, #tpu.memory_space<vmem>> -> memref<128xi32, #tpu.memory_space<vmem>>
    %dma_wait3A_776 = arith.constant 0 : i32
    %dma_wait3A_777 = tpu.memref_slice %arg7[%dma_wait3A_776] : memref<147456xi32, #tpu.memory_space<vmem_shared>> -> memref<147456xi32, #tpu.memory_space<vmem_shared>>
    tpu.wait_indirect_dma semaphore(%arg10 : memref<!tpu.dma_semaphore, #tpu.memory_space<semaphore_mem>>) src(%dma_wait3A_772 : memref<128xi32, #tpu.memory_space<vmem>>) dst(%dma_wait3A_777 : memref<147456xi32, #tpu.memory_space<vmem_shared>>)
    %dma_wait3A_778 = arith.constant 13 : i32
    %dma_wait3A_779 = arith.constant 13 : i32
    %dma_wait3A_780 = arith.constant 0 : i32
    %dma_wait3A_781 = tpu.memref_slice %arg6[%dma_wait3A_778, %dma_wait3A_780] : memref<64x128xi32, #tpu.memory_space<vmem>> -> memref<1x128xi32, #tpu.memory_space<vmem>>
    %dma_wait3A_782 = tpu.memref_squeeze %dma_wait3A_781 : memref<1x128xi32, #tpu.memory_space<vmem>> -> memref<128xi32, #tpu.memory_space<vmem>>
    %dma_wait3A_783 = arith.constant 0 : i32
    %dma_wait3A_784 = tpu.memref_slice %arg5[%dma_wait3A_779, %dma_wait3A_783] : memref<64x128xi32, #tpu.memory_space<vmem>> -> memref<1x128xi32, #tpu.memory_space<vmem>>
    %dma_wait3A_785 = tpu.memref_squeeze %dma_wait3A_784 : memref<1x128xi32, #tpu.memory_space<vmem>> -> memref<128xi32, #tpu.memory_space<vmem>>
    %dma_wait3A_786 = arith.constant 0 : i32
    %dma_wait3A_787 = tpu.memref_slice %arg7[%dma_wait3A_786] : memref<147456xi32, #tpu.memory_space<vmem_shared>> -> memref<147456xi32, #tpu.memory_space<vmem_shared>>
    tpu.wait_indirect_dma semaphore(%arg10 : memref<!tpu.dma_semaphore, #tpu.memory_space<semaphore_mem>>) src(%dma_wait3A_782 : memref<128xi32, #tpu.memory_space<vmem>>) dst(%dma_wait3A_787 : memref<147456xi32, #tpu.memory_space<vmem_shared>>)
    %dma_wait3A_788 = arith.constant 14 : i32
    %dma_wait3A_789 = arith.constant 14 : i32
    %dma_wait3A_790 = arith.constant 0 : i32
    %dma_wait3A_791 = tpu.memref_slice %arg6[%dma_wait3A_788, %dma_wait3A_790] : memref<64x128xi32, #tpu.memory_space<vmem>> -> memref<1x128xi32, #tpu.memory_space<vmem>>
    %dma_wait3A_792 = tpu.memref_squeeze %dma_wait3A_791 : memref<1x128xi32, #tpu.memory_space<vmem>> -> memref<128xi32, #tpu.memory_space<vmem>>
    %dma_wait3A_793 = arith.constant 0 : i32
    %dma_wait3A_794 = tpu.memref_slice %arg5[%dma_wait3A_789, %dma_wait3A_793] : memref<64x128xi32, #tpu.memory_space<vmem>> -> memref<1x128xi32, #tpu.memory_space<vmem>>
    %dma_wait3A_795 = tpu.memref_squeeze %dma_wait3A_794 : memref<1x128xi32, #tpu.memory_space<vmem>> -> memref<128xi32, #tpu.memory_space<vmem>>
    %dma_wait3A_796 = arith.constant 0 : i32
    %dma_wait3A_797 = tpu.memref_slice %arg7[%dma_wait3A_796] : memref<147456xi32, #tpu.memory_space<vmem_shared>> -> memref<147456xi32, #tpu.memory_space<vmem_shared>>
    tpu.wait_indirect_dma semaphore(%arg10 : memref<!tpu.dma_semaphore, #tpu.memory_space<semaphore_mem>>) src(%dma_wait3A_792 : memref<128xi32, #tpu.memory_space<vmem>>) dst(%dma_wait3A_797 : memref<147456xi32, #tpu.memory_space<vmem_shared>>)
    %dma_wait3A_798 = arith.constant 15 : i32
    %dma_wait3A_799 = arith.constant 15 : i32
    %dma_wait3A_800 = arith.constant 0 : i32
    %dma_wait3A_801 = tpu.memref_slice %arg6[%dma_wait3A_798, %dma_wait3A_800] : memref<64x128xi32, #tpu.memory_space<vmem>> -> memref<1x128xi32, #tpu.memory_space<vmem>>
    %dma_wait3A_802 = tpu.memref_squeeze %dma_wait3A_801 : memref<1x128xi32, #tpu.memory_space<vmem>> -> memref<128xi32, #tpu.memory_space<vmem>>
    %dma_wait3A_803 = arith.constant 0 : i32
    %dma_wait3A_804 = tpu.memref_slice %arg5[%dma_wait3A_799, %dma_wait3A_803] : memref<64x128xi32, #tpu.memory_space<vmem>> -> memref<1x128xi32, #tpu.memory_space<vmem>>
    %dma_wait3A_805 = tpu.memref_squeeze %dma_wait3A_804 : memref<1x128xi32, #tpu.memory_space<vmem>> -> memref<128xi32, #tpu.memory_space<vmem>>
    %dma_wait3A_806 = arith.constant 0 : i32
    %dma_wait3A_807 = tpu.memref_slice %arg7[%dma_wait3A_806] : memref<147456xi32, #tpu.memory_space<vmem_shared>> -> memref<147456xi32, #tpu.memory_space<vmem_shared>>
    tpu.wait_indirect_dma semaphore(%arg10 : memref<!tpu.dma_semaphore, #tpu.memory_space<semaphore_mem>>) src(%dma_wait3A_802 : memref<128xi32, #tpu.memory_space<vmem>>) dst(%dma_wait3A_807 : memref<147456xi32, #tpu.memory_space<vmem_shared>>)
    %dma_wait3A_808 = arith.constant 16 : i32
    %dma_wait3A_809 = arith.constant 16 : i32
    %dma_wait3A_810 = arith.constant 0 : i32
    %dma_wait3A_811 = tpu.memref_slice %arg6[%dma_wait3A_808, %dma_wait3A_810] : memref<64x128xi32, #tpu.memory_space<vmem>> -> memref<1x128xi32, #tpu.memory_space<vmem>>
    %dma_wait3A_812 = tpu.memref_squeeze %dma_wait3A_811 : memref<1x128xi32, #tpu.memory_space<vmem>> -> memref<128xi32, #tpu.memory_space<vmem>>
    %dma_wait3A_813 = arith.constant 0 : i32
    %dma_wait3A_814 = tpu.memref_slice %arg5[%dma_wait3A_809, %dma_wait3A_813] : memref<64x128xi32, #tpu.memory_space<vmem>> -> memref<1x128xi32, #tpu.memory_space<vmem>>
    %dma_wait3A_815 = tpu.memref_squeeze %dma_wait3A_814 : memref<1x128xi32, #tpu.memory_space<vmem>> -> memref<128xi32, #tpu.memory_space<vmem>>
    %dma_wait3A_816 = arith.constant 0 : i32
    %dma_wait3A_817 = tpu.memref_slice %arg7[%dma_wait3A_816] : memref<147456xi32, #tpu.memory_space<vmem_shared>> -> memref<147456xi32, #tpu.memory_space<vmem_shared>>
    tpu.wait_indirect_dma semaphore(%arg10 : memref<!tpu.dma_semaphore, #tpu.memory_space<semaphore_mem>>) src(%dma_wait3A_812 : memref<128xi32, #tpu.memory_space<vmem>>) dst(%dma_wait3A_817 : memref<147456xi32, #tpu.memory_space<vmem_shared>>)
    %dma_wait3A_818 = arith.constant 17 : i32
    %dma_wait3A_819 = arith.constant 17 : i32
    %dma_wait3A_820 = arith.constant 0 : i32
    %dma_wait3A_821 = tpu.memref_slice %arg6[%dma_wait3A_818, %dma_wait3A_820] : memref<64x128xi32, #tpu.memory_space<vmem>> -> memref<1x128xi32, #tpu.memory_space<vmem>>
    %dma_wait3A_822 = tpu.memref_squeeze %dma_wait3A_821 : memref<1x128xi32, #tpu.memory_space<vmem>> -> memref<128xi32, #tpu.memory_space<vmem>>
    %dma_wait3A_823 = arith.constant 0 : i32
    %dma_wait3A_824 = tpu.memref_slice %arg5[%dma_wait3A_819, %dma_wait3A_823] : memref<64x128xi32, #tpu.memory_space<vmem>> -> memref<1x128xi32, #tpu.memory_space<vmem>>
    %dma_wait3A_825 = tpu.memref_squeeze %dma_wait3A_824 : memref<1x128xi32, #tpu.memory_space<vmem>> -> memref<128xi32, #tpu.memory_space<vmem>>
    %dma_wait3A_826 = arith.constant 0 : i32
    %dma_wait3A_827 = tpu.memref_slice %arg7[%dma_wait3A_826] : memref<147456xi32, #tpu.memory_space<vmem_shared>> -> memref<147456xi32, #tpu.memory_space<vmem_shared>>
    tpu.wait_indirect_dma semaphore(%arg10 : memref<!tpu.dma_semaphore, #tpu.memory_space<semaphore_mem>>) src(%dma_wait3A_822 : memref<128xi32, #tpu.memory_space<vmem>>) dst(%dma_wait3A_827 : memref<147456xi32, #tpu.memory_space<vmem_shared>>)
    %dma_wait3A_828 = arith.constant 18 : i32
    %dma_wait3A_829 = arith.constant 18 : i32
    %dma_wait3A_830 = arith.constant 0 : i32
    %dma_wait3A_831 = tpu.memref_slice %arg6[%dma_wait3A_828, %dma_wait3A_830] : memref<64x128xi32, #tpu.memory_space<vmem>> -> memref<1x128xi32, #tpu.memory_space<vmem>>
    %dma_wait3A_832 = tpu.memref_squeeze %dma_wait3A_831 : memref<1x128xi32, #tpu.memory_space<vmem>> -> memref<128xi32, #tpu.memory_space<vmem>>
    %dma_wait3A_833 = arith.constant 0 : i32
    %dma_wait3A_834 = tpu.memref_slice %arg5[%dma_wait3A_829, %dma_wait3A_833] : memref<64x128xi32, #tpu.memory_space<vmem>> -> memref<1x128xi32, #tpu.memory_space<vmem>>
    %dma_wait3A_835 = tpu.memref_squeeze %dma_wait3A_834 : memref<1x128xi32, #tpu.memory_space<vmem>> -> memref<128xi32, #tpu.memory_space<vmem>>
    %dma_wait3A_836 = arith.constant 0 : i32
    %dma_wait3A_837 = tpu.memref_slice %arg7[%dma_wait3A_836] : memref<147456xi32, #tpu.memory_space<vmem_shared>> -> memref<147456xi32, #tpu.memory_space<vmem_shared>>
    tpu.wait_indirect_dma semaphore(%arg10 : memref<!tpu.dma_semaphore, #tpu.memory_space<semaphore_mem>>) src(%dma_wait3A_832 : memref<128xi32, #tpu.memory_space<vmem>>) dst(%dma_wait3A_837 : memref<147456xi32, #tpu.memory_space<vmem_shared>>)
    %dma_wait3A_838 = arith.constant 19 : i32
    %dma_wait3A_839 = arith.constant 19 : i32
    %dma_wait3A_840 = arith.constant 0 : i32
    %dma_wait3A_841 = tpu.memref_slice %arg6[%dma_wait3A_838, %dma_wait3A_840] : memref<64x128xi32, #tpu.memory_space<vmem>> -> memref<1x128xi32, #tpu.memory_space<vmem>>
    %dma_wait3A_842 = tpu.memref_squeeze %dma_wait3A_841 : memref<1x128xi32, #tpu.memory_space<vmem>> -> memref<128xi32, #tpu.memory_space<vmem>>
    %dma_wait3A_843 = arith.constant 0 : i32
    %dma_wait3A_844 = tpu.memref_slice %arg5[%dma_wait3A_839, %dma_wait3A_843] : memref<64x128xi32, #tpu.memory_space<vmem>> -> memref<1x128xi32, #tpu.memory_space<vmem>>
    %dma_wait3A_845 = tpu.memref_squeeze %dma_wait3A_844 : memref<1x128xi32, #tpu.memory_space<vmem>> -> memref<128xi32, #tpu.memory_space<vmem>>
    %dma_wait3A_846 = arith.constant 0 : i32
    %dma_wait3A_847 = tpu.memref_slice %arg7[%dma_wait3A_846] : memref<147456xi32, #tpu.memory_space<vmem_shared>> -> memref<147456xi32, #tpu.memory_space<vmem_shared>>
    tpu.wait_indirect_dma semaphore(%arg10 : memref<!tpu.dma_semaphore, #tpu.memory_space<semaphore_mem>>) src(%dma_wait3A_842 : memref<128xi32, #tpu.memory_space<vmem>>) dst(%dma_wait3A_847 : memref<147456xi32, #tpu.memory_space<vmem_shared>>)
    %dma_wait3A_848 = arith.constant 20 : i32
    %dma_wait3A_849 = arith.constant 20 : i32
    %dma_wait3A_850 = arith.constant 0 : i32
    %dma_wait3A_851 = tpu.memref_slice %arg6[%dma_wait3A_848, %dma_wait3A_850] : memref<64x128xi32, #tpu.memory_space<vmem>> -> memref<1x128xi32, #tpu.memory_space<vmem>>
    %dma_wait3A_852 = tpu.memref_squeeze %dma_wait3A_851 : memref<1x128xi32, #tpu.memory_space<vmem>> -> memref<128xi32, #tpu.memory_space<vmem>>
    %dma_wait3A_853 = arith.constant 0 : i32
    %dma_wait3A_854 = tpu.memref_slice %arg5[%dma_wait3A_849, %dma_wait3A_853] : memref<64x128xi32, #tpu.memory_space<vmem>> -> memref<1x128xi32, #tpu.memory_space<vmem>>
    %dma_wait3A_855 = tpu.memref_squeeze %dma_wait3A_854 : memref<1x128xi32, #tpu.memory_space<vmem>> -> memref<128xi32, #tpu.memory_space<vmem>>
    %dma_wait3A_856 = arith.constant 0 : i32
    %dma_wait3A_857 = tpu.memref_slice %arg7[%dma_wait3A_856] : memref<147456xi32, #tpu.memory_space<vmem_shared>> -> memref<147456xi32, #tpu.memory_space<vmem_shared>>
    tpu.wait_indirect_dma semaphore(%arg10 : memref<!tpu.dma_semaphore, #tpu.memory_space<semaphore_mem>>) src(%dma_wait3A_852 : memref<128xi32, #tpu.memory_space<vmem>>) dst(%dma_wait3A_857 : memref<147456xi32, #tpu.memory_space<vmem_shared>>)
    %dma_wait3A_858 = arith.constant 21 : i32
    %dma_wait3A_859 = arith.constant 21 : i32
    %dma_wait3A_860 = arith.constant 0 : i32
    %dma_wait3A_861 = tpu.memref_slice %arg6[%dma_wait3A_858, %dma_wait3A_860] : memref<64x128xi32, #tpu.memory_space<vmem>> -> memref<1x128xi32, #tpu.memory_space<vmem>>
    %dma_wait3A_862 = tpu.memref_squeeze %dma_wait3A_861 : memref<1x128xi32, #tpu.memory_space<vmem>> -> memref<128xi32, #tpu.memory_space<vmem>>
    %dma_wait3A_863 = arith.constant 0 : i32
    %dma_wait3A_864 = tpu.memref_slice %arg5[%dma_wait3A_859, %dma_wait3A_863] : memref<64x128xi32, #tpu.memory_space<vmem>> -> memref<1x128xi32, #tpu.memory_space<vmem>>
    %dma_wait3A_865 = tpu.memref_squeeze %dma_wait3A_864 : memref<1x128xi32, #tpu.memory_space<vmem>> -> memref<128xi32, #tpu.memory_space<vmem>>
    %dma_wait3A_866 = arith.constant 0 : i32
    %dma_wait3A_867 = tpu.memref_slice %arg7[%dma_wait3A_866] : memref<147456xi32, #tpu.memory_space<vmem_shared>> -> memref<147456xi32, #tpu.memory_space<vmem_shared>>
    tpu.wait_indirect_dma semaphore(%arg10 : memref<!tpu.dma_semaphore, #tpu.memory_space<semaphore_mem>>) src(%dma_wait3A_862 : memref<128xi32, #tpu.memory_space<vmem>>) dst(%dma_wait3A_867 : memref<147456xi32, #tpu.memory_space<vmem_shared>>)
    %dma_wait3A_868 = arith.constant 22 : i32
    %dma_wait3A_869 = arith.constant 22 : i32
    %dma_wait3A_870 = arith.constant 0 : i32
    %dma_wait3A_871 = tpu.memref_slice %arg6[%dma_wait3A_868, %dma_wait3A_870] : memref<64x128xi32, #tpu.memory_space<vmem>> -> memref<1x128xi32, #tpu.memory_space<vmem>>
    %dma_wait3A_872 = tpu.memref_squeeze %dma_wait3A_871 : memref<1x128xi32, #tpu.memory_space<vmem>> -> memref<128xi32, #tpu.memory_space<vmem>>
    %dma_wait3A_873 = arith.constant 0 : i32
    %dma_wait3A_874 = tpu.memref_slice %arg5[%dma_wait3A_869, %dma_wait3A_873] : memref<64x128xi32, #tpu.memory_space<vmem>> -> memref<1x128xi32, #tpu.memory_space<vmem>>
    %dma_wait3A_875 = tpu.memref_squeeze %dma_wait3A_874 : memref<1x128xi32, #tpu.memory_space<vmem>> -> memref<128xi32, #tpu.memory_space<vmem>>
    %dma_wait3A_876 = arith.constant 0 : i32
    %dma_wait3A_877 = tpu.memref_slice %arg7[%dma_wait3A_876] : memref<147456xi32, #tpu.memory_space<vmem_shared>> -> memref<147456xi32, #tpu.memory_space<vmem_shared>>
    tpu.wait_indirect_dma semaphore(%arg10 : memref<!tpu.dma_semaphore, #tpu.memory_space<semaphore_mem>>) src(%dma_wait3A_872 : memref<128xi32, #tpu.memory_space<vmem>>) dst(%dma_wait3A_877 : memref<147456xi32, #tpu.memory_space<vmem_shared>>)
    %dma_wait3A_878 = arith.constant 23 : i32
    %dma_wait3A_879 = arith.constant 23 : i32
    %dma_wait3A_880 = arith.constant 0 : i32
    %dma_wait3A_881 = tpu.memref_slice %arg6[%dma_wait3A_878, %dma_wait3A_880] : memref<64x128xi32, #tpu.memory_space<vmem>> -> memref<1x128xi32, #tpu.memory_space<vmem>>
    %dma_wait3A_882 = tpu.memref_squeeze %dma_wait3A_881 : memref<1x128xi32, #tpu.memory_space<vmem>> -> memref<128xi32, #tpu.memory_space<vmem>>
    %dma_wait3A_883 = arith.constant 0 : i32
    %dma_wait3A_884 = tpu.memref_slice %arg5[%dma_wait3A_879, %dma_wait3A_883] : memref<64x128xi32, #tpu.memory_space<vmem>> -> memref<1x128xi32, #tpu.memory_space<vmem>>
    %dma_wait3A_885 = tpu.memref_squeeze %dma_wait3A_884 : memref<1x128xi32, #tpu.memory_space<vmem>> -> memref<128xi32, #tpu.memory_space<vmem>>
    %dma_wait3A_886 = arith.constant 0 : i32
    %dma_wait3A_887 = tpu.memref_slice %arg7[%dma_wait3A_886] : memref<147456xi32, #tpu.memory_space<vmem_shared>> -> memref<147456xi32, #tpu.memory_space<vmem_shared>>
    tpu.wait_indirect_dma semaphore(%arg10 : memref<!tpu.dma_semaphore, #tpu.memory_space<semaphore_mem>>) src(%dma_wait3A_882 : memref<128xi32, #tpu.memory_space<vmem>>) dst(%dma_wait3A_887 : memref<147456xi32, #tpu.memory_space<vmem_shared>>)
    %dma_wait3A_888 = arith.constant 24 : i32
    %dma_wait3A_889 = arith.constant 24 : i32
    %dma_wait3A_890 = arith.constant 0 : i32
    %dma_wait3A_891 = tpu.memref_slice %arg6[%dma_wait3A_888, %dma_wait3A_890] : memref<64x128xi32, #tpu.memory_space<vmem>> -> memref<1x128xi32, #tpu.memory_space<vmem>>
    %dma_wait3A_892 = tpu.memref_squeeze %dma_wait3A_891 : memref<1x128xi32, #tpu.memory_space<vmem>> -> memref<128xi32, #tpu.memory_space<vmem>>
    %dma_wait3A_893 = arith.constant 0 : i32
    %dma_wait3A_894 = tpu.memref_slice %arg5[%dma_wait3A_889, %dma_wait3A_893] : memref<64x128xi32, #tpu.memory_space<vmem>> -> memref<1x128xi32, #tpu.memory_space<vmem>>
    %dma_wait3A_895 = tpu.memref_squeeze %dma_wait3A_894 : memref<1x128xi32, #tpu.memory_space<vmem>> -> memref<128xi32, #tpu.memory_space<vmem>>
    %dma_wait3A_896 = arith.constant 0 : i32
    %dma_wait3A_897 = tpu.memref_slice %arg7[%dma_wait3A_896] : memref<147456xi32, #tpu.memory_space<vmem_shared>> -> memref<147456xi32, #tpu.memory_space<vmem_shared>>
    tpu.wait_indirect_dma semaphore(%arg10 : memref<!tpu.dma_semaphore, #tpu.memory_space<semaphore_mem>>) src(%dma_wait3A_892 : memref<128xi32, #tpu.memory_space<vmem>>) dst(%dma_wait3A_897 : memref<147456xi32, #tpu.memory_space<vmem_shared>>)
    %dma_wait3A_898 = arith.constant 25 : i32
    %dma_wait3A_899 = arith.constant 25 : i32
    %dma_wait3A_900 = arith.constant 0 : i32
    %dma_wait3A_901 = tpu.memref_slice %arg6[%dma_wait3A_898, %dma_wait3A_900] : memref<64x128xi32, #tpu.memory_space<vmem>> -> memref<1x128xi32, #tpu.memory_space<vmem>>
    %dma_wait3A_902 = tpu.memref_squeeze %dma_wait3A_901 : memref<1x128xi32, #tpu.memory_space<vmem>> -> memref<128xi32, #tpu.memory_space<vmem>>
    %dma_wait3A_903 = arith.constant 0 : i32
    %dma_wait3A_904 = tpu.memref_slice %arg5[%dma_wait3A_899, %dma_wait3A_903] : memref<64x128xi32, #tpu.memory_space<vmem>> -> memref<1x128xi32, #tpu.memory_space<vmem>>
    %dma_wait3A_905 = tpu.memref_squeeze %dma_wait3A_904 : memref<1x128xi32, #tpu.memory_space<vmem>> -> memref<128xi32, #tpu.memory_space<vmem>>
    %dma_wait3A_906 = arith.constant 0 : i32
    %dma_wait3A_907 = tpu.memref_slice %arg7[%dma_wait3A_906] : memref<147456xi32, #tpu.memory_space<vmem_shared>> -> memref<147456xi32, #tpu.memory_space<vmem_shared>>
    tpu.wait_indirect_dma semaphore(%arg10 : memref<!tpu.dma_semaphore, #tpu.memory_space<semaphore_mem>>) src(%dma_wait3A_902 : memref<128xi32, #tpu.memory_space<vmem>>) dst(%dma_wait3A_907 : memref<147456xi32, #tpu.memory_space<vmem_shared>>)
    %dma_wait3A_908 = arith.constant 26 : i32
    %dma_wait3A_909 = arith.constant 26 : i32
    %dma_wait3A_910 = arith.constant 0 : i32
    %dma_wait3A_911 = tpu.memref_slice %arg6[%dma_wait3A_908, %dma_wait3A_910] : memref<64x128xi32, #tpu.memory_space<vmem>> -> memref<1x128xi32, #tpu.memory_space<vmem>>
    %dma_wait3A_912 = tpu.memref_squeeze %dma_wait3A_911 : memref<1x128xi32, #tpu.memory_space<vmem>> -> memref<128xi32, #tpu.memory_space<vmem>>
    %dma_wait3A_913 = arith.constant 0 : i32
    %dma_wait3A_914 = tpu.memref_slice %arg5[%dma_wait3A_909, %dma_wait3A_913] : memref<64x128xi32, #tpu.memory_space<vmem>> -> memref<1x128xi32, #tpu.memory_space<vmem>>
    %dma_wait3A_915 = tpu.memref_squeeze %dma_wait3A_914 : memref<1x128xi32, #tpu.memory_space<vmem>> -> memref<128xi32, #tpu.memory_space<vmem>>
    %dma_wait3A_916 = arith.constant 0 : i32
    %dma_wait3A_917 = tpu.memref_slice %arg7[%dma_wait3A_916] : memref<147456xi32, #tpu.memory_space<vmem_shared>> -> memref<147456xi32, #tpu.memory_space<vmem_shared>>
    tpu.wait_indirect_dma semaphore(%arg10 : memref<!tpu.dma_semaphore, #tpu.memory_space<semaphore_mem>>) src(%dma_wait3A_912 : memref<128xi32, #tpu.memory_space<vmem>>) dst(%dma_wait3A_917 : memref<147456xi32, #tpu.memory_space<vmem_shared>>)
    %dma_wait3A_918 = arith.constant 27 : i32
    %dma_wait3A_919 = arith.constant 27 : i32
    %dma_wait3A_920 = arith.constant 0 : i32
    %dma_wait3A_921 = tpu.memref_slice %arg6[%dma_wait3A_918, %dma_wait3A_920] : memref<64x128xi32, #tpu.memory_space<vmem>> -> memref<1x128xi32, #tpu.memory_space<vmem>>
    %dma_wait3A_922 = tpu.memref_squeeze %dma_wait3A_921 : memref<1x128xi32, #tpu.memory_space<vmem>> -> memref<128xi32, #tpu.memory_space<vmem>>
    %dma_wait3A_923 = arith.constant 0 : i32
    %dma_wait3A_924 = tpu.memref_slice %arg5[%dma_wait3A_919, %dma_wait3A_923] : memref<64x128xi32, #tpu.memory_space<vmem>> -> memref<1x128xi32, #tpu.memory_space<vmem>>
    %dma_wait3A_925 = tpu.memref_squeeze %dma_wait3A_924 : memref<1x128xi32, #tpu.memory_space<vmem>> -> memref<128xi32, #tpu.memory_space<vmem>>
    %dma_wait3A_926 = arith.constant 0 : i32
    %dma_wait3A_927 = tpu.memref_slice %arg7[%dma_wait3A_926] : memref<147456xi32, #tpu.memory_space<vmem_shared>> -> memref<147456xi32, #tpu.memory_space<vmem_shared>>
    tpu.wait_indirect_dma semaphore(%arg10 : memref<!tpu.dma_semaphore, #tpu.memory_space<semaphore_mem>>) src(%dma_wait3A_922 : memref<128xi32, #tpu.memory_space<vmem>>) dst(%dma_wait3A_927 : memref<147456xi32, #tpu.memory_space<vmem_shared>>)
    %dma_wait3A_928 = arith.constant 28 : i32
    %dma_wait3A_929 = arith.constant 28 : i32
    %dma_wait3A_930 = arith.constant 0 : i32
    %dma_wait3A_931 = tpu.memref_slice %arg6[%dma_wait3A_928, %dma_wait3A_930] : memref<64x128xi32, #tpu.memory_space<vmem>> -> memref<1x128xi32, #tpu.memory_space<vmem>>
    %dma_wait3A_932 = tpu.memref_squeeze %dma_wait3A_931 : memref<1x128xi32, #tpu.memory_space<vmem>> -> memref<128xi32, #tpu.memory_space<vmem>>
    %dma_wait3A_933 = arith.constant 0 : i32
    %dma_wait3A_934 = tpu.memref_slice %arg5[%dma_wait3A_929, %dma_wait3A_933] : memref<64x128xi32, #tpu.memory_space<vmem>> -> memref<1x128xi32, #tpu.memory_space<vmem>>
    %dma_wait3A_935 = tpu.memref_squeeze %dma_wait3A_934 : memref<1x128xi32, #tpu.memory_space<vmem>> -> memref<128xi32, #tpu.memory_space<vmem>>
    %dma_wait3A_936 = arith.constant 0 : i32
    %dma_wait3A_937 = tpu.memref_slice %arg7[%dma_wait3A_936] : memref<147456xi32, #tpu.memory_space<vmem_shared>> -> memref<147456xi32, #tpu.memory_space<vmem_shared>>
    tpu.wait_indirect_dma semaphore(%arg10 : memref<!tpu.dma_semaphore, #tpu.memory_space<semaphore_mem>>) src(%dma_wait3A_932 : memref<128xi32, #tpu.memory_space<vmem>>) dst(%dma_wait3A_937 : memref<147456xi32, #tpu.memory_space<vmem_shared>>)
    %dma_wait3A_938 = arith.constant 29 : i32
    %dma_wait3A_939 = arith.constant 29 : i32
    %dma_wait3A_940 = arith.constant 0 : i32
    %dma_wait3A_941 = tpu.memref_slice %arg6[%dma_wait3A_938, %dma_wait3A_940] : memref<64x128xi32, #tpu.memory_space<vmem>> -> memref<1x128xi32, #tpu.memory_space<vmem>>
    %dma_wait3A_942 = tpu.memref_squeeze %dma_wait3A_941 : memref<1x128xi32, #tpu.memory_space<vmem>> -> memref<128xi32, #tpu.memory_space<vmem>>
    %dma_wait3A_943 = arith.constant 0 : i32
    %dma_wait3A_944 = tpu.memref_slice %arg5[%dma_wait3A_939, %dma_wait3A_943] : memref<64x128xi32, #tpu.memory_space<vmem>> -> memref<1x128xi32, #tpu.memory_space<vmem>>
    %dma_wait3A_945 = tpu.memref_squeeze %dma_wait3A_944 : memref<1x128xi32, #tpu.memory_space<vmem>> -> memref<128xi32, #tpu.memory_space<vmem>>
    %dma_wait3A_946 = arith.constant 0 : i32
    %dma_wait3A_947 = tpu.memref_slice %arg7[%dma_wait3A_946] : memref<147456xi32, #tpu.memory_space<vmem_shared>> -> memref<147456xi32, #tpu.memory_space<vmem_shared>>
    tpu.wait_indirect_dma semaphore(%arg10 : memref<!tpu.dma_semaphore, #tpu.memory_space<semaphore_mem>>) src(%dma_wait3A_942 : memref<128xi32, #tpu.memory_space<vmem>>) dst(%dma_wait3A_947 : memref<147456xi32, #tpu.memory_space<vmem_shared>>)
    %dma_wait3A_948 = arith.constant 30 : i32
    %dma_wait3A_949 = arith.constant 30 : i32
    %dma_wait3A_950 = arith.constant 0 : i32
    %dma_wait3A_951 = tpu.memref_slice %arg6[%dma_wait3A_948, %dma_wait3A_950] : memref<64x128xi32, #tpu.memory_space<vmem>> -> memref<1x128xi32, #tpu.memory_space<vmem>>
    %dma_wait3A_952 = tpu.memref_squeeze %dma_wait3A_951 : memref<1x128xi32, #tpu.memory_space<vmem>> -> memref<128xi32, #tpu.memory_space<vmem>>
    %dma_wait3A_953 = arith.constant 0 : i32
    %dma_wait3A_954 = tpu.memref_slice %arg5[%dma_wait3A_949, %dma_wait3A_953] : memref<64x128xi32, #tpu.memory_space<vmem>> -> memref<1x128xi32, #tpu.memory_space<vmem>>
    %dma_wait3A_955 = tpu.memref_squeeze %dma_wait3A_954 : memref<1x128xi32, #tpu.memory_space<vmem>> -> memref<128xi32, #tpu.memory_space<vmem>>
    %dma_wait3A_956 = arith.constant 0 : i32
    %dma_wait3A_957 = tpu.memref_slice %arg7[%dma_wait3A_956] : memref<147456xi32, #tpu.memory_space<vmem_shared>> -> memref<147456xi32, #tpu.memory_space<vmem_shared>>
    tpu.wait_indirect_dma semaphore(%arg10 : memref<!tpu.dma_semaphore, #tpu.memory_space<semaphore_mem>>) src(%dma_wait3A_952 : memref<128xi32, #tpu.memory_space<vmem>>) dst(%dma_wait3A_957 : memref<147456xi32, #tpu.memory_space<vmem_shared>>)
    %dma_wait3A_958 = arith.constant 31 : i32
    %dma_wait3A_959 = arith.constant 31 : i32
    %dma_wait3A_960 = arith.constant 0 : i32
    %dma_wait3A_961 = tpu.memref_slice %arg6[%dma_wait3A_958, %dma_wait3A_960] : memref<64x128xi32, #tpu.memory_space<vmem>> -> memref<1x128xi32, #tpu.memory_space<vmem>>
    %dma_wait3A_962 = tpu.memref_squeeze %dma_wait3A_961 : memref<1x128xi32, #tpu.memory_space<vmem>> -> memref<128xi32, #tpu.memory_space<vmem>>
    %dma_wait3A_963 = arith.constant 0 : i32
    %dma_wait3A_964 = tpu.memref_slice %arg5[%dma_wait3A_959, %dma_wait3A_963] : memref<64x128xi32, #tpu.memory_space<vmem>> -> memref<1x128xi32, #tpu.memory_space<vmem>>
    %dma_wait3A_965 = tpu.memref_squeeze %dma_wait3A_964 : memref<1x128xi32, #tpu.memory_space<vmem>> -> memref<128xi32, #tpu.memory_space<vmem>>
    %dma_wait3A_966 = arith.constant 0 : i32
    %dma_wait3A_967 = tpu.memref_slice %arg7[%dma_wait3A_966] : memref<147456xi32, #tpu.memory_space<vmem_shared>> -> memref<147456xi32, #tpu.memory_space<vmem_shared>>
    tpu.wait_indirect_dma semaphore(%arg10 : memref<!tpu.dma_semaphore, #tpu.memory_space<semaphore_mem>>) src(%dma_wait3A_962 : memref<128xi32, #tpu.memory_space<vmem>>) dst(%dma_wait3A_967 : memref<147456xi32, #tpu.memory_space<vmem_shared>>)
    %dma_wait3A_968 = arith.constant 32 : i32
    %dma_wait3A_969 = arith.constant 32 : i32
    %dma_wait3A_970 = arith.constant 0 : i32
    %dma_wait3A_971 = tpu.memref_slice %arg6[%dma_wait3A_968, %dma_wait3A_970] : memref<64x128xi32, #tpu.memory_space<vmem>> -> memref<1x128xi32, #tpu.memory_space<vmem>>
    %dma_wait3A_972 = tpu.memref_squeeze %dma_wait3A_971 : memref<1x128xi32, #tpu.memory_space<vmem>> -> memref<128xi32, #tpu.memory_space<vmem>>
    %dma_wait3A_973 = arith.constant 0 : i32
    %dma_wait3A_974 = tpu.memref_slice %arg5[%dma_wait3A_969, %dma_wait3A_973] : memref<64x128xi32, #tpu.memory_space<vmem>> -> memref<1x128xi32, #tpu.memory_space<vmem>>
    %dma_wait3A_975 = tpu.memref_squeeze %dma_wait3A_974 : memref<1x128xi32, #tpu.memory_space<vmem>> -> memref<128xi32, #tpu.memory_space<vmem>>
    %dma_wait3A_976 = arith.constant 0 : i32
    %dma_wait3A_977 = tpu.memref_slice %arg7[%dma_wait3A_976] : memref<147456xi32, #tpu.memory_space<vmem_shared>> -> memref<147456xi32, #tpu.memory_space<vmem_shared>>
    tpu.wait_indirect_dma semaphore(%arg10 : memref<!tpu.dma_semaphore, #tpu.memory_space<semaphore_mem>>) src(%dma_wait3A_972 : memref<128xi32, #tpu.memory_space<vmem>>) dst(%dma_wait3A_977 : memref<147456xi32, #tpu.memory_space<vmem_shared>>)
    %dma_wait3A_978 = arith.constant 33 : i32
    %dma_wait3A_979 = arith.constant 33 : i32
    %dma_wait3A_980 = arith.constant 0 : i32
    %dma_wait3A_981 = tpu.memref_slice %arg6[%dma_wait3A_978, %dma_wait3A_980] : memref<64x128xi32, #tpu.memory_space<vmem>> -> memref<1x128xi32, #tpu.memory_space<vmem>>
    %dma_wait3A_982 = tpu.memref_squeeze %dma_wait3A_981 : memref<1x128xi32, #tpu.memory_space<vmem>> -> memref<128xi32, #tpu.memory_space<vmem>>
    %dma_wait3A_983 = arith.constant 0 : i32
    %dma_wait3A_984 = tpu.memref_slice %arg5[%dma_wait3A_979, %dma_wait3A_983] : memref<64x128xi32, #tpu.memory_space<vmem>> -> memref<1x128xi32, #tpu.memory_space<vmem>>
    %dma_wait3A_985 = tpu.memref_squeeze %dma_wait3A_984 : memref<1x128xi32, #tpu.memory_space<vmem>> -> memref<128xi32, #tpu.memory_space<vmem>>
    %dma_wait3A_986 = arith.constant 0 : i32
    %dma_wait3A_987 = tpu.memref_slice %arg7[%dma_wait3A_986] : memref<147456xi32, #tpu.memory_space<vmem_shared>> -> memref<147456xi32, #tpu.memory_space<vmem_shared>>
    tpu.wait_indirect_dma semaphore(%arg10 : memref<!tpu.dma_semaphore, #tpu.memory_space<semaphore_mem>>) src(%dma_wait3A_982 : memref<128xi32, #tpu.memory_space<vmem>>) dst(%dma_wait3A_987 : memref<147456xi32, #tpu.memory_space<vmem_shared>>)
    %dma_wait3A_988 = arith.constant 34 : i32
    %dma_wait3A_989 = arith.constant 34 : i32
    %dma_wait3A_990 = arith.constant 0 : i32
    %dma_wait3A_991 = tpu.memref_slice %arg6[%dma_wait3A_988, %dma_wait3A_990] : memref<64x128xi32, #tpu.memory_space<vmem>> -> memref<1x128xi32, #tpu.memory_space<vmem>>
    %dma_wait3A_992 = tpu.memref_squeeze %dma_wait3A_991 : memref<1x128xi32, #tpu.memory_space<vmem>> -> memref<128xi32, #tpu.memory_space<vmem>>
    %dma_wait3A_993 = arith.constant 0 : i32
    %dma_wait3A_994 = tpu.memref_slice %arg5[%dma_wait3A_989, %dma_wait3A_993] : memref<64x128xi32, #tpu.memory_space<vmem>> -> memref<1x128xi32, #tpu.memory_space<vmem>>
    %dma_wait3A_995 = tpu.memref_squeeze %dma_wait3A_994 : memref<1x128xi32, #tpu.memory_space<vmem>> -> memref<128xi32, #tpu.memory_space<vmem>>
    %dma_wait3A_996 = arith.constant 0 : i32
    %dma_wait3A_997 = tpu.memref_slice %arg7[%dma_wait3A_996] : memref<147456xi32, #tpu.memory_space<vmem_shared>> -> memref<147456xi32, #tpu.memory_space<vmem_shared>>
    tpu.wait_indirect_dma semaphore(%arg10 : memref<!tpu.dma_semaphore, #tpu.memory_space<semaphore_mem>>) src(%dma_wait3A_992 : memref<128xi32, #tpu.memory_space<vmem>>) dst(%dma_wait3A_997 : memref<147456xi32, #tpu.memory_space<vmem_shared>>)
    %dma_wait3A_998 = arith.constant 35 : i32
    %dma_wait3A_999 = arith.constant 35 : i32
    %dma_wait3A_1000 = arith.constant 0 : i32
    %dma_wait3A_1001 = tpu.memref_slice %arg6[%dma_wait3A_998, %dma_wait3A_1000] : memref<64x128xi32, #tpu.memory_space<vmem>> -> memref<1x128xi32, #tpu.memory_space<vmem>>
    %dma_wait3A_1002 = tpu.memref_squeeze %dma_wait3A_1001 : memref<1x128xi32, #tpu.memory_space<vmem>> -> memref<128xi32, #tpu.memory_space<vmem>>
    %dma_wait3A_1003 = arith.constant 0 : i32
    %dma_wait3A_1004 = tpu.memref_slice %arg5[%dma_wait3A_999, %dma_wait3A_1003] : memref<64x128xi32, #tpu.memory_space<vmem>> -> memref<1x128xi32, #tpu.memory_space<vmem>>
    %dma_wait3A_1005 = tpu.memref_squeeze %dma_wait3A_1004 : memref<1x128xi32, #tpu.memory_space<vmem>> -> memref<128xi32, #tpu.memory_space<vmem>>
    %dma_wait3A_1006 = arith.constant 0 : i32
    %dma_wait3A_1007 = tpu.memref_slice %arg7[%dma_wait3A_1006] : memref<147456xi32, #tpu.memory_space<vmem_shared>> -> memref<147456xi32, #tpu.memory_space<vmem_shared>>
    tpu.wait_indirect_dma semaphore(%arg10 : memref<!tpu.dma_semaphore, #tpu.memory_space<semaphore_mem>>) src(%dma_wait3A_1002 : memref<128xi32, #tpu.memory_space<vmem>>) dst(%dma_wait3A_1007 : memref<147456xi32, #tpu.memory_space<vmem_shared>>)
    %dma_wait3A_1008 = arith.constant 36 : i32
    %dma_wait3A_1009 = arith.constant 36 : i32
    %dma_wait3A_1010 = arith.constant 0 : i32
    %dma_wait3A_1011 = tpu.memref_slice %arg6[%dma_wait3A_1008, %dma_wait3A_1010] : memref<64x128xi32, #tpu.memory_space<vmem>> -> memref<1x128xi32, #tpu.memory_space<vmem>>
    %dma_wait3A_1012 = tpu.memref_squeeze %dma_wait3A_1011 : memref<1x128xi32, #tpu.memory_space<vmem>> -> memref<128xi32, #tpu.memory_space<vmem>>
    %dma_wait3A_1013 = arith.constant 0 : i32
    %dma_wait3A_1014 = tpu.memref_slice %arg5[%dma_wait3A_1009, %dma_wait3A_1013] : memref<64x128xi32, #tpu.memory_space<vmem>> -> memref<1x128xi32, #tpu.memory_space<vmem>>
    %dma_wait3A_1015 = tpu.memref_squeeze %dma_wait3A_1014 : memref<1x128xi32, #tpu.memory_space<vmem>> -> memref<128xi32, #tpu.memory_space<vmem>>
    %dma_wait3A_1016 = arith.constant 0 : i32
    %dma_wait3A_1017 = tpu.memref_slice %arg7[%dma_wait3A_1016] : memref<147456xi32, #tpu.memory_space<vmem_shared>> -> memref<147456xi32, #tpu.memory_space<vmem_shared>>
    tpu.wait_indirect_dma semaphore(%arg10 : memref<!tpu.dma_semaphore, #tpu.memory_space<semaphore_mem>>) src(%dma_wait3A_1012 : memref<128xi32, #tpu.memory_space<vmem>>) dst(%dma_wait3A_1017 : memref<147456xi32, #tpu.memory_space<vmem_shared>>)
    %dma_wait3A_1018 = arith.constant 37 : i32
    %dma_wait3A_1019 = arith.constant 37 : i32
    %dma_wait3A_1020 = arith.constant 0 : i32
    %dma_wait3A_1021 = tpu.memref_slice %arg6[%dma_wait3A_1018, %dma_wait3A_1020] : memref<64x128xi32, #tpu.memory_space<vmem>> -> memref<1x128xi32, #tpu.memory_space<vmem>>
    %dma_wait3A_1022 = tpu.memref_squeeze %dma_wait3A_1021 : memref<1x128xi32, #tpu.memory_space<vmem>> -> memref<128xi32, #tpu.memory_space<vmem>>
    %dma_wait3A_1023 = arith.constant 0 : i32
    %dma_wait3A_1024 = tpu.memref_slice %arg5[%dma_wait3A_1019, %dma_wait3A_1023] : memref<64x128xi32, #tpu.memory_space<vmem>> -> memref<1x128xi32, #tpu.memory_space<vmem>>
    %dma_wait3A_1025 = tpu.memref_squeeze %dma_wait3A_1024 : memref<1x128xi32, #tpu.memory_space<vmem>> -> memref<128xi32, #tpu.memory_space<vmem>>
    %dma_wait3A_1026 = arith.constant 0 : i32
    %dma_wait3A_1027 = tpu.memref_slice %arg7[%dma_wait3A_1026] : memref<147456xi32, #tpu.memory_space<vmem_shared>> -> memref<147456xi32, #tpu.memory_space<vmem_shared>>
    tpu.wait_indirect_dma semaphore(%arg10 : memref<!tpu.dma_semaphore, #tpu.memory_space<semaphore_mem>>) src(%dma_wait3A_1022 : memref<128xi32, #tpu.memory_space<vmem>>) dst(%dma_wait3A_1027 : memref<147456xi32, #tpu.memory_space<vmem_shared>>)
    %dma_wait3A_1028 = arith.constant 38 : i32
    %dma_wait3A_1029 = arith.constant 38 : i32
    %dma_wait3A_1030 = arith.constant 0 : i32
    %dma_wait3A_1031 = tpu.memref_slice %arg6[%dma_wait3A_1028, %dma_wait3A_1030] : memref<64x128xi32, #tpu.memory_space<vmem>> -> memref<1x128xi32, #tpu.memory_space<vmem>>
    %dma_wait3A_1032 = tpu.memref_squeeze %dma_wait3A_1031 : memref<1x128xi32, #tpu.memory_space<vmem>> -> memref<128xi32, #tpu.memory_space<vmem>>
    %dma_wait3A_1033 = arith.constant 0 : i32
    %dma_wait3A_1034 = tpu.memref_slice %arg5[%dma_wait3A_1029, %dma_wait3A_1033] : memref<64x128xi32, #tpu.memory_space<vmem>> -> memref<1x128xi32, #tpu.memory_space<vmem>>
    %dma_wait3A_1035 = tpu.memref_squeeze %dma_wait3A_1034 : memref<1x128xi32, #tpu.memory_space<vmem>> -> memref<128xi32, #tpu.memory_space<vmem>>
    %dma_wait3A_1036 = arith.constant 0 : i32
    %dma_wait3A_1037 = tpu.memref_slice %arg7[%dma_wait3A_1036] : memref<147456xi32, #tpu.memory_space<vmem_shared>> -> memref<147456xi32, #tpu.memory_space<vmem_shared>>
    tpu.wait_indirect_dma semaphore(%arg10 : memref<!tpu.dma_semaphore, #tpu.memory_space<semaphore_mem>>) src(%dma_wait3A_1032 : memref<128xi32, #tpu.memory_space<vmem>>) dst(%dma_wait3A_1037 : memref<147456xi32, #tpu.memory_space<vmem_shared>>)
    %dma_wait3A_1038 = arith.constant 39 : i32
    %dma_wait3A_1039 = arith.constant 39 : i32
    %dma_wait3A_1040 = arith.constant 0 : i32
    %dma_wait3A_1041 = tpu.memref_slice %arg6[%dma_wait3A_1038, %dma_wait3A_1040] : memref<64x128xi32, #tpu.memory_space<vmem>> -> memref<1x128xi32, #tpu.memory_space<vmem>>
    %dma_wait3A_1042 = tpu.memref_squeeze %dma_wait3A_1041 : memref<1x128xi32, #tpu.memory_space<vmem>> -> memref<128xi32, #tpu.memory_space<vmem>>
    %dma_wait3A_1043 = arith.constant 0 : i32
    %dma_wait3A_1044 = tpu.memref_slice %arg5[%dma_wait3A_1039, %dma_wait3A_1043] : memref<64x128xi32, #tpu.memory_space<vmem>> -> memref<1x128xi32, #tpu.memory_space<vmem>>
    %dma_wait3A_1045 = tpu.memref_squeeze %dma_wait3A_1044 : memref<1x128xi32, #tpu.memory_space<vmem>> -> memref<128xi32, #tpu.memory_space<vmem>>
    %dma_wait3A_1046 = arith.constant 0 : i32
    %dma_wait3A_1047 = tpu.memref_slice %arg7[%dma_wait3A_1046] : memref<147456xi32, #tpu.memory_space<vmem_shared>> -> memref<147456xi32, #tpu.memory_space<vmem_shared>>
    tpu.wait_indirect_dma semaphore(%arg10 : memref<!tpu.dma_semaphore, #tpu.memory_space<semaphore_mem>>) src(%dma_wait3A_1042 : memref<128xi32, #tpu.memory_space<vmem>>) dst(%dma_wait3A_1047 : memref<147456xi32, #tpu.memory_space<vmem_shared>>)
    %dma_wait3A_1048 = arith.constant 40 : i32
    %dma_wait3A_1049 = arith.constant 40 : i32
    %dma_wait3A_1050 = arith.constant 0 : i32
    %dma_wait3A_1051 = tpu.memref_slice %arg6[%dma_wait3A_1048, %dma_wait3A_1050] : memref<64x128xi32, #tpu.memory_space<vmem>> -> memref<1x128xi32, #tpu.memory_space<vmem>>
    %dma_wait3A_1052 = tpu.memref_squeeze %dma_wait3A_1051 : memref<1x128xi32, #tpu.memory_space<vmem>> -> memref<128xi32, #tpu.memory_space<vmem>>
    %dma_wait3A_1053 = arith.constant 0 : i32
    %dma_wait3A_1054 = tpu.memref_slice %arg5[%dma_wait3A_1049, %dma_wait3A_1053] : memref<64x128xi32, #tpu.memory_space<vmem>> -> memref<1x128xi32, #tpu.memory_space<vmem>>
    %dma_wait3A_1055 = tpu.memref_squeeze %dma_wait3A_1054 : memref<1x128xi32, #tpu.memory_space<vmem>> -> memref<128xi32, #tpu.memory_space<vmem>>
    %dma_wait3A_1056 = arith.constant 0 : i32
    %dma_wait3A_1057 = tpu.memref_slice %arg7[%dma_wait3A_1056] : memref<147456xi32, #tpu.memory_space<vmem_shared>> -> memref<147456xi32, #tpu.memory_space<vmem_shared>>
    tpu.wait_indirect_dma semaphore(%arg10 : memref<!tpu.dma_semaphore, #tpu.memory_space<semaphore_mem>>) src(%dma_wait3A_1052 : memref<128xi32, #tpu.memory_space<vmem>>) dst(%dma_wait3A_1057 : memref<147456xi32, #tpu.memory_space<vmem_shared>>)
    %dma_wait3A_1058 = arith.constant 41 : i32
    %dma_wait3A_1059 = arith.constant 41 : i32
    %dma_wait3A_1060 = arith.constant 0 : i32
    %dma_wait3A_1061 = tpu.memref_slice %arg6[%dma_wait3A_1058, %dma_wait3A_1060] : memref<64x128xi32, #tpu.memory_space<vmem>> -> memref<1x128xi32, #tpu.memory_space<vmem>>
    %dma_wait3A_1062 = tpu.memref_squeeze %dma_wait3A_1061 : memref<1x128xi32, #tpu.memory_space<vmem>> -> memref<128xi32, #tpu.memory_space<vmem>>
    %dma_wait3A_1063 = arith.constant 0 : i32
    %dma_wait3A_1064 = tpu.memref_slice %arg5[%dma_wait3A_1059, %dma_wait3A_1063] : memref<64x128xi32, #tpu.memory_space<vmem>> -> memref<1x128xi32, #tpu.memory_space<vmem>>
    %dma_wait3A_1065 = tpu.memref_squeeze %dma_wait3A_1064 : memref<1x128xi32, #tpu.memory_space<vmem>> -> memref<128xi32, #tpu.memory_space<vmem>>
    %dma_wait3A_1066 = arith.constant 0 : i32
    %dma_wait3A_1067 = tpu.memref_slice %arg7[%dma_wait3A_1066] : memref<147456xi32, #tpu.memory_space<vmem_shared>> -> memref<147456xi32, #tpu.memory_space<vmem_shared>>
    tpu.wait_indirect_dma semaphore(%arg10 : memref<!tpu.dma_semaphore, #tpu.memory_space<semaphore_mem>>) src(%dma_wait3A_1062 : memref<128xi32, #tpu.memory_space<vmem>>) dst(%dma_wait3A_1067 : memref<147456xi32, #tpu.memory_space<vmem_shared>>)
    %dma_wait3A_1068 = arith.constant 42 : i32
    %dma_wait3A_1069 = arith.constant 42 : i32
    %dma_wait3A_1070 = arith.constant 0 : i32
    %dma_wait3A_1071 = tpu.memref_slice %arg6[%dma_wait3A_1068, %dma_wait3A_1070] : memref<64x128xi32, #tpu.memory_space<vmem>> -> memref<1x128xi32, #tpu.memory_space<vmem>>
    %dma_wait3A_1072 = tpu.memref_squeeze %dma_wait3A_1071 : memref<1x128xi32, #tpu.memory_space<vmem>> -> memref<128xi32, #tpu.memory_space<vmem>>
    %dma_wait3A_1073 = arith.constant 0 : i32
    %dma_wait3A_1074 = tpu.memref_slice %arg5[%dma_wait3A_1069, %dma_wait3A_1073] : memref<64x128xi32, #tpu.memory_space<vmem>> -> memref<1x128xi32, #tpu.memory_space<vmem>>
    %dma_wait3A_1075 = tpu.memref_squeeze %dma_wait3A_1074 : memref<1x128xi32, #tpu.memory_space<vmem>> -> memref<128xi32, #tpu.memory_space<vmem>>
    %dma_wait3A_1076 = arith.constant 0 : i32
    %dma_wait3A_1077 = tpu.memref_slice %arg7[%dma_wait3A_1076] : memref<147456xi32, #tpu.memory_space<vmem_shared>> -> memref<147456xi32, #tpu.memory_space<vmem_shared>>
    tpu.wait_indirect_dma semaphore(%arg10 : memref<!tpu.dma_semaphore, #tpu.memory_space<semaphore_mem>>) src(%dma_wait3A_1072 : memref<128xi32, #tpu.memory_space<vmem>>) dst(%dma_wait3A_1077 : memref<147456xi32, #tpu.memory_space<vmem_shared>>)
    %dma_wait3A_1078 = arith.constant 43 : i32
    %dma_wait3A_1079 = arith.constant 43 : i32
    %dma_wait3A_1080 = arith.constant 0 : i32
    %dma_wait3A_1081 = tpu.memref_slice %arg6[%dma_wait3A_1078, %dma_wait3A_1080] : memref<64x128xi32, #tpu.memory_space<vmem>> -> memref<1x128xi32, #tpu.memory_space<vmem>>
    %dma_wait3A_1082 = tpu.memref_squeeze %dma_wait3A_1081 : memref<1x128xi32, #tpu.memory_space<vmem>> -> memref<128xi32, #tpu.memory_space<vmem>>
    %dma_wait3A_1083 = arith.constant 0 : i32
    %dma_wait3A_1084 = tpu.memref_slice %arg5[%dma_wait3A_1079, %dma_wait3A_1083] : memref<64x128xi32, #tpu.memory_space<vmem>> -> memref<1x128xi32, #tpu.memory_space<vmem>>
    %dma_wait3A_1085 = tpu.memref_squeeze %dma_wait3A_1084 : memref<1x128xi32, #tpu.memory_space<vmem>> -> memref<128xi32, #tpu.memory_space<vmem>>
    %dma_wait3A_1086 = arith.constant 0 : i32
    %dma_wait3A_1087 = tpu.memref_slice %arg7[%dma_wait3A_1086] : memref<147456xi32, #tpu.memory_space<vmem_shared>> -> memref<147456xi32, #tpu.memory_space<vmem_shared>>
    tpu.wait_indirect_dma semaphore(%arg10 : memref<!tpu.dma_semaphore, #tpu.memory_space<semaphore_mem>>) src(%dma_wait3A_1082 : memref<128xi32, #tpu.memory_space<vmem>>) dst(%dma_wait3A_1087 : memref<147456xi32, #tpu.memory_space<vmem_shared>>)
    %dma_wait3A_1088 = arith.constant 44 : i32
    %dma_wait3A_1089 = arith.constant 44 : i32
    %dma_wait3A_1090 = arith.constant 0 : i32
    %dma_wait3A_1091 = tpu.memref_slice %arg6[%dma_wait3A_1088, %dma_wait3A_1090] : memref<64x128xi32, #tpu.memory_space<vmem>> -> memref<1x128xi32, #tpu.memory_space<vmem>>
    %dma_wait3A_1092 = tpu.memref_squeeze %dma_wait3A_1091 : memref<1x128xi32, #tpu.memory_space<vmem>> -> memref<128xi32, #tpu.memory_space<vmem>>
    %dma_wait3A_1093 = arith.constant 0 : i32
    %dma_wait3A_1094 = tpu.memref_slice %arg5[%dma_wait3A_1089, %dma_wait3A_1093] : memref<64x128xi32, #tpu.memory_space<vmem>> -> memref<1x128xi32, #tpu.memory_space<vmem>>
    %dma_wait3A_1095 = tpu.memref_squeeze %dma_wait3A_1094 : memref<1x128xi32, #tpu.memory_space<vmem>> -> memref<128xi32, #tpu.memory_space<vmem>>
    %dma_wait3A_1096 = arith.constant 0 : i32
    %dma_wait3A_1097 = tpu.memref_slice %arg7[%dma_wait3A_1096] : memref<147456xi32, #tpu.memory_space<vmem_shared>> -> memref<147456xi32, #tpu.memory_space<vmem_shared>>
    tpu.wait_indirect_dma semaphore(%arg10 : memref<!tpu.dma_semaphore, #tpu.memory_space<semaphore_mem>>) src(%dma_wait3A_1092 : memref<128xi32, #tpu.memory_space<vmem>>) dst(%dma_wait3A_1097 : memref<147456xi32, #tpu.memory_space<vmem_shared>>)
    %dma_wait3A_1098 = arith.constant 45 : i32
    %dma_wait3A_1099 = arith.constant 45 : i32
    %dma_wait3A_1100 = arith.constant 0 : i32
    %dma_wait3A_1101 = tpu.memref_slice %arg6[%dma_wait3A_1098, %dma_wait3A_1100] : memref<64x128xi32, #tpu.memory_space<vmem>> -> memref<1x128xi32, #tpu.memory_space<vmem>>
    %dma_wait3A_1102 = tpu.memref_squeeze %dma_wait3A_1101 : memref<1x128xi32, #tpu.memory_space<vmem>> -> memref<128xi32, #tpu.memory_space<vmem>>
    %dma_wait3A_1103 = arith.constant 0 : i32
    %dma_wait3A_1104 = tpu.memref_slice %arg5[%dma_wait3A_1099, %dma_wait3A_1103] : memref<64x128xi32, #tpu.memory_space<vmem>> -> memref<1x128xi32, #tpu.memory_space<vmem>>
    %dma_wait3A_1105 = tpu.memref_squeeze %dma_wait3A_1104 : memref<1x128xi32, #tpu.memory_space<vmem>> -> memref<128xi32, #tpu.memory_space<vmem>>
    %dma_wait3A_1106 = arith.constant 0 : i32
    %dma_wait3A_1107 = tpu.memref_slice %arg7[%dma_wait3A_1106] : memref<147456xi32, #tpu.memory_space<vmem_shared>> -> memref<147456xi32, #tpu.memory_space<vmem_shared>>
    tpu.wait_indirect_dma semaphore(%arg10 : memref<!tpu.dma_semaphore, #tpu.memory_space<semaphore_mem>>) src(%dma_wait3A_1102 : memref<128xi32, #tpu.memory_space<vmem>>) dst(%dma_wait3A_1107 : memref<147456xi32, #tpu.memory_space<vmem_shared>>)
    %dma_wait3A_1108 = arith.constant 46 : i32
    %dma_wait3A_1109 = arith.constant 46 : i32
    %dma_wait3A_1110 = arith.constant 0 : i32
    %dma_wait3A_1111 = tpu.memref_slice %arg6[%dma_wait3A_1108, %dma_wait3A_1110] : memref<64x128xi32, #tpu.memory_space<vmem>> -> memref<1x128xi32, #tpu.memory_space<vmem>>
    %dma_wait3A_1112 = tpu.memref_squeeze %dma_wait3A_1111 : memref<1x128xi32, #tpu.memory_space<vmem>> -> memref<128xi32, #tpu.memory_space<vmem>>
    %dma_wait3A_1113 = arith.constant 0 : i32
    %dma_wait3A_1114 = tpu.memref_slice %arg5[%dma_wait3A_1109, %dma_wait3A_1113] : memref<64x128xi32, #tpu.memory_space<vmem>> -> memref<1x128xi32, #tpu.memory_space<vmem>>
    %dma_wait3A_1115 = tpu.memref_squeeze %dma_wait3A_1114 : memref<1x128xi32, #tpu.memory_space<vmem>> -> memref<128xi32, #tpu.memory_space<vmem>>
    %dma_wait3A_1116 = arith.constant 0 : i32
    %dma_wait3A_1117 = tpu.memref_slice %arg7[%dma_wait3A_1116] : memref<147456xi32, #tpu.memory_space<vmem_shared>> -> memref<147456xi32, #tpu.memory_space<vmem_shared>>
    tpu.wait_indirect_dma semaphore(%arg10 : memref<!tpu.dma_semaphore, #tpu.memory_space<semaphore_mem>>) src(%dma_wait3A_1112 : memref<128xi32, #tpu.memory_space<vmem>>) dst(%dma_wait3A_1117 : memref<147456xi32, #tpu.memory_space<vmem_shared>>)
    %dma_wait3A_1118 = arith.constant 47 : i32
    %dma_wait3A_1119 = arith.constant 47 : i32
    %dma_wait3A_1120 = arith.constant 0 : i32
    %dma_wait3A_1121 = tpu.memref_slice %arg6[%dma_wait3A_1118, %dma_wait3A_1120] : memref<64x128xi32, #tpu.memory_space<vmem>> -> memref<1x128xi32, #tpu.memory_space<vmem>>
    %dma_wait3A_1122 = tpu.memref_squeeze %dma_wait3A_1121 : memref<1x128xi32, #tpu.memory_space<vmem>> -> memref<128xi32, #tpu.memory_space<vmem>>
    %dma_wait3A_1123 = arith.constant 0 : i32
    %dma_wait3A_1124 = tpu.memref_slice %arg5[%dma_wait3A_1119, %dma_wait3A_1123] : memref<64x128xi32, #tpu.memory_space<vmem>> -> memref<1x128xi32, #tpu.memory_space<vmem>>
    %dma_wait3A_1125 = tpu.memref_squeeze %dma_wait3A_1124 : memref<1x128xi32, #tpu.memory_space<vmem>> -> memref<128xi32, #tpu.memory_space<vmem>>
    %dma_wait3A_1126 = arith.constant 0 : i32
    %dma_wait3A_1127 = tpu.memref_slice %arg7[%dma_wait3A_1126] : memref<147456xi32, #tpu.memory_space<vmem_shared>> -> memref<147456xi32, #tpu.memory_space<vmem_shared>>
    tpu.wait_indirect_dma semaphore(%arg10 : memref<!tpu.dma_semaphore, #tpu.memory_space<semaphore_mem>>) src(%dma_wait3A_1122 : memref<128xi32, #tpu.memory_space<vmem>>) dst(%dma_wait3A_1127 : memref<147456xi32, #tpu.memory_space<vmem_shared>>)
    %dma_wait3A_1128 = arith.constant 48 : i32
    %dma_wait3A_1129 = arith.constant 48 : i32
    %dma_wait3A_1130 = arith.constant 0 : i32
    %dma_wait3A_1131 = tpu.memref_slice %arg6[%dma_wait3A_1128, %dma_wait3A_1130] : memref<64x128xi32, #tpu.memory_space<vmem>> -> memref<1x128xi32, #tpu.memory_space<vmem>>
    %dma_wait3A_1132 = tpu.memref_squeeze %dma_wait3A_1131 : memref<1x128xi32, #tpu.memory_space<vmem>> -> memref<128xi32, #tpu.memory_space<vmem>>
    %dma_wait3A_1133 = arith.constant 0 : i32
    %dma_wait3A_1134 = tpu.memref_slice %arg5[%dma_wait3A_1129, %dma_wait3A_1133] : memref<64x128xi32, #tpu.memory_space<vmem>> -> memref<1x128xi32, #tpu.memory_space<vmem>>
    %dma_wait3A_1135 = tpu.memref_squeeze %dma_wait3A_1134 : memref<1x128xi32, #tpu.memory_space<vmem>> -> memref<128xi32, #tpu.memory_space<vmem>>
    %dma_wait3A_1136 = arith.constant 0 : i32
    %dma_wait3A_1137 = tpu.memref_slice %arg7[%dma_wait3A_1136] : memref<147456xi32, #tpu.memory_space<vmem_shared>> -> memref<147456xi32, #tpu.memory_space<vmem_shared>>
    tpu.wait_indirect_dma semaphore(%arg10 : memref<!tpu.dma_semaphore, #tpu.memory_space<semaphore_mem>>) src(%dma_wait3A_1132 : memref<128xi32, #tpu.memory_space<vmem>>) dst(%dma_wait3A_1137 : memref<147456xi32, #tpu.memory_space<vmem_shared>>)
    %dma_wait3A_1138 = arith.constant 49 : i32
    %dma_wait3A_1139 = arith.constant 49 : i32
    %dma_wait3A_1140 = arith.constant 0 : i32
    %dma_wait3A_1141 = tpu.memref_slice %arg6[%dma_wait3A_1138, %dma_wait3A_1140] : memref<64x128xi32, #tpu.memory_space<vmem>> -> memref<1x128xi32, #tpu.memory_space<vmem>>
    %dma_wait3A_1142 = tpu.memref_squeeze %dma_wait3A_1141 : memref<1x128xi32, #tpu.memory_space<vmem>> -> memref<128xi32, #tpu.memory_space<vmem>>
    %dma_wait3A_1143 = arith.constant 0 : i32
    %dma_wait3A_1144 = tpu.memref_slice %arg5[%dma_wait3A_1139, %dma_wait3A_1143] : memref<64x128xi32, #tpu.memory_space<vmem>> -> memref<1x128xi32, #tpu.memory_space<vmem>>
    %dma_wait3A_1145 = tpu.memref_squeeze %dma_wait3A_1144 : memref<1x128xi32, #tpu.memory_space<vmem>> -> memref<128xi32, #tpu.memory_space<vmem>>
    %dma_wait3A_1146 = arith.constant 0 : i32
    %dma_wait3A_1147 = tpu.memref_slice %arg7[%dma_wait3A_1146] : memref<147456xi32, #tpu.memory_space<vmem_shared>> -> memref<147456xi32, #tpu.memory_space<vmem_shared>>
    tpu.wait_indirect_dma semaphore(%arg10 : memref<!tpu.dma_semaphore, #tpu.memory_space<semaphore_mem>>) src(%dma_wait3A_1142 : memref<128xi32, #tpu.memory_space<vmem>>) dst(%dma_wait3A_1147 : memref<147456xi32, #tpu.memory_space<vmem_shared>>)
    %dma_wait3A_1148 = arith.constant 50 : i32
    %dma_wait3A_1149 = arith.constant 50 : i32
    %dma_wait3A_1150 = arith.constant 0 : i32
    %dma_wait3A_1151 = tpu.memref_slice %arg6[%dma_wait3A_1148, %dma_wait3A_1150] : memref<64x128xi32, #tpu.memory_space<vmem>> -> memref<1x128xi32, #tpu.memory_space<vmem>>
    %dma_wait3A_1152 = tpu.memref_squeeze %dma_wait3A_1151 : memref<1x128xi32, #tpu.memory_space<vmem>> -> memref<128xi32, #tpu.memory_space<vmem>>
    %dma_wait3A_1153 = arith.constant 0 : i32
    %dma_wait3A_1154 = tpu.memref_slice %arg5[%dma_wait3A_1149, %dma_wait3A_1153] : memref<64x128xi32, #tpu.memory_space<vmem>> -> memref<1x128xi32, #tpu.memory_space<vmem>>
    %dma_wait3A_1155 = tpu.memref_squeeze %dma_wait3A_1154 : memref<1x128xi32, #tpu.memory_space<vmem>> -> memref<128xi32, #tpu.memory_space<vmem>>
    %dma_wait3A_1156 = arith.constant 0 : i32
    %dma_wait3A_1157 = tpu.memref_slice %arg7[%dma_wait3A_1156] : memref<147456xi32, #tpu.memory_space<vmem_shared>> -> memref<147456xi32, #tpu.memory_space<vmem_shared>>
    tpu.wait_indirect_dma semaphore(%arg10 : memref<!tpu.dma_semaphore, #tpu.memory_space<semaphore_mem>>) src(%dma_wait3A_1152 : memref<128xi32, #tpu.memory_space<vmem>>) dst(%dma_wait3A_1157 : memref<147456xi32, #tpu.memory_space<vmem_shared>>)
    %dma_wait3A_1158 = arith.constant 51 : i32
    %dma_wait3A_1159 = arith.constant 51 : i32
    %dma_wait3A_1160 = arith.constant 0 : i32
    %dma_wait3A_1161 = tpu.memref_slice %arg6[%dma_wait3A_1158, %dma_wait3A_1160] : memref<64x128xi32, #tpu.memory_space<vmem>> -> memref<1x128xi32, #tpu.memory_space<vmem>>
    %dma_wait3A_1162 = tpu.memref_squeeze %dma_wait3A_1161 : memref<1x128xi32, #tpu.memory_space<vmem>> -> memref<128xi32, #tpu.memory_space<vmem>>
    %dma_wait3A_1163 = arith.constant 0 : i32
    %dma_wait3A_1164 = tpu.memref_slice %arg5[%dma_wait3A_1159, %dma_wait3A_1163] : memref<64x128xi32, #tpu.memory_space<vmem>> -> memref<1x128xi32, #tpu.memory_space<vmem>>
    %dma_wait3A_1165 = tpu.memref_squeeze %dma_wait3A_1164 : memref<1x128xi32, #tpu.memory_space<vmem>> -> memref<128xi32, #tpu.memory_space<vmem>>
    %dma_wait3A_1166 = arith.constant 0 : i32
    %dma_wait3A_1167 = tpu.memref_slice %arg7[%dma_wait3A_1166] : memref<147456xi32, #tpu.memory_space<vmem_shared>> -> memref<147456xi32, #tpu.memory_space<vmem_shared>>
    tpu.wait_indirect_dma semaphore(%arg10 : memref<!tpu.dma_semaphore, #tpu.memory_space<semaphore_mem>>) src(%dma_wait3A_1162 : memref<128xi32, #tpu.memory_space<vmem>>) dst(%dma_wait3A_1167 : memref<147456xi32, #tpu.memory_space<vmem_shared>>)
    %dma_wait3A_1168 = arith.constant 52 : i32
    %dma_wait3A_1169 = arith.constant 52 : i32
    %dma_wait3A_1170 = arith.constant 0 : i32
    %dma_wait3A_1171 = tpu.memref_slice %arg6[%dma_wait3A_1168, %dma_wait3A_1170] : memref<64x128xi32, #tpu.memory_space<vmem>> -> memref<1x128xi32, #tpu.memory_space<vmem>>
    %dma_wait3A_1172 = tpu.memref_squeeze %dma_wait3A_1171 : memref<1x128xi32, #tpu.memory_space<vmem>> -> memref<128xi32, #tpu.memory_space<vmem>>
    %dma_wait3A_1173 = arith.constant 0 : i32
    %dma_wait3A_1174 = tpu.memref_slice %arg5[%dma_wait3A_1169, %dma_wait3A_1173] : memref<64x128xi32, #tpu.memory_space<vmem>> -> memref<1x128xi32, #tpu.memory_space<vmem>>
    %dma_wait3A_1175 = tpu.memref_squeeze %dma_wait3A_1174 : memref<1x128xi32, #tpu.memory_space<vmem>> -> memref<128xi32, #tpu.memory_space<vmem>>
    %dma_wait3A_1176 = arith.constant 0 : i32
    %dma_wait3A_1177 = tpu.memref_slice %arg7[%dma_wait3A_1176] : memref<147456xi32, #tpu.memory_space<vmem_shared>> -> memref<147456xi32, #tpu.memory_space<vmem_shared>>
    tpu.wait_indirect_dma semaphore(%arg10 : memref<!tpu.dma_semaphore, #tpu.memory_space<semaphore_mem>>) src(%dma_wait3A_1172 : memref<128xi32, #tpu.memory_space<vmem>>) dst(%dma_wait3A_1177 : memref<147456xi32, #tpu.memory_space<vmem_shared>>)
    %dma_wait3A_1178 = arith.constant 53 : i32
    %dma_wait3A_1179 = arith.constant 53 : i32
    %dma_wait3A_1180 = arith.constant 0 : i32
    %dma_wait3A_1181 = tpu.memref_slice %arg6[%dma_wait3A_1178, %dma_wait3A_1180] : memref<64x128xi32, #tpu.memory_space<vmem>> -> memref<1x128xi32, #tpu.memory_space<vmem>>
    %dma_wait3A_1182 = tpu.memref_squeeze %dma_wait3A_1181 : memref<1x128xi32, #tpu.memory_space<vmem>> -> memref<128xi32, #tpu.memory_space<vmem>>
    %dma_wait3A_1183 = arith.constant 0 : i32
    %dma_wait3A_1184 = tpu.memref_slice %arg5[%dma_wait3A_1179, %dma_wait3A_1183] : memref<64x128xi32, #tpu.memory_space<vmem>> -> memref<1x128xi32, #tpu.memory_space<vmem>>
    %dma_wait3A_1185 = tpu.memref_squeeze %dma_wait3A_1184 : memref<1x128xi32, #tpu.memory_space<vmem>> -> memref<128xi32, #tpu.memory_space<vmem>>
    %dma_wait3A_1186 = arith.constant 0 : i32
    %dma_wait3A_1187 = tpu.memref_slice %arg7[%dma_wait3A_1186] : memref<147456xi32, #tpu.memory_space<vmem_shared>> -> memref<147456xi32, #tpu.memory_space<vmem_shared>>
    tpu.wait_indirect_dma semaphore(%arg10 : memref<!tpu.dma_semaphore, #tpu.memory_space<semaphore_mem>>) src(%dma_wait3A_1182 : memref<128xi32, #tpu.memory_space<vmem>>) dst(%dma_wait3A_1187 : memref<147456xi32, #tpu.memory_space<vmem_shared>>)
    %dma_wait3A_1188 = arith.constant 54 : i32
    %dma_wait3A_1189 = arith.constant 54 : i32
    %dma_wait3A_1190 = arith.constant 0 : i32
    %dma_wait3A_1191 = tpu.memref_slice %arg6[%dma_wait3A_1188, %dma_wait3A_1190] : memref<64x128xi32, #tpu.memory_space<vmem>> -> memref<1x128xi32, #tpu.memory_space<vmem>>
    %dma_wait3A_1192 = tpu.memref_squeeze %dma_wait3A_1191 : memref<1x128xi32, #tpu.memory_space<vmem>> -> memref<128xi32, #tpu.memory_space<vmem>>
    %dma_wait3A_1193 = arith.constant 0 : i32
    %dma_wait3A_1194 = tpu.memref_slice %arg5[%dma_wait3A_1189, %dma_wait3A_1193] : memref<64x128xi32, #tpu.memory_space<vmem>> -> memref<1x128xi32, #tpu.memory_space<vmem>>
    %dma_wait3A_1195 = tpu.memref_squeeze %dma_wait3A_1194 : memref<1x128xi32, #tpu.memory_space<vmem>> -> memref<128xi32, #tpu.memory_space<vmem>>
    %dma_wait3A_1196 = arith.constant 0 : i32
    %dma_wait3A_1197 = tpu.memref_slice %arg7[%dma_wait3A_1196] : memref<147456xi32, #tpu.memory_space<vmem_shared>> -> memref<147456xi32, #tpu.memory_space<vmem_shared>>
    tpu.wait_indirect_dma semaphore(%arg10 : memref<!tpu.dma_semaphore, #tpu.memory_space<semaphore_mem>>) src(%dma_wait3A_1192 : memref<128xi32, #tpu.memory_space<vmem>>) dst(%dma_wait3A_1197 : memref<147456xi32, #tpu.memory_space<vmem_shared>>)
    %dma_wait3A_1198 = arith.constant 55 : i32
    %dma_wait3A_1199 = arith.constant 55 : i32
    %dma_wait3A_1200 = arith.constant 0 : i32
    %dma_wait3A_1201 = tpu.memref_slice %arg6[%dma_wait3A_1198, %dma_wait3A_1200] : memref<64x128xi32, #tpu.memory_space<vmem>> -> memref<1x128xi32, #tpu.memory_space<vmem>>
    %dma_wait3A_1202 = tpu.memref_squeeze %dma_wait3A_1201 : memref<1x128xi32, #tpu.memory_space<vmem>> -> memref<128xi32, #tpu.memory_space<vmem>>
    %dma_wait3A_1203 = arith.constant 0 : i32
    %dma_wait3A_1204 = tpu.memref_slice %arg5[%dma_wait3A_1199, %dma_wait3A_1203] : memref<64x128xi32, #tpu.memory_space<vmem>> -> memref<1x128xi32, #tpu.memory_space<vmem>>
    %dma_wait3A_1205 = tpu.memref_squeeze %dma_wait3A_1204 : memref<1x128xi32, #tpu.memory_space<vmem>> -> memref<128xi32, #tpu.memory_space<vmem>>
    %dma_wait3A_1206 = arith.constant 0 : i32
    %dma_wait3A_1207 = tpu.memref_slice %arg7[%dma_wait3A_1206] : memref<147456xi32, #tpu.memory_space<vmem_shared>> -> memref<147456xi32, #tpu.memory_space<vmem_shared>>
    tpu.wait_indirect_dma semaphore(%arg10 : memref<!tpu.dma_semaphore, #tpu.memory_space<semaphore_mem>>) src(%dma_wait3A_1202 : memref<128xi32, #tpu.memory_space<vmem>>) dst(%dma_wait3A_1207 : memref<147456xi32, #tpu.memory_space<vmem_shared>>)
    %dma_wait3A_1208 = arith.constant 56 : i32
    %dma_wait3A_1209 = arith.constant 56 : i32
    %dma_wait3A_1210 = arith.constant 0 : i32
    %dma_wait3A_1211 = tpu.memref_slice %arg6[%dma_wait3A_1208, %dma_wait3A_1210] : memref<64x128xi32, #tpu.memory_space<vmem>> -> memref<1x128xi32, #tpu.memory_space<vmem>>
    %dma_wait3A_1212 = tpu.memref_squeeze %dma_wait3A_1211 : memref<1x128xi32, #tpu.memory_space<vmem>> -> memref<128xi32, #tpu.memory_space<vmem>>
    %dma_wait3A_1213 = arith.constant 0 : i32
    %dma_wait3A_1214 = tpu.memref_slice %arg5[%dma_wait3A_1209, %dma_wait3A_1213] : memref<64x128xi32, #tpu.memory_space<vmem>> -> memref<1x128xi32, #tpu.memory_space<vmem>>
    %dma_wait3A_1215 = tpu.memref_squeeze %dma_wait3A_1214 : memref<1x128xi32, #tpu.memory_space<vmem>> -> memref<128xi32, #tpu.memory_space<vmem>>
    %dma_wait3A_1216 = arith.constant 0 : i32
    %dma_wait3A_1217 = tpu.memref_slice %arg7[%dma_wait3A_1216] : memref<147456xi32, #tpu.memory_space<vmem_shared>> -> memref<147456xi32, #tpu.memory_space<vmem_shared>>
    tpu.wait_indirect_dma semaphore(%arg10 : memref<!tpu.dma_semaphore, #tpu.memory_space<semaphore_mem>>) src(%dma_wait3A_1212 : memref<128xi32, #tpu.memory_space<vmem>>) dst(%dma_wait3A_1217 : memref<147456xi32, #tpu.memory_space<vmem_shared>>)
    %dma_wait3A_1218 = arith.constant 57 : i32
    %dma_wait3A_1219 = arith.constant 57 : i32
    %dma_wait3A_1220 = arith.constant 0 : i32
    %dma_wait3A_1221 = tpu.memref_slice %arg6[%dma_wait3A_1218, %dma_wait3A_1220] : memref<64x128xi32, #tpu.memory_space<vmem>> -> memref<1x128xi32, #tpu.memory_space<vmem>>
    %dma_wait3A_1222 = tpu.memref_squeeze %dma_wait3A_1221 : memref<1x128xi32, #tpu.memory_space<vmem>> -> memref<128xi32, #tpu.memory_space<vmem>>
    %dma_wait3A_1223 = arith.constant 0 : i32
    %dma_wait3A_1224 = tpu.memref_slice %arg5[%dma_wait3A_1219, %dma_wait3A_1223] : memref<64x128xi32, #tpu.memory_space<vmem>> -> memref<1x128xi32, #tpu.memory_space<vmem>>
    %dma_wait3A_1225 = tpu.memref_squeeze %dma_wait3A_1224 : memref<1x128xi32, #tpu.memory_space<vmem>> -> memref<128xi32, #tpu.memory_space<vmem>>
    %dma_wait3A_1226 = arith.constant 0 : i32
    %dma_wait3A_1227 = tpu.memref_slice %arg7[%dma_wait3A_1226] : memref<147456xi32, #tpu.memory_space<vmem_shared>> -> memref<147456xi32, #tpu.memory_space<vmem_shared>>
    tpu.wait_indirect_dma semaphore(%arg10 : memref<!tpu.dma_semaphore, #tpu.memory_space<semaphore_mem>>) src(%dma_wait3A_1222 : memref<128xi32, #tpu.memory_space<vmem>>) dst(%dma_wait3A_1227 : memref<147456xi32, #tpu.memory_space<vmem_shared>>)
    %dma_wait3A_1228 = arith.constant 58 : i32
    %dma_wait3A_1229 = arith.constant 58 : i32
    %dma_wait3A_1230 = arith.constant 0 : i32
    %dma_wait3A_1231 = tpu.memref_slice %arg6[%dma_wait3A_1228, %dma_wait3A_1230] : memref<64x128xi32, #tpu.memory_space<vmem>> -> memref<1x128xi32, #tpu.memory_space<vmem>>
    %dma_wait3A_1232 = tpu.memref_squeeze %dma_wait3A_1231 : memref<1x128xi32, #tpu.memory_space<vmem>> -> memref<128xi32, #tpu.memory_space<vmem>>
    %dma_wait3A_1233 = arith.constant 0 : i32
    %dma_wait3A_1234 = tpu.memref_slice %arg5[%dma_wait3A_1229, %dma_wait3A_1233] : memref<64x128xi32, #tpu.memory_space<vmem>> -> memref<1x128xi32, #tpu.memory_space<vmem>>
    %dma_wait3A_1235 = tpu.memref_squeeze %dma_wait3A_1234 : memref<1x128xi32, #tpu.memory_space<vmem>> -> memref<128xi32, #tpu.memory_space<vmem>>
    %dma_wait3A_1236 = arith.constant 0 : i32
    %dma_wait3A_1237 = tpu.memref_slice %arg7[%dma_wait3A_1236] : memref<147456xi32, #tpu.memory_space<vmem_shared>> -> memref<147456xi32, #tpu.memory_space<vmem_shared>>
    tpu.wait_indirect_dma semaphore(%arg10 : memref<!tpu.dma_semaphore, #tpu.memory_space<semaphore_mem>>) src(%dma_wait3A_1232 : memref<128xi32, #tpu.memory_space<vmem>>) dst(%dma_wait3A_1237 : memref<147456xi32, #tpu.memory_space<vmem_shared>>)
    %dma_wait3A_1238 = arith.constant 59 : i32
    %dma_wait3A_1239 = arith.constant 59 : i32
    %dma_wait3A_1240 = arith.constant 0 : i32
    %dma_wait3A_1241 = tpu.memref_slice %arg6[%dma_wait3A_1238, %dma_wait3A_1240] : memref<64x128xi32, #tpu.memory_space<vmem>> -> memref<1x128xi32, #tpu.memory_space<vmem>>
    %dma_wait3A_1242 = tpu.memref_squeeze %dma_wait3A_1241 : memref<1x128xi32, #tpu.memory_space<vmem>> -> memref<128xi32, #tpu.memory_space<vmem>>
    %dma_wait3A_1243 = arith.constant 0 : i32
    %dma_wait3A_1244 = tpu.memref_slice %arg5[%dma_wait3A_1239, %dma_wait3A_1243] : memref<64x128xi32, #tpu.memory_space<vmem>> -> memref<1x128xi32, #tpu.memory_space<vmem>>
    %dma_wait3A_1245 = tpu.memref_squeeze %dma_wait3A_1244 : memref<1x128xi32, #tpu.memory_space<vmem>> -> memref<128xi32, #tpu.memory_space<vmem>>
    %dma_wait3A_1246 = arith.constant 0 : i32
    %dma_wait3A_1247 = tpu.memref_slice %arg7[%dma_wait3A_1246] : memref<147456xi32, #tpu.memory_space<vmem_shared>> -> memref<147456xi32, #tpu.memory_space<vmem_shared>>
    tpu.wait_indirect_dma semaphore(%arg10 : memref<!tpu.dma_semaphore, #tpu.memory_space<semaphore_mem>>) src(%dma_wait3A_1242 : memref<128xi32, #tpu.memory_space<vmem>>) dst(%dma_wait3A_1247 : memref<147456xi32, #tpu.memory_space<vmem_shared>>)
    %dma_wait3A_1248 = arith.constant 60 : i32
    %dma_wait3A_1249 = arith.constant 60 : i32
    %dma_wait3A_1250 = arith.constant 0 : i32
    %dma_wait3A_1251 = tpu.memref_slice %arg6[%dma_wait3A_1248, %dma_wait3A_1250] : memref<64x128xi32, #tpu.memory_space<vmem>> -> memref<1x128xi32, #tpu.memory_space<vmem>>
    %dma_wait3A_1252 = tpu.memref_squeeze %dma_wait3A_1251 : memref<1x128xi32, #tpu.memory_space<vmem>> -> memref<128xi32, #tpu.memory_space<vmem>>
    %dma_wait3A_1253 = arith.constant 0 : i32
    %dma_wait3A_1254 = tpu.memref_slice %arg5[%dma_wait3A_1249, %dma_wait3A_1253] : memref<64x128xi32, #tpu.memory_space<vmem>> -> memref<1x128xi32, #tpu.memory_space<vmem>>
    %dma_wait3A_1255 = tpu.memref_squeeze %dma_wait3A_1254 : memref<1x128xi32, #tpu.memory_space<vmem>> -> memref<128xi32, #tpu.memory_space<vmem>>
    %dma_wait3A_1256 = arith.constant 0 : i32
    %dma_wait3A_1257 = tpu.memref_slice %arg7[%dma_wait3A_1256] : memref<147456xi32, #tpu.memory_space<vmem_shared>> -> memref<147456xi32, #tpu.memory_space<vmem_shared>>
    tpu.wait_indirect_dma semaphore(%arg10 : memref<!tpu.dma_semaphore, #tpu.memory_space<semaphore_mem>>) src(%dma_wait3A_1252 : memref<128xi32, #tpu.memory_space<vmem>>) dst(%dma_wait3A_1257 : memref<147456xi32, #tpu.memory_space<vmem_shared>>)
    %dma_wait3A_1258 = arith.constant 61 : i32
    %dma_wait3A_1259 = arith.constant 61 : i32
    %dma_wait3A_1260 = arith.constant 0 : i32
    %dma_wait3A_1261 = tpu.memref_slice %arg6[%dma_wait3A_1258, %dma_wait3A_1260] : memref<64x128xi32, #tpu.memory_space<vmem>> -> memref<1x128xi32, #tpu.memory_space<vmem>>
    %dma_wait3A_1262 = tpu.memref_squeeze %dma_wait3A_1261 : memref<1x128xi32, #tpu.memory_space<vmem>> -> memref<128xi32, #tpu.memory_space<vmem>>
    %dma_wait3A_1263 = arith.constant 0 : i32
    %dma_wait3A_1264 = tpu.memref_slice %arg5[%dma_wait3A_1259, %dma_wait3A_1263] : memref<64x128xi32, #tpu.memory_space<vmem>> -> memref<1x128xi32, #tpu.memory_space<vmem>>
    %dma_wait3A_1265 = tpu.memref_squeeze %dma_wait3A_1264 : memref<1x128xi32, #tpu.memory_space<vmem>> -> memref<128xi32, #tpu.memory_space<vmem>>
    %dma_wait3A_1266 = arith.constant 0 : i32
    %dma_wait3A_1267 = tpu.memref_slice %arg7[%dma_wait3A_1266] : memref<147456xi32, #tpu.memory_space<vmem_shared>> -> memref<147456xi32, #tpu.memory_space<vmem_shared>>
    tpu.wait_indirect_dma semaphore(%arg10 : memref<!tpu.dma_semaphore, #tpu.memory_space<semaphore_mem>>) src(%dma_wait3A_1262 : memref<128xi32, #tpu.memory_space<vmem>>) dst(%dma_wait3A_1267 : memref<147456xi32, #tpu.memory_space<vmem_shared>>)
    %dma_wait3A_1268 = arith.constant 62 : i32
    %dma_wait3A_1269 = arith.constant 62 : i32
    %dma_wait3A_1270 = arith.constant 0 : i32
    %dma_wait3A_1271 = tpu.memref_slice %arg6[%dma_wait3A_1268, %dma_wait3A_1270] : memref<64x128xi32, #tpu.memory_space<vmem>> -> memref<1x128xi32, #tpu.memory_space<vmem>>
    %dma_wait3A_1272 = tpu.memref_squeeze %dma_wait3A_1271 : memref<1x128xi32, #tpu.memory_space<vmem>> -> memref<128xi32, #tpu.memory_space<vmem>>
    %dma_wait3A_1273 = arith.constant 0 : i32
    %dma_wait3A_1274 = tpu.memref_slice %arg5[%dma_wait3A_1269, %dma_wait3A_1273] : memref<64x128xi32, #tpu.memory_space<vmem>> -> memref<1x128xi32, #tpu.memory_space<vmem>>
    %dma_wait3A_1275 = tpu.memref_squeeze %dma_wait3A_1274 : memref<1x128xi32, #tpu.memory_space<vmem>> -> memref<128xi32, #tpu.memory_space<vmem>>
    %dma_wait3A_1276 = arith.constant 0 : i32
    %dma_wait3A_1277 = tpu.memref_slice %arg7[%dma_wait3A_1276] : memref<147456xi32, #tpu.memory_space<vmem_shared>> -> memref<147456xi32, #tpu.memory_space<vmem_shared>>
    tpu.wait_indirect_dma semaphore(%arg10 : memref<!tpu.dma_semaphore, #tpu.memory_space<semaphore_mem>>) src(%dma_wait3A_1272 : memref<128xi32, #tpu.memory_space<vmem>>) dst(%dma_wait3A_1277 : memref<147456xi32, #tpu.memory_space<vmem_shared>>)
    %dma_wait3A_1278 = arith.constant 63 : i32
    %dma_wait3A_1279 = arith.constant 63 : i32
    %dma_wait3A_1280 = arith.constant 0 : i32
    %dma_wait3A_1281 = tpu.memref_slice %arg6[%dma_wait3A_1278, %dma_wait3A_1280] : memref<64x128xi32, #tpu.memory_space<vmem>> -> memref<1x128xi32, #tpu.memory_space<vmem>>
    %dma_wait3A_1282 = tpu.memref_squeeze %dma_wait3A_1281 : memref<1x128xi32, #tpu.memory_space<vmem>> -> memref<128xi32, #tpu.memory_space<vmem>>
    %dma_wait3A_1283 = arith.constant 0 : i32
    %dma_wait3A_1284 = tpu.memref_slice %arg5[%dma_wait3A_1279, %dma_wait3A_1283] : memref<64x128xi32, #tpu.memory_space<vmem>> -> memref<1x128xi32, #tpu.memory_space<vmem>>
    %dma_wait3A_1285 = tpu.memref_squeeze %dma_wait3A_1284 : memref<1x128xi32, #tpu.memory_space<vmem>> -> memref<128xi32, #tpu.memory_space<vmem>>
    %dma_wait3A_1286 = arith.constant 0 : i32
    %dma_wait3A_1287 = tpu.memref_slice %arg7[%dma_wait3A_1286] : memref<147456xi32, #tpu.memory_space<vmem_shared>> -> memref<147456xi32, #tpu.memory_space<vmem_shared>>
    tpu.wait_indirect_dma semaphore(%arg10 : memref<!tpu.dma_semaphore, #tpu.memory_space<semaphore_mem>>) src(%dma_wait3A_1282 : memref<128xi32, #tpu.memory_space<vmem>>) dst(%dma_wait3A_1287 : memref<147456xi32, #tpu.memory_space<vmem_shared>>)
    %barrier3A = arith.constant 0 : index
    tpu.barrier barrier_id(%barrier3A)
    %mul3A_1288 = arith.constant 512 : i32
    %mul3A_1289 = arith.muli %add3A, %mul3A_1288 : i32
    "tpu.region"() ({
      %run_scoped3A = tpu.sem_alloc : memref<!tpu.dma_semaphore, #tpu.memory_space<semaphore_mem>>
      %dma_start3A_1354 = tpu.memref_slice %arg7[%mul3A_1289] : memref<147456xi32, #tpu.memory_space<vmem_shared>> -> memref<512xi32, #tpu.memory_space<vmem_shared>>
      %dma_start3A_1355 = tpu.memref_slice %arg7[%mul3A_1289] : memref<147456xi32, #tpu.memory_space<vmem_shared>> -> memref<512xi32, #tpu.memory_space<vmem_shared>>
      tpu.enqueue_dma source(%dma_start3A_1355 : memref<512xi32, #tpu.memory_space<vmem_shared>>) target(%arg8 : memref<512xi32, #tpu.memory_space<vmem>>) target_semaphore(%run_scoped3A : memref<!tpu.dma_semaphore, #tpu.memory_space<semaphore_mem>>)
      %dma_wait3A_1356 = tpu.memref_slice %arg7[%mul3A_1289] : memref<147456xi32, #tpu.memory_space<vmem_shared>> -> memref<512xi32, #tpu.memory_space<vmem_shared>>
      %dma_wait3A_1357 = tpu.memref_slice %arg7[%mul3A_1289] : memref<147456xi32, #tpu.memory_space<vmem_shared>> -> memref<512xi32, #tpu.memory_space<vmem_shared>>
      tpu.wait_dma2 semaphore(%run_scoped3A : memref<!tpu.dma_semaphore, #tpu.memory_space<semaphore_mem>>) src(%dma_wait3A_1357 : memref<512xi32, #tpu.memory_space<vmem_shared>>) dst(%arg8 : memref<512xi32, #tpu.memory_space<vmem>>)
      tpu.yield
    }) : () -> ()
    %dma_start3A_1290 = arith.constant 0 : i32
    %dma_start3A_1291 = arith.constant 0 : i32
    %dma_start3A_1292 = tpu.memref_slice %arg9[%dma_start3A_1290, %dma_start3A_1291] : memref<512x64xf32, #tpu.memory_space<vmem>> -> memref<128x64xf32, #tpu.memory_space<vmem>>
    %dma_start3A_1293 = arith.constant 0 : i32
    %dma_start3A_1294 = tpu.memref_slice %arg8[%dma_start3A_1293] : memref<512xi32, #tpu.memory_space<vmem>> -> memref<128xi32, #tpu.memory_space<vmem>>
    %dma_start3A_1295 = arith.constant 0 : i32
    %dma_start3A_1296 = arith.constant 0 : i32
    %dma_start3A_1297 = tpu.memref_slice %arg2[%dma_start3A_1295, %dma_start3A_1296] : memref<131072x64xf32, #tpu.memory_space<hbm>> -> memref<131072x64xf32, #tpu.memory_space<hbm>>
    tpu.enqueue_indirect_dma source(%dma_start3A_1297 : memref<131072x64xf32, #tpu.memory_space<hbm>>) target(%dma_start3A_1292 : memref<128x64xf32, #tpu.memory_space<vmem>>) offsets(%dma_start3A_1294 : memref<128xi32, #tpu.memory_space<vmem>>) semaphore(%arg10 : memref<!tpu.dma_semaphore, #tpu.memory_space<semaphore_mem>>)
    %dma_start3A_1298 = arith.constant 128 : i32
    %dma_start3A_1299 = arith.constant 0 : i32
    %dma_start3A_1300 = tpu.memref_slice %arg9[%dma_start3A_1298, %dma_start3A_1299] : memref<512x64xf32, #tpu.memory_space<vmem>> -> memref<128x64xf32, #tpu.memory_space<vmem>>
    %dma_start3A_1301 = arith.constant 128 : i32
    %dma_start3A_1302 = tpu.memref_slice %arg8[%dma_start3A_1301] : memref<512xi32, #tpu.memory_space<vmem>> -> memref<128xi32, #tpu.memory_space<vmem>>
    %dma_start3A_1303 = arith.constant 0 : i32
    %dma_start3A_1304 = arith.constant 0 : i32
    %dma_start3A_1305 = tpu.memref_slice %arg2[%dma_start3A_1303, %dma_start3A_1304] : memref<131072x64xf32, #tpu.memory_space<hbm>> -> memref<131072x64xf32, #tpu.memory_space<hbm>>
    tpu.enqueue_indirect_dma source(%dma_start3A_1305 : memref<131072x64xf32, #tpu.memory_space<hbm>>) target(%dma_start3A_1300 : memref<128x64xf32, #tpu.memory_space<vmem>>) offsets(%dma_start3A_1302 : memref<128xi32, #tpu.memory_space<vmem>>) semaphore(%arg10 : memref<!tpu.dma_semaphore, #tpu.memory_space<semaphore_mem>>)
    %dma_start3A_1306 = arith.constant 256 : i32
    %dma_start3A_1307 = arith.constant 0 : i32
    %dma_start3A_1308 = tpu.memref_slice %arg9[%dma_start3A_1306, %dma_start3A_1307] : memref<512x64xf32, #tpu.memory_space<vmem>> -> memref<128x64xf32, #tpu.memory_space<vmem>>
    %dma_start3A_1309 = arith.constant 256 : i32
    %dma_start3A_1310 = tpu.memref_slice %arg8[%dma_start3A_1309] : memref<512xi32, #tpu.memory_space<vmem>> -> memref<128xi32, #tpu.memory_space<vmem>>
    %dma_start3A_1311 = arith.constant 0 : i32
    %dma_start3A_1312 = arith.constant 0 : i32
    %dma_start3A_1313 = tpu.memref_slice %arg2[%dma_start3A_1311, %dma_start3A_1312] : memref<131072x64xf32, #tpu.memory_space<hbm>> -> memref<131072x64xf32, #tpu.memory_space<hbm>>
    tpu.enqueue_indirect_dma source(%dma_start3A_1313 : memref<131072x64xf32, #tpu.memory_space<hbm>>) target(%dma_start3A_1308 : memref<128x64xf32, #tpu.memory_space<vmem>>) offsets(%dma_start3A_1310 : memref<128xi32, #tpu.memory_space<vmem>>) semaphore(%arg10 : memref<!tpu.dma_semaphore, #tpu.memory_space<semaphore_mem>>)
    %dma_start3A_1314 = arith.constant 384 : i32
    %dma_start3A_1315 = arith.constant 0 : i32
    %dma_start3A_1316 = tpu.memref_slice %arg9[%dma_start3A_1314, %dma_start3A_1315] : memref<512x64xf32, #tpu.memory_space<vmem>> -> memref<128x64xf32, #tpu.memory_space<vmem>>
    %dma_start3A_1317 = arith.constant 384 : i32
    %dma_start3A_1318 = tpu.memref_slice %arg8[%dma_start3A_1317] : memref<512xi32, #tpu.memory_space<vmem>> -> memref<128xi32, #tpu.memory_space<vmem>>
    %dma_start3A_1319 = arith.constant 0 : i32
    %dma_start3A_1320 = arith.constant 0 : i32
    %dma_start3A_1321 = tpu.memref_slice %arg2[%dma_start3A_1319, %dma_start3A_1320] : memref<131072x64xf32, #tpu.memory_space<hbm>> -> memref<131072x64xf32, #tpu.memory_space<hbm>>
    tpu.enqueue_indirect_dma source(%dma_start3A_1321 : memref<131072x64xf32, #tpu.memory_space<hbm>>) target(%dma_start3A_1316 : memref<128x64xf32, #tpu.memory_space<vmem>>) offsets(%dma_start3A_1318 : memref<128xi32, #tpu.memory_space<vmem>>) semaphore(%arg10 : memref<!tpu.dma_semaphore, #tpu.memory_space<semaphore_mem>>)
    %dma_wait3A_1322 = arith.constant 0 : i32
    %dma_wait3A_1323 = arith.constant 0 : i32
    %dma_wait3A_1324 = tpu.memref_slice %arg9[%dma_wait3A_1322, %dma_wait3A_1323] : memref<512x64xf32, #tpu.memory_space<vmem>> -> memref<128x64xf32, #tpu.memory_space<vmem>>
    %dma_wait3A_1325 = arith.constant 0 : i32
    %dma_wait3A_1326 = tpu.memref_slice %arg8[%dma_wait3A_1325] : memref<512xi32, #tpu.memory_space<vmem>> -> memref<128xi32, #tpu.memory_space<vmem>>
    %dma_wait3A_1327 = arith.constant 0 : i32
    %dma_wait3A_1328 = arith.constant 0 : i32
    %dma_wait3A_1329 = tpu.memref_slice %arg2[%dma_wait3A_1327, %dma_wait3A_1328] : memref<131072x64xf32, #tpu.memory_space<hbm>> -> memref<131072x64xf32, #tpu.memory_space<hbm>>
    tpu.wait_indirect_dma semaphore(%arg10 : memref<!tpu.dma_semaphore, #tpu.memory_space<semaphore_mem>>) src(%dma_wait3A_1329 : memref<131072x64xf32, #tpu.memory_space<hbm>>) dst(%dma_wait3A_1324 : memref<128x64xf32, #tpu.memory_space<vmem>>)
    %dma_wait3A_1330 = arith.constant 128 : i32
    %dma_wait3A_1331 = arith.constant 0 : i32
    %dma_wait3A_1332 = tpu.memref_slice %arg9[%dma_wait3A_1330, %dma_wait3A_1331] : memref<512x64xf32, #tpu.memory_space<vmem>> -> memref<128x64xf32, #tpu.memory_space<vmem>>
    %dma_wait3A_1333 = arith.constant 128 : i32
    %dma_wait3A_1334 = tpu.memref_slice %arg8[%dma_wait3A_1333] : memref<512xi32, #tpu.memory_space<vmem>> -> memref<128xi32, #tpu.memory_space<vmem>>
    %dma_wait3A_1335 = arith.constant 0 : i32
    %dma_wait3A_1336 = arith.constant 0 : i32
    %dma_wait3A_1337 = tpu.memref_slice %arg2[%dma_wait3A_1335, %dma_wait3A_1336] : memref<131072x64xf32, #tpu.memory_space<hbm>> -> memref<131072x64xf32, #tpu.memory_space<hbm>>
    tpu.wait_indirect_dma semaphore(%arg10 : memref<!tpu.dma_semaphore, #tpu.memory_space<semaphore_mem>>) src(%dma_wait3A_1337 : memref<131072x64xf32, #tpu.memory_space<hbm>>) dst(%dma_wait3A_1332 : memref<128x64xf32, #tpu.memory_space<vmem>>)
    %dma_wait3A_1338 = arith.constant 256 : i32
    %dma_wait3A_1339 = arith.constant 0 : i32
    %dma_wait3A_1340 = tpu.memref_slice %arg9[%dma_wait3A_1338, %dma_wait3A_1339] : memref<512x64xf32, #tpu.memory_space<vmem>> -> memref<128x64xf32, #tpu.memory_space<vmem>>
    %dma_wait3A_1341 = arith.constant 256 : i32
    %dma_wait3A_1342 = tpu.memref_slice %arg8[%dma_wait3A_1341] : memref<512xi32, #tpu.memory_space<vmem>> -> memref<128xi32, #tpu.memory_space<vmem>>
    %dma_wait3A_1343 = arith.constant 0 : i32
    %dma_wait3A_1344 = arith.constant 0 : i32
    %dma_wait3A_1345 = tpu.memref_slice %arg2[%dma_wait3A_1343, %dma_wait3A_1344] : memref<131072x64xf32, #tpu.memory_space<hbm>> -> memref<131072x64xf32, #tpu.memory_space<hbm>>
    tpu.wait_indirect_dma semaphore(%arg10 : memref<!tpu.dma_semaphore, #tpu.memory_space<semaphore_mem>>) src(%dma_wait3A_1345 : memref<131072x64xf32, #tpu.memory_space<hbm>>) dst(%dma_wait3A_1340 : memref<128x64xf32, #tpu.memory_space<vmem>>)
    %dma_wait3A_1346 = arith.constant 384 : i32
    %dma_wait3A_1347 = arith.constant 0 : i32
    %dma_wait3A_1348 = tpu.memref_slice %arg9[%dma_wait3A_1346, %dma_wait3A_1347] : memref<512x64xf32, #tpu.memory_space<vmem>> -> memref<128x64xf32, #tpu.memory_space<vmem>>
    %dma_wait3A_1349 = arith.constant 384 : i32
    %dma_wait3A_1350 = tpu.memref_slice %arg8[%dma_wait3A_1349] : memref<512xi32, #tpu.memory_space<vmem>> -> memref<128xi32, #tpu.memory_space<vmem>>
    %dma_wait3A_1351 = arith.constant 0 : i32
    %dma_wait3A_1352 = arith.constant 0 : i32
    %dma_wait3A_1353 = tpu.memref_slice %arg2[%dma_wait3A_1351, %dma_wait3A_1352] : memref<131072x64xf32, #tpu.memory_space<hbm>> -> memref<131072x64xf32, #tpu.memory_space<hbm>>
    tpu.wait_indirect_dma semaphore(%arg10 : memref<!tpu.dma_semaphore, #tpu.memory_space<semaphore_mem>>) src(%dma_wait3A_1353 : memref<131072x64xf32, #tpu.memory_space<hbm>>) dst(%dma_wait3A_1348 : memref<128x64xf32, #tpu.memory_space<vmem>>)
    "tpu.region"() ({
      %run_scoped3A = tpu.sem_alloc : memref<!tpu.dma_semaphore, #tpu.memory_space<semaphore_mem>>
      %dma_start3A_1354 = arith.constant 0 : i32
      %dma_start3A_1355 = tpu.memref_slice %arg4[%mul3A_1289, %dma_start3A_1354] : memref<16384x64xf32, #tpu.memory_space<hbm>> -> memref<512x64xf32, #tpu.memory_space<hbm>>
      %dma_start3A_1356 = arith.constant 0 : i32
      %dma_start3A_1357 = tpu.memref_slice %arg4[%mul3A_1289, %dma_start3A_1356] : memref<16384x64xf32, #tpu.memory_space<hbm>> -> memref<512x64xf32, #tpu.memory_space<hbm>>
      tpu.enqueue_dma source(%arg9 : memref<512x64xf32, #tpu.memory_space<vmem>>) target(%dma_start3A_1357 : memref<512x64xf32, #tpu.memory_space<hbm>>) target_semaphore(%run_scoped3A : memref<!tpu.dma_semaphore, #tpu.memory_space<semaphore_mem>>)
      %dma_wait3A_1358 = arith.constant 0 : i32
      %dma_wait3A_1359 = tpu.memref_slice %arg4[%mul3A_1289, %dma_wait3A_1358] : memref<16384x64xf32, #tpu.memory_space<hbm>> -> memref<512x64xf32, #tpu.memory_space<hbm>>
      %dma_wait3A_1360 = arith.constant 0 : i32
      %dma_wait3A_1361 = tpu.memref_slice %arg4[%mul3A_1289, %dma_wait3A_1360] : memref<16384x64xf32, #tpu.memory_space<hbm>> -> memref<512x64xf32, #tpu.memory_space<hbm>>
      tpu.wait_dma2 semaphore(%run_scoped3A : memref<!tpu.dma_semaphore, #tpu.memory_space<semaphore_mem>>) src(%arg9 : memref<512x64xf32, #tpu.memory_space<vmem>>) dst(%dma_wait3A_1361 : memref<512x64xf32, #tpu.memory_space<hbm>>)
      tpu.yield
    }) : () -> ()
    return
  }
}

module attributes {stable_mosaic.version = 14 : i64} {
  func.func @_matvec8_body(%arg0: i32, %arg1: memref<2048x8x64xf32, #tpu.memory_space<vmem>>, %arg2: memref<64x1xf32, #tpu.memory_space<vmem>>, %arg3: memref<2048x8xf32, #tpu.memory_space<vmem>>) attributes {dimension_semantics = [#tpu.dimension_semantics<arbitrary>], iteration_bounds = array<i64: 8>, scalar_prefetch = 0 : i64, scratch_operands = 0 : i64, tpu.core_type = #tpu.core_type<tc>, window_params = [{transform_indices = @transform_0, window_bounds = array<i64: 2048, 8, 64>}, {pipeline_mode = #tpu.pipeline_mode<synchronous>, transform_indices = @transform_1, window_bounds = array<i64: 64, 1>}, {transform_indices = @transform_2, window_bounds = array<i64: 2048, 8>}]} {
    %iota3A = tpu.iota {dimensions = array<i32: 1>} : vector<1x8xi32>
    %get3A = arith.constant 0 : index
    %get3A_0 = arith.constant 0 : index
    %get3A_1 = vector.load %arg2[%get3A, %get3A_0] : memref<64x1xf32, #tpu.memory_space<vmem>>, vector<64x1xf32>
    %broadcast_in_dim3A = arith.constant 0.000000e+00 : f32
    %broadcast_in_dim3A_2 = vector.broadcast %broadcast_in_dim3A : f32 to vector<2048x8xf32>
    %eq3A = arith.constant 0 : i32
    %eq3A_3 = vector.broadcast %eq3A : i32 to vector<1x8xi32>
    %eq3A_4 = arith.cmpi eq, %iota3A, %eq3A_3 : vector<1x8xi32>
    %convert_element_type3A = arith.extui %eq3A_4 : vector<1x8xi1> to vector<1x8xi32>
    %convert_element_type3A_5 = arith.sitofp %convert_element_type3A : vector<1x8xi32> to vector<1x8xf32>
    %mul3A = vector.broadcast %get3A_1 : vector<64x1xf32> to vector<64x8xf32>
    %mul3A_6 = vector.broadcast %convert_element_type3A_5 : vector<1x8xf32> to vector<64x8xf32>
    %mul3A_7 = arith.mulf %mul3A, %mul3A_6 : vector<64x8xf32>
    %get3A_8 = arith.constant 0 : index
    %get3A_9 = arith.constant 0 : index
    %get3A_10 = arith.constant 0 : index
    %get3A_11 = vector.load %arg1[%get3A_8, %get3A_9, %get3A_10] : memref<2048x8x64xf32, #tpu.memory_space<vmem>>, vector<2048x1x64xf32>
    %get3A_12 = vector.shape_cast %get3A_11 : vector<2048x1x64xf32> to vector<2048x64xf32>
    %dot_general3A = arith.constant dense<0.000000e+00> : vector<2048x8xf32>
    %dot_general3A_13 = tpu.matmul %get3A_12, %mul3A_7, %dot_general3A {dimension_numbers = #tpu.dot_dimension_numbers<[1], [0], [0], [1], [0, 0, 1, 1], [], []>, transpose_lhs_hint = false} : vector<2048x64xf32>, vector<64x8xf32>, vector<2048x8xf32> -> vector<2048x8xf32>
    %add3A = arith.addf %broadcast_in_dim3A_2, %dot_general3A_13 : vector<2048x8xf32>
    %eq3A_14 = arith.constant 1 : i32
    %eq3A_15 = vector.broadcast %eq3A_14 : i32 to vector<1x8xi32>
    %eq3A_16 = arith.cmpi eq, %iota3A, %eq3A_15 : vector<1x8xi32>
    %convert_element_type3A_17 = arith.extui %eq3A_16 : vector<1x8xi1> to vector<1x8xi32>
    %convert_element_type3A_18 = arith.sitofp %convert_element_type3A_17 : vector<1x8xi32> to vector<1x8xf32>
    %mul3A_19 = vector.broadcast %get3A_1 : vector<64x1xf32> to vector<64x8xf32>
    %mul3A_20 = vector.broadcast %convert_element_type3A_18 : vector<1x8xf32> to vector<64x8xf32>
    %mul3A_21 = arith.mulf %mul3A_19, %mul3A_20 : vector<64x8xf32>
    %get3A_22 = arith.constant 0 : index
    %get3A_23 = arith.constant 1 : index
    %get3A_24 = arith.constant 0 : index
    %get3A_25 = vector.load %arg1[%get3A_22, %get3A_23, %get3A_24] : memref<2048x8x64xf32, #tpu.memory_space<vmem>>, vector<2048x1x64xf32>
    %get3A_26 = vector.shape_cast %get3A_25 : vector<2048x1x64xf32> to vector<2048x64xf32>
    %dot_general3A_27 = arith.constant dense<0.000000e+00> : vector<2048x8xf32>
    %dot_general3A_28 = tpu.matmul %get3A_26, %mul3A_21, %dot_general3A_27 {dimension_numbers = #tpu.dot_dimension_numbers<[1], [0], [0], [1], [0, 0, 1, 1], [], []>, transpose_lhs_hint = false} : vector<2048x64xf32>, vector<64x8xf32>, vector<2048x8xf32> -> vector<2048x8xf32>
    %add3A_29 = arith.addf %add3A, %dot_general3A_28 : vector<2048x8xf32>
    %eq3A_30 = arith.constant 2 : i32
    %eq3A_31 = vector.broadcast %eq3A_30 : i32 to vector<1x8xi32>
    %eq3A_32 = arith.cmpi eq, %iota3A, %eq3A_31 : vector<1x8xi32>
    %convert_element_type3A_33 = arith.extui %eq3A_32 : vector<1x8xi1> to vector<1x8xi32>
    %convert_element_type3A_34 = arith.sitofp %convert_element_type3A_33 : vector<1x8xi32> to vector<1x8xf32>
    %mul3A_35 = vector.broadcast %get3A_1 : vector<64x1xf32> to vector<64x8xf32>
    %mul3A_36 = vector.broadcast %convert_element_type3A_34 : vector<1x8xf32> to vector<64x8xf32>
    %mul3A_37 = arith.mulf %mul3A_35, %mul3A_36 : vector<64x8xf32>
    %get3A_38 = arith.constant 0 : index
    %get3A_39 = arith.constant 2 : index
    %get3A_40 = arith.constant 0 : index
    %get3A_41 = vector.load %arg1[%get3A_38, %get3A_39, %get3A_40] : memref<2048x8x64xf32, #tpu.memory_space<vmem>>, vector<2048x1x64xf32>
    %get3A_42 = vector.shape_cast %get3A_41 : vector<2048x1x64xf32> to vector<2048x64xf32>
    %dot_general3A_43 = arith.constant dense<0.000000e+00> : vector<2048x8xf32>
    %dot_general3A_44 = tpu.matmul %get3A_42, %mul3A_37, %dot_general3A_43 {dimension_numbers = #tpu.dot_dimension_numbers<[1], [0], [0], [1], [0, 0, 1, 1], [], []>, transpose_lhs_hint = false} : vector<2048x64xf32>, vector<64x8xf32>, vector<2048x8xf32> -> vector<2048x8xf32>
    %add3A_45 = arith.addf %add3A_29, %dot_general3A_44 : vector<2048x8xf32>
    %eq3A_46 = arith.constant 3 : i32
    %eq3A_47 = vector.broadcast %eq3A_46 : i32 to vector<1x8xi32>
    %eq3A_48 = arith.cmpi eq, %iota3A, %eq3A_47 : vector<1x8xi32>
    %convert_element_type3A_49 = arith.extui %eq3A_48 : vector<1x8xi1> to vector<1x8xi32>
    %convert_element_type3A_50 = arith.sitofp %convert_element_type3A_49 : vector<1x8xi32> to vector<1x8xf32>
    %mul3A_51 = vector.broadcast %get3A_1 : vector<64x1xf32> to vector<64x8xf32>
    %mul3A_52 = vector.broadcast %convert_element_type3A_50 : vector<1x8xf32> to vector<64x8xf32>
    %mul3A_53 = arith.mulf %mul3A_51, %mul3A_52 : vector<64x8xf32>
    %get3A_54 = arith.constant 0 : index
    %get3A_55 = arith.constant 3 : index
    %get3A_56 = arith.constant 0 : index
    %get3A_57 = vector.load %arg1[%get3A_54, %get3A_55, %get3A_56] : memref<2048x8x64xf32, #tpu.memory_space<vmem>>, vector<2048x1x64xf32>
    %get3A_58 = vector.shape_cast %get3A_57 : vector<2048x1x64xf32> to vector<2048x64xf32>
    %dot_general3A_59 = arith.constant dense<0.000000e+00> : vector<2048x8xf32>
    %dot_general3A_60 = tpu.matmul %get3A_58, %mul3A_53, %dot_general3A_59 {dimension_numbers = #tpu.dot_dimension_numbers<[1], [0], [0], [1], [0, 0, 1, 1], [], []>, transpose_lhs_hint = false} : vector<2048x64xf32>, vector<64x8xf32>, vector<2048x8xf32> -> vector<2048x8xf32>
    %add3A_61 = arith.addf %add3A_45, %dot_general3A_60 : vector<2048x8xf32>
    %eq3A_62 = arith.constant 4 : i32
    %eq3A_63 = vector.broadcast %eq3A_62 : i32 to vector<1x8xi32>
    %eq3A_64 = arith.cmpi eq, %iota3A, %eq3A_63 : vector<1x8xi32>
    %convert_element_type3A_65 = arith.extui %eq3A_64 : vector<1x8xi1> to vector<1x8xi32>
    %convert_element_type3A_66 = arith.sitofp %convert_element_type3A_65 : vector<1x8xi32> to vector<1x8xf32>
    %mul3A_67 = vector.broadcast %get3A_1 : vector<64x1xf32> to vector<64x8xf32>
    %mul3A_68 = vector.broadcast %convert_element_type3A_66 : vector<1x8xf32> to vector<64x8xf32>
    %mul3A_69 = arith.mulf %mul3A_67, %mul3A_68 : vector<64x8xf32>
    %get3A_70 = arith.constant 0 : index
    %get3A_71 = arith.constant 4 : index
    %get3A_72 = arith.constant 0 : index
    %get3A_73 = vector.load %arg1[%get3A_70, %get3A_71, %get3A_72] : memref<2048x8x64xf32, #tpu.memory_space<vmem>>, vector<2048x1x64xf32>
    %get3A_74 = vector.shape_cast %get3A_73 : vector<2048x1x64xf32> to vector<2048x64xf32>
    %dot_general3A_75 = arith.constant dense<0.000000e+00> : vector<2048x8xf32>
    %dot_general3A_76 = tpu.matmul %get3A_74, %mul3A_69, %dot_general3A_75 {dimension_numbers = #tpu.dot_dimension_numbers<[1], [0], [0], [1], [0, 0, 1, 1], [], []>, transpose_lhs_hint = false} : vector<2048x64xf32>, vector<64x8xf32>, vector<2048x8xf32> -> vector<2048x8xf32>
    %add3A_77 = arith.addf %add3A_61, %dot_general3A_76 : vector<2048x8xf32>
    %eq3A_78 = arith.constant 5 : i32
    %eq3A_79 = vector.broadcast %eq3A_78 : i32 to vector<1x8xi32>
    %eq3A_80 = arith.cmpi eq, %iota3A, %eq3A_79 : vector<1x8xi32>
    %convert_element_type3A_81 = arith.extui %eq3A_80 : vector<1x8xi1> to vector<1x8xi32>
    %convert_element_type3A_82 = arith.sitofp %convert_element_type3A_81 : vector<1x8xi32> to vector<1x8xf32>
    %mul3A_83 = vector.broadcast %get3A_1 : vector<64x1xf32> to vector<64x8xf32>
    %mul3A_84 = vector.broadcast %convert_element_type3A_82 : vector<1x8xf32> to vector<64x8xf32>
    %mul3A_85 = arith.mulf %mul3A_83, %mul3A_84 : vector<64x8xf32>
    %get3A_86 = arith.constant 0 : index
    %get3A_87 = arith.constant 5 : index
    %get3A_88 = arith.constant 0 : index
    %get3A_89 = vector.load %arg1[%get3A_86, %get3A_87, %get3A_88] : memref<2048x8x64xf32, #tpu.memory_space<vmem>>, vector<2048x1x64xf32>
    %get3A_90 = vector.shape_cast %get3A_89 : vector<2048x1x64xf32> to vector<2048x64xf32>
    %dot_general3A_91 = arith.constant dense<0.000000e+00> : vector<2048x8xf32>
    %dot_general3A_92 = tpu.matmul %get3A_90, %mul3A_85, %dot_general3A_91 {dimension_numbers = #tpu.dot_dimension_numbers<[1], [0], [0], [1], [0, 0, 1, 1], [], []>, transpose_lhs_hint = false} : vector<2048x64xf32>, vector<64x8xf32>, vector<2048x8xf32> -> vector<2048x8xf32>
    %add3A_93 = arith.addf %add3A_77, %dot_general3A_92 : vector<2048x8xf32>
    %eq3A_94 = arith.constant 6 : i32
    %eq3A_95 = vector.broadcast %eq3A_94 : i32 to vector<1x8xi32>
    %eq3A_96 = arith.cmpi eq, %iota3A, %eq3A_95 : vector<1x8xi32>
    %convert_element_type3A_97 = arith.extui %eq3A_96 : vector<1x8xi1> to vector<1x8xi32>
    %convert_element_type3A_98 = arith.sitofp %convert_element_type3A_97 : vector<1x8xi32> to vector<1x8xf32>
    %mul3A_99 = vector.broadcast %get3A_1 : vector<64x1xf32> to vector<64x8xf32>
    %mul3A_100 = vector.broadcast %convert_element_type3A_98 : vector<1x8xf32> to vector<64x8xf32>
    %mul3A_101 = arith.mulf %mul3A_99, %mul3A_100 : vector<64x8xf32>
    %get3A_102 = arith.constant 0 : index
    %get3A_103 = arith.constant 6 : index
    %get3A_104 = arith.constant 0 : index
    %get3A_105 = vector.load %arg1[%get3A_102, %get3A_103, %get3A_104] : memref<2048x8x64xf32, #tpu.memory_space<vmem>>, vector<2048x1x64xf32>
    %get3A_106 = vector.shape_cast %get3A_105 : vector<2048x1x64xf32> to vector<2048x64xf32>
    %dot_general3A_107 = arith.constant dense<0.000000e+00> : vector<2048x8xf32>
    %dot_general3A_108 = tpu.matmul %get3A_106, %mul3A_101, %dot_general3A_107 {dimension_numbers = #tpu.dot_dimension_numbers<[1], [0], [0], [1], [0, 0, 1, 1], [], []>, transpose_lhs_hint = false} : vector<2048x64xf32>, vector<64x8xf32>, vector<2048x8xf32> -> vector<2048x8xf32>
    %add3A_109 = arith.addf %add3A_93, %dot_general3A_108 : vector<2048x8xf32>
    %eq3A_110 = arith.constant 7 : i32
    %eq3A_111 = vector.broadcast %eq3A_110 : i32 to vector<1x8xi32>
    %eq3A_112 = arith.cmpi eq, %iota3A, %eq3A_111 : vector<1x8xi32>
    %convert_element_type3A_113 = arith.extui %eq3A_112 : vector<1x8xi1> to vector<1x8xi32>
    %convert_element_type3A_114 = arith.sitofp %convert_element_type3A_113 : vector<1x8xi32> to vector<1x8xf32>
    %mul3A_115 = vector.broadcast %get3A_1 : vector<64x1xf32> to vector<64x8xf32>
    %mul3A_116 = vector.broadcast %convert_element_type3A_114 : vector<1x8xf32> to vector<64x8xf32>
    %mul3A_117 = arith.mulf %mul3A_115, %mul3A_116 : vector<64x8xf32>
    %get3A_118 = arith.constant 0 : index
    %get3A_119 = arith.constant 7 : index
    %get3A_120 = arith.constant 0 : index
    %get3A_121 = vector.load %arg1[%get3A_118, %get3A_119, %get3A_120] : memref<2048x8x64xf32, #tpu.memory_space<vmem>>, vector<2048x1x64xf32>
    %get3A_122 = vector.shape_cast %get3A_121 : vector<2048x1x64xf32> to vector<2048x64xf32>
    %dot_general3A_123 = arith.constant dense<0.000000e+00> : vector<2048x8xf32>
    %dot_general3A_124 = tpu.matmul %get3A_122, %mul3A_117, %dot_general3A_123 {dimension_numbers = #tpu.dot_dimension_numbers<[1], [0], [0], [1], [0, 0, 1, 1], [], []>, transpose_lhs_hint = false} : vector<2048x64xf32>, vector<64x8xf32>, vector<2048x8xf32> -> vector<2048x8xf32>
    %add3A_125 = arith.addf %add3A_109, %dot_general3A_124 : vector<2048x8xf32>
    %swap3A = arith.constant 0 : index
    %swap3A_126 = arith.constant 0 : index
    %swap3A_127 = vector.load %arg3[%swap3A, %swap3A_126] : memref<2048x8xf32, #tpu.memory_space<vmem>>, vector<2048x8xf32>
    tpu.vector_store %arg3[%swap3A, %swap3A_126], %add3A_125 {strides = array<i32>} : memref<2048x8xf32, #tpu.memory_space<vmem>>, vector<2048x8xf32>,
    return
  }
  func.func @transform_0(%arg0: i32) -> (i32, i32, i32) {
    %c0_i32 = arith.constant 0 : i32
    %c0_i32_0 = arith.constant 0 : i32
    %c0_i32_1 = arith.constant 0 : i32
    return %arg0, %c0_i32, %c0_i32_0 : i32, i32, i32
  }
  func.func @transform_1(%arg0: i32) -> (i32, i32) {
    %c0_i32 = arith.constant 0 : i32
    %c0_i32_0 = arith.constant 0 : i32
    %c0_i32_1 = arith.constant 0 : i32
    return %c0_i32, %c0_i32_0 : i32, i32
  }
  func.func @transform_2(%arg0: i32) -> (i32, i32) {
    %c0_i32 = arith.constant 0 : i32
    %c0_i32_0 = arith.constant 0 : i32
    return %arg0, %c0_i32 : i32, i32
  }
}

module attributes {stable_mosaic.version = 14 : i64} {
  func.func @_select_body(%arg0: memref<1024x128xf32, #tpu.memory_space<vmem>>, %arg1: memref<1024x128xi32, #tpu.memory_space<vmem>>) attributes {dimension_semantics = [], scalar_prefetch = 0 : i64, scratch_operands = 0 : i64, tpu.core_type = #tpu.core_type<tc>} {
    %get3A = arith.constant 0 : index
    %get3A_0 = arith.constant 0 : index
    %get3A_1 = vector.load %arg0[%get3A, %get3A_0] : memref<1024x128xf32, #tpu.memory_space<vmem>>, vector<1024x128xf32>
    %bitcast_convert_type3A = tpu.bitcast %get3A_1 : vector<1024x128xf32> -> vector<1024x128xi32>
    %shift_right_logical3A = arith.constant 31 : i32
    %shift_right_logical3A_2 = vector.broadcast %shift_right_logical3A : i32 to vector<1024x128xi32>
    %shift_right_logical3A_3 = arith.shrui %bitcast_convert_type3A, %shift_right_logical3A_2 : vector<1024x128xi32>
    %eq3A = arith.constant 1 : i32
    %eq3A_4 = vector.broadcast %eq3A : i32 to vector<1024x128xi32>
    %eq3A_5 = arith.cmpi eq, %shift_right_logical3A_3, %eq3A_4 : vector<1024x128xi32>
    %not3A = arith.constant dense<-1> : vector<1024x128xi32>
    %not3A_6 = arith.xori %bitcast_convert_type3A, %not3A : vector<1024x128xi32>
    %or3A = arith.constant -2147483648 : i32
    %or3A_7 = vector.broadcast %or3A : i32 to vector<1024x128xi32>
    %or3A_8 = arith.ori %bitcast_convert_type3A, %or3A_7 : vector<1024x128xi32>
    %select_n3A = arith.select %eq3A_5, %not3A_6, %or3A_8 : vector<1024x128xi1>, vector<1024x128xi32>
    %ne3A = arith.cmpf one, %get3A_1, %get3A_1 : vector<1024x128xf32>
    %jit3A = arith.constant 8388607 : i32
    %broadcast_in_dim3A = vector.broadcast %jit3A : i32 to vector<1024x128xi32>
    %select_n3A_9 = arith.select %ne3A, %broadcast_in_dim3A, %select_n3A : vector<1024x128xi1>, vector<1024x128xi32>
    %xor3A = arith.constant -2147483648 : i32
    %xor3A_10 = vector.broadcast %xor3A : i32 to vector<1024x128xi32>
    %xor3A_11 = arith.xori %select_n3A_9, %xor3A_10 : vector<1024x128xi32>
    %bitcast_convert_type3A_12 = tpu.bitcast %xor3A_11 : vector<1024x128xi32> -> vector<1024x128xi32>
    %or3A_13 = arith.constant 0 : i32
    %or3A_14 = arith.constant -2147483648 : i32
    %or3A_15 = arith.ori %or3A_13, %or3A_14 : i32
    %xor3A_16 = arith.constant -2147483648 : i32
    %xor3A_17 = arith.xori %or3A_15, %xor3A_16 : i32
    %bitcast_convert_type3A_18 = arith.bitcast %xor3A_17 : i32 to i32
    %ge3A = vector.broadcast %bitcast_convert_type3A_18 : i32 to vector<1024x128xi32>
    %ge3A_19 = arith.cmpi sge, %bitcast_convert_type3A_12, %ge3A : vector<1024x128xi32>
    %convert_element_type3A = arith.extui %ge3A_19 : vector<1024x128xi1> to vector<1024x128xi32>
    %reduce_sum3A = vector.shape_cast %convert_element_type3A : vector<1024x128xi32> to vector<1x1024x128xi32>
    %reduce_sum3A_20 = arith.constant dense<0> : vector<1xi32>
    %reduce_sum3A_21 = vector.multi_reduction <add>, %reduce_sum3A, %reduce_sum3A_20 [1, 2] : vector<1x1024x128xi32> to vector<1xi32>
    %reduce_sum3A_22 = vector.shape_cast %reduce_sum3A_21 : vector<1xi32> to vector<1x1x1xi32>
    %reduce_sum3A_23 = vector.extract %reduce_sum3A_22[0, 0, 0] : i32 from vector<1x1x1xi32>
    %ge3A_24 = arith.constant 16384 : i32
    %ge3A_25 = arith.cmpi sge, %reduce_sum3A_23, %ge3A_24 : i32
    %jit3A_26 = arith.constant 0 : i32
    %select_n3A_27 = arith.select %ge3A_25, %or3A_15, %jit3A_26 : i32
    %or3A_28 = arith.constant 1073741824 : i32
    %or3A_29 = arith.ori %select_n3A_27, %or3A_28 : i32
    %xor3A_30 = arith.constant -2147483648 : i32
    %xor3A_31 = arith.xori %or3A_29, %xor3A_30 : i32
    %bitcast_convert_type3A_32 = arith.bitcast %xor3A_31 : i32 to i32
    %ge3A_33 = vector.broadcast %bitcast_convert_type3A_32 : i32 to vector<1024x128xi32>
    %ge3A_34 = arith.cmpi sge, %bitcast_convert_type3A_12, %ge3A_33 : vector<1024x128xi32>
    %convert_element_type3A_35 = arith.extui %ge3A_34 : vector<1024x128xi1> to vector<1024x128xi32>
    %reduce_sum3A_36 = vector.shape_cast %convert_element_type3A_35 : vector<1024x128xi32> to vector<1x1024x128xi32>
    %reduce_sum3A_37 = arith.constant dense<0> : vector<1xi32>
    %reduce_sum3A_38 = vector.multi_reduction <add>, %reduce_sum3A_36, %reduce_sum3A_37 [1, 2] : vector<1x1024x128xi32> to vector<1xi32>
    %reduce_sum3A_39 = vector.shape_cast %reduce_sum3A_38 : vector<1xi32> to vector<1x1x1xi32>
    %reduce_sum3A_40 = vector.extract %reduce_sum3A_39[0, 0, 0] : i32 from vector<1x1x1xi32>
    %ge3A_41 = arith.constant 16384 : i32
    %ge3A_42 = arith.cmpi sge, %reduce_sum3A_40, %ge3A_41 : i32
    %select_n3A_43 = arith.select %ge3A_42, %or3A_29, %select_n3A_27 : i32
    %or3A_44 = arith.constant 536870912 : i32
    %or3A_45 = arith.ori %select_n3A_43, %or3A_44 : i32
    %xor3A_46 = arith.constant -2147483648 : i32
    %xor3A_47 = arith.xori %or3A_45, %xor3A_46 : i32
    %bitcast_convert_type3A_48 = arith.bitcast %xor3A_47 : i32 to i32
    %ge3A_49 = vector.broadcast %bitcast_convert_type3A_48 : i32 to vector<1024x128xi32>
    %ge3A_50 = arith.cmpi sge, %bitcast_convert_type3A_12, %ge3A_49 : vector<1024x128xi32>
    %convert_element_type3A_51 = arith.extui %ge3A_50 : vector<1024x128xi1> to vector<1024x128xi32>
    %reduce_sum3A_52 = vector.shape_cast %convert_element_type3A_51 : vector<1024x128xi32> to vector<1x1024x128xi32>
    %reduce_sum3A_53 = arith.constant dense<0> : vector<1xi32>
    %reduce_sum3A_54 = vector.multi_reduction <add>, %reduce_sum3A_52, %reduce_sum3A_53 [1, 2] : vector<1x1024x128xi32> to vector<1xi32>
    %reduce_sum3A_55 = vector.shape_cast %reduce_sum3A_54 : vector<1xi32> to vector<1x1x1xi32>
    %reduce_sum3A_56 = vector.extract %reduce_sum3A_55[0, 0, 0] : i32 from vector<1x1x1xi32>
    %ge3A_57 = arith.constant 16384 : i32
    %ge3A_58 = arith.cmpi sge, %reduce_sum3A_56, %ge3A_57 : i32
    %select_n3A_59 = arith.select %ge3A_58, %or3A_45, %select_n3A_43 : i32
    %or3A_60 = arith.constant 268435456 : i32
    %or3A_61 = arith.ori %select_n3A_59, %or3A_60 : i32
    %xor3A_62 = arith.constant -2147483648 : i32
    %xor3A_63 = arith.xori %or3A_61, %xor3A_62 : i32
    %bitcast_convert_type3A_64 = arith.bitcast %xor3A_63 : i32 to i32
    %ge3A_65 = vector.broadcast %bitcast_convert_type3A_64 : i32 to vector<1024x128xi32>
    %ge3A_66 = arith.cmpi sge, %bitcast_convert_type3A_12, %ge3A_65 : vector<1024x128xi32>
    %convert_element_type3A_67 = arith.extui %ge3A_66 : vector<1024x128xi1> to vector<1024x128xi32>
    %reduce_sum3A_68 = vector.shape_cast %convert_element_type3A_67 : vector<1024x128xi32> to vector<1x1024x128xi32>
    %reduce_sum3A_69 = arith.constant dense<0> : vector<1xi32>
    %reduce_sum3A_70 = vector.multi_reduction <add>, %reduce_sum3A_68, %reduce_sum3A_69 [1, 2] : vector<1x1024x128xi32> to vector<1xi32>
    %reduce_sum3A_71 = vector.shape_cast %reduce_sum3A_70 : vector<1xi32> to vector<1x1x1xi32>
    %reduce_sum3A_72 = vector.extract %reduce_sum3A_71[0, 0, 0] : i32 from vector<1x1x1xi32>
    %ge3A_73 = arith.constant 16384 : i32
    %ge3A_74 = arith.cmpi sge, %reduce_sum3A_72, %ge3A_73 : i32
    %select_n3A_75 = arith.select %ge3A_74, %or3A_61, %select_n3A_59 : i32
    %or3A_76 = arith.constant 134217728 : i32
    %or3A_77 = arith.ori %select_n3A_75, %or3A_76 : i32
    %xor3A_78 = arith.constant -2147483648 : i32
    %xor3A_79 = arith.xori %or3A_77, %xor3A_78 : i32
    %bitcast_convert_type3A_80 = arith.bitcast %xor3A_79 : i32 to i32
    %ge3A_81 = vector.broadcast %bitcast_convert_type3A_80 : i32 to vector<1024x128xi32>
    %ge3A_82 = arith.cmpi sge, %bitcast_convert_type3A_12, %ge3A_81 : vector<1024x128xi32>
    %convert_element_type3A_83 = arith.extui %ge3A_82 : vector<1024x128xi1> to vector<1024x128xi32>
    %reduce_sum3A_84 = vector.shape_cast %convert_element_type3A_83 : vector<1024x128xi32> to vector<1x1024x128xi32>
    %reduce_sum3A_85 = arith.constant dense<0> : vector<1xi32>
    %reduce_sum3A_86 = vector.multi_reduction <add>, %reduce_sum3A_84, %reduce_sum3A_85 [1, 2] : vector<1x1024x128xi32> to vector<1xi32>
    %reduce_sum3A_87 = vector.shape_cast %reduce_sum3A_86 : vector<1xi32> to vector<1x1x1xi32>
    %reduce_sum3A_88 = vector.extract %reduce_sum3A_87[0, 0, 0] : i32 from vector<1x1x1xi32>
    %ge3A_89 = arith.constant 16384 : i32
    %ge3A_90 = arith.cmpi sge, %reduce_sum3A_88, %ge3A_89 : i32
    %select_n3A_91 = arith.select %ge3A_90, %or3A_77, %select_n3A_75 : i32
    %or3A_92 = arith.constant 67108864 : i32
    %or3A_93 = arith.ori %select_n3A_91, %or3A_92 : i32
    %xor3A_94 = arith.constant -2147483648 : i32
    %xor3A_95 = arith.xori %or3A_93, %xor3A_94 : i32
    %bitcast_convert_type3A_96 = arith.bitcast %xor3A_95 : i32 to i32
    %ge3A_97 = vector.broadcast %bitcast_convert_type3A_96 : i32 to vector<1024x128xi32>
    %ge3A_98 = arith.cmpi sge, %bitcast_convert_type3A_12, %ge3A_97 : vector<1024x128xi32>
    %convert_element_type3A_99 = arith.extui %ge3A_98 : vector<1024x128xi1> to vector<1024x128xi32>
    %reduce_sum3A_100 = vector.shape_cast %convert_element_type3A_99 : vector<1024x128xi32> to vector<1x1024x128xi32>
    %reduce_sum3A_101 = arith.constant dense<0> : vector<1xi32>
    %reduce_sum3A_102 = vector.multi_reduction <add>, %reduce_sum3A_100, %reduce_sum3A_101 [1, 2] : vector<1x1024x128xi32> to vector<1xi32>
    %reduce_sum3A_103 = vector.shape_cast %reduce_sum3A_102 : vector<1xi32> to vector<1x1x1xi32>
    %reduce_sum3A_104 = vector.extract %reduce_sum3A_103[0, 0, 0] : i32 from vector<1x1x1xi32>
    %ge3A_105 = arith.constant 16384 : i32
    %ge3A_106 = arith.cmpi sge, %reduce_sum3A_104, %ge3A_105 : i32
    %select_n3A_107 = arith.select %ge3A_106, %or3A_93, %select_n3A_91 : i32
    %or3A_108 = arith.constant 33554432 : i32
    %or3A_109 = arith.ori %select_n3A_107, %or3A_108 : i32
    %xor3A_110 = arith.constant -2147483648 : i32
    %xor3A_111 = arith.xori %or3A_109, %xor3A_110 : i32
    %bitcast_convert_type3A_112 = arith.bitcast %xor3A_111 : i32 to i32
    %ge3A_113 = vector.broadcast %bitcast_convert_type3A_112 : i32 to vector<1024x128xi32>
    %ge3A_114 = arith.cmpi sge, %bitcast_convert_type3A_12, %ge3A_113 : vector<1024x128xi32>
    %convert_element_type3A_115 = arith.extui %ge3A_114 : vector<1024x128xi1> to vector<1024x128xi32>
    %reduce_sum3A_116 = vector.shape_cast %convert_element_type3A_115 : vector<1024x128xi32> to vector<1x1024x128xi32>
    %reduce_sum3A_117 = arith.constant dense<0> : vector<1xi32>
    %reduce_sum3A_118 = vector.multi_reduction <add>, %reduce_sum3A_116, %reduce_sum3A_117 [1, 2] : vector<1x1024x128xi32> to vector<1xi32>
    %reduce_sum3A_119 = vector.shape_cast %reduce_sum3A_118 : vector<1xi32> to vector<1x1x1xi32>
    %reduce_sum3A_120 = vector.extract %reduce_sum3A_119[0, 0, 0] : i32 from vector<1x1x1xi32>
    %ge3A_121 = arith.constant 16384 : i32
    %ge3A_122 = arith.cmpi sge, %reduce_sum3A_120, %ge3A_121 : i32
    %select_n3A_123 = arith.select %ge3A_122, %or3A_109, %select_n3A_107 : i32
    %or3A_124 = arith.constant 16777216 : i32
    %or3A_125 = arith.ori %select_n3A_123, %or3A_124 : i32
    %xor3A_126 = arith.constant -2147483648 : i32
    %xor3A_127 = arith.xori %or3A_125, %xor3A_126 : i32
    %bitcast_convert_type3A_128 = arith.bitcast %xor3A_127 : i32 to i32
    %ge3A_129 = vector.broadcast %bitcast_convert_type3A_128 : i32 to vector<1024x128xi32>
    %ge3A_130 = arith.cmpi sge, %bitcast_convert_type3A_12, %ge3A_129 : vector<1024x128xi32>
    %convert_element_type3A_131 = arith.extui %ge3A_130 : vector<1024x128xi1> to vector<1024x128xi32>
    %reduce_sum3A_132 = vector.shape_cast %convert_element_type3A_131 : vector<1024x128xi32> to vector<1x1024x128xi32>
    %reduce_sum3A_133 = arith.constant dense<0> : vector<1xi32>
    %reduce_sum3A_134 = vector.multi_reduction <add>, %reduce_sum3A_132, %reduce_sum3A_133 [1, 2] : vector<1x1024x128xi32> to vector<1xi32>
    %reduce_sum3A_135 = vector.shape_cast %reduce_sum3A_134 : vector<1xi32> to vector<1x1x1xi32>
    %reduce_sum3A_136 = vector.extract %reduce_sum3A_135[0, 0, 0] : i32 from vector<1x1x1xi32>
    %ge3A_137 = arith.constant 16384 : i32
    %ge3A_138 = arith.cmpi sge, %reduce_sum3A_136, %ge3A_137 : i32
    %select_n3A_139 = arith.select %ge3A_138, %or3A_125, %select_n3A_123 : i32
    %or3A_140 = arith.constant 8388608 : i32
    %or3A_141 = arith.ori %select_n3A_139, %or3A_140 : i32
    %xor3A_142 = arith.constant -2147483648 : i32
    %xor3A_143 = arith.xori %or3A_141, %xor3A_142 : i32
    %bitcast_convert_type3A_144 = arith.bitcast %xor3A_143 : i32 to i32
    %ge3A_145 = vector.broadcast %bitcast_convert_type3A_144 : i32 to vector<1024x128xi32>
    %ge3A_146 = arith.cmpi sge, %bitcast_convert_type3A_12, %ge3A_145 : vector<1024x128xi32>
    %convert_element_type3A_147 = arith.extui %ge3A_146 : vector<1024x128xi1> to vector<1024x128xi32>
    %reduce_sum3A_148 = vector.shape_cast %convert_element_type3A_147 : vector<1024x128xi32> to vector<1x1024x128xi32>
    %reduce_sum3A_149 = arith.constant dense<0> : vector<1xi32>
    %reduce_sum3A_150 = vector.multi_reduction <add>, %reduce_sum3A_148, %reduce_sum3A_149 [1, 2] : vector<1x1024x128xi32> to vector<1xi32>
    %reduce_sum3A_151 = vector.shape_cast %reduce_sum3A_150 : vector<1xi32> to vector<1x1x1xi32>
    %reduce_sum3A_152 = vector.extract %reduce_sum3A_151[0, 0, 0] : i32 from vector<1x1x1xi32>
    %ge3A_153 = arith.constant 16384 : i32
    %ge3A_154 = arith.cmpi sge, %reduce_sum3A_152, %ge3A_153 : i32
    %select_n3A_155 = arith.select %ge3A_154, %or3A_141, %select_n3A_139 : i32
    %or3A_156 = arith.constant 4194304 : i32
    %or3A_157 = arith.ori %select_n3A_155, %or3A_156 : i32
    %xor3A_158 = arith.constant -2147483648 : i32
    %xor3A_159 = arith.xori %or3A_157, %xor3A_158 : i32
    %bitcast_convert_type3A_160 = arith.bitcast %xor3A_159 : i32 to i32
    %ge3A_161 = vector.broadcast %bitcast_convert_type3A_160 : i32 to vector<1024x128xi32>
    %ge3A_162 = arith.cmpi sge, %bitcast_convert_type3A_12, %ge3A_161 : vector<1024x128xi32>
    %convert_element_type3A_163 = arith.extui %ge3A_162 : vector<1024x128xi1> to vector<1024x128xi32>
    %reduce_sum3A_164 = vector.shape_cast %convert_element_type3A_163 : vector<1024x128xi32> to vector<1x1024x128xi32>
    %reduce_sum3A_165 = arith.constant dense<0> : vector<1xi32>
    %reduce_sum3A_166 = vector.multi_reduction <add>, %reduce_sum3A_164, %reduce_sum3A_165 [1, 2] : vector<1x1024x128xi32> to vector<1xi32>
    %reduce_sum3A_167 = vector.shape_cast %reduce_sum3A_166 : vector<1xi32> to vector<1x1x1xi32>
    %reduce_sum3A_168 = vector.extract %reduce_sum3A_167[0, 0, 0] : i32 from vector<1x1x1xi32>
    %ge3A_169 = arith.constant 16384 : i32
    %ge3A_170 = arith.cmpi sge, %reduce_sum3A_168, %ge3A_169 : i32
    %select_n3A_171 = arith.select %ge3A_170, %or3A_157, %select_n3A_155 : i32
    %or3A_172 = arith.constant 2097152 : i32
    %or3A_173 = arith.ori %select_n3A_171, %or3A_172 : i32
    %xor3A_174 = arith.constant -2147483648 : i32
    %xor3A_175 = arith.xori %or3A_173, %xor3A_174 : i32
    %bitcast_convert_type3A_176 = arith.bitcast %xor3A_175 : i32 to i32
    %ge3A_177 = vector.broadcast %bitcast_convert_type3A_176 : i32 to vector<1024x128xi32>
    %ge3A_178 = arith.cmpi sge, %bitcast_convert_type3A_12, %ge3A_177 : vector<1024x128xi32>
    %convert_element_type3A_179 = arith.extui %ge3A_178 : vector<1024x128xi1> to vector<1024x128xi32>
    %reduce_sum3A_180 = vector.shape_cast %convert_element_type3A_179 : vector<1024x128xi32> to vector<1x1024x128xi32>
    %reduce_sum3A_181 = arith.constant dense<0> : vector<1xi32>
    %reduce_sum3A_182 = vector.multi_reduction <add>, %reduce_sum3A_180, %reduce_sum3A_181 [1, 2] : vector<1x1024x128xi32> to vector<1xi32>
    %reduce_sum3A_183 = vector.shape_cast %reduce_sum3A_182 : vector<1xi32> to vector<1x1x1xi32>
    %reduce_sum3A_184 = vector.extract %reduce_sum3A_183[0, 0, 0] : i32 from vector<1x1x1xi32>
    %ge3A_185 = arith.constant 16384 : i32
    %ge3A_186 = arith.cmpi sge, %reduce_sum3A_184, %ge3A_185 : i32
    %select_n3A_187 = arith.select %ge3A_186, %or3A_173, %select_n3A_171 : i32
    %or3A_188 = arith.constant 1048576 : i32
    %or3A_189 = arith.ori %select_n3A_187, %or3A_188 : i32
    %xor3A_190 = arith.constant -2147483648 : i32
    %xor3A_191 = arith.xori %or3A_189, %xor3A_190 : i32
    %bitcast_convert_type3A_192 = arith.bitcast %xor3A_191 : i32 to i32
    %ge3A_193 = vector.broadcast %bitcast_convert_type3A_192 : i32 to vector<1024x128xi32>
    %ge3A_194 = arith.cmpi sge, %bitcast_convert_type3A_12, %ge3A_193 : vector<1024x128xi32>
    %convert_element_type3A_195 = arith.extui %ge3A_194 : vector<1024x128xi1> to vector<1024x128xi32>
    %reduce_sum3A_196 = vector.shape_cast %convert_element_type3A_195 : vector<1024x128xi32> to vector<1x1024x128xi32>
    %reduce_sum3A_197 = arith.constant dense<0> : vector<1xi32>
    %reduce_sum3A_198 = vector.multi_reduction <add>, %reduce_sum3A_196, %reduce_sum3A_197 [1, 2] : vector<1x1024x128xi32> to vector<1xi32>
    %reduce_sum3A_199 = vector.shape_cast %reduce_sum3A_198 : vector<1xi32> to vector<1x1x1xi32>
    %reduce_sum3A_200 = vector.extract %reduce_sum3A_199[0, 0, 0] : i32 from vector<1x1x1xi32>
    %ge3A_201 = arith.constant 16384 : i32
    %ge3A_202 = arith.cmpi sge, %reduce_sum3A_200, %ge3A_201 : i32
    %select_n3A_203 = arith.select %ge3A_202, %or3A_189, %select_n3A_187 : i32
    %or3A_204 = arith.constant 524288 : i32
    %or3A_205 = arith.ori %select_n3A_203, %or3A_204 : i32
    %xor3A_206 = arith.constant -2147483648 : i32
    %xor3A_207 = arith.xori %or3A_205, %xor3A_206 : i32
    %bitcast_convert_type3A_208 = arith.bitcast %xor3A_207 : i32 to i32
    %ge3A_209 = vector.broadcast %bitcast_convert_type3A_208 : i32 to vector<1024x128xi32>
    %ge3A_210 = arith.cmpi sge, %bitcast_convert_type3A_12, %ge3A_209 : vector<1024x128xi32>
    %convert_element_type3A_211 = arith.extui %ge3A_210 : vector<1024x128xi1> to vector<1024x128xi32>
    %reduce_sum3A_212 = vector.shape_cast %convert_element_type3A_211 : vector<1024x128xi32> to vector<1x1024x128xi32>
    %reduce_sum3A_213 = arith.constant dense<0> : vector<1xi32>
    %reduce_sum3A_214 = vector.multi_reduction <add>, %reduce_sum3A_212, %reduce_sum3A_213 [1, 2] : vector<1x1024x128xi32> to vector<1xi32>
    %reduce_sum3A_215 = vector.shape_cast %reduce_sum3A_214 : vector<1xi32> to vector<1x1x1xi32>
    %reduce_sum3A_216 = vector.extract %reduce_sum3A_215[0, 0, 0] : i32 from vector<1x1x1xi32>
    %ge3A_217 = arith.constant 16384 : i32
    %ge3A_218 = arith.cmpi sge, %reduce_sum3A_216, %ge3A_217 : i32
    %select_n3A_219 = arith.select %ge3A_218, %or3A_205, %select_n3A_203 : i32
    %or3A_220 = arith.constant 262144 : i32
    %or3A_221 = arith.ori %select_n3A_219, %or3A_220 : i32
    %xor3A_222 = arith.constant -2147483648 : i32
    %xor3A_223 = arith.xori %or3A_221, %xor3A_222 : i32
    %bitcast_convert_type3A_224 = arith.bitcast %xor3A_223 : i32 to i32
    %ge3A_225 = vector.broadcast %bitcast_convert_type3A_224 : i32 to vector<1024x128xi32>
    %ge3A_226 = arith.cmpi sge, %bitcast_convert_type3A_12, %ge3A_225 : vector<1024x128xi32>
    %convert_element_type3A_227 = arith.extui %ge3A_226 : vector<1024x128xi1> to vector<1024x128xi32>
    %reduce_sum3A_228 = vector.shape_cast %convert_element_type3A_227 : vector<1024x128xi32> to vector<1x1024x128xi32>
    %reduce_sum3A_229 = arith.constant dense<0> : vector<1xi32>
    %reduce_sum3A_230 = vector.multi_reduction <add>, %reduce_sum3A_228, %reduce_sum3A_229 [1, 2] : vector<1x1024x128xi32> to vector<1xi32>
    %reduce_sum3A_231 = vector.shape_cast %reduce_sum3A_230 : vector<1xi32> to vector<1x1x1xi32>
    %reduce_sum3A_232 = vector.extract %reduce_sum3A_231[0, 0, 0] : i32 from vector<1x1x1xi32>
    %ge3A_233 = arith.constant 16384 : i32
    %ge3A_234 = arith.cmpi sge, %reduce_sum3A_232, %ge3A_233 : i32
    %select_n3A_235 = arith.select %ge3A_234, %or3A_221, %select_n3A_219 : i32
    %or3A_236 = arith.constant 131072 : i32
    %or3A_237 = arith.ori %select_n3A_235, %or3A_236 : i32
    %xor3A_238 = arith.constant -2147483648 : i32
    %xor3A_239 = arith.xori %or3A_237, %xor3A_238 : i32
    %bitcast_convert_type3A_240 = arith.bitcast %xor3A_239 : i32 to i32
    %ge3A_241 = vector.broadcast %bitcast_convert_type3A_240 : i32 to vector<1024x128xi32>
    %ge3A_242 = arith.cmpi sge, %bitcast_convert_type3A_12, %ge3A_241 : vector<1024x128xi32>
    %convert_element_type3A_243 = arith.extui %ge3A_242 : vector<1024x128xi1> to vector<1024x128xi32>
    %reduce_sum3A_244 = vector.shape_cast %convert_element_type3A_243 : vector<1024x128xi32> to vector<1x1024x128xi32>
    %reduce_sum3A_245 = arith.constant dense<0> : vector<1xi32>
    %reduce_sum3A_246 = vector.multi_reduction <add>, %reduce_sum3A_244, %reduce_sum3A_245 [1, 2] : vector<1x1024x128xi32> to vector<1xi32>
    %reduce_sum3A_247 = vector.shape_cast %reduce_sum3A_246 : vector<1xi32> to vector<1x1x1xi32>
    %reduce_sum3A_248 = vector.extract %reduce_sum3A_247[0, 0, 0] : i32 from vector<1x1x1xi32>
    %ge3A_249 = arith.constant 16384 : i32
    %ge3A_250 = arith.cmpi sge, %reduce_sum3A_248, %ge3A_249 : i32
    %select_n3A_251 = arith.select %ge3A_250, %or3A_237, %select_n3A_235 : i32
    %or3A_252 = arith.constant 65536 : i32
    %or3A_253 = arith.ori %select_n3A_251, %or3A_252 : i32
    %xor3A_254 = arith.constant -2147483648 : i32
    %xor3A_255 = arith.xori %or3A_253, %xor3A_254 : i32
    %bitcast_convert_type3A_256 = arith.bitcast %xor3A_255 : i32 to i32
    %ge3A_257 = vector.broadcast %bitcast_convert_type3A_256 : i32 to vector<1024x128xi32>
    %ge3A_258 = arith.cmpi sge, %bitcast_convert_type3A_12, %ge3A_257 : vector<1024x128xi32>
    %convert_element_type3A_259 = arith.extui %ge3A_258 : vector<1024x128xi1> to vector<1024x128xi32>
    %reduce_sum3A_260 = vector.shape_cast %convert_element_type3A_259 : vector<1024x128xi32> to vector<1x1024x128xi32>
    %reduce_sum3A_261 = arith.constant dense<0> : vector<1xi32>
    %reduce_sum3A_262 = vector.multi_reduction <add>, %reduce_sum3A_260, %reduce_sum3A_261 [1, 2] : vector<1x1024x128xi32> to vector<1xi32>
    %reduce_sum3A_263 = vector.shape_cast %reduce_sum3A_262 : vector<1xi32> to vector<1x1x1xi32>
    %reduce_sum3A_264 = vector.extract %reduce_sum3A_263[0, 0, 0] : i32 from vector<1x1x1xi32>
    %ge3A_265 = arith.constant 16384 : i32
    %ge3A_266 = arith.cmpi sge, %reduce_sum3A_264, %ge3A_265 : i32
    %select_n3A_267 = arith.select %ge3A_266, %or3A_253, %select_n3A_251 : i32
    %or3A_268 = arith.constant 32768 : i32
    %or3A_269 = arith.ori %select_n3A_267, %or3A_268 : i32
    %xor3A_270 = arith.constant -2147483648 : i32
    %xor3A_271 = arith.xori %or3A_269, %xor3A_270 : i32
    %bitcast_convert_type3A_272 = arith.bitcast %xor3A_271 : i32 to i32
    %ge3A_273 = vector.broadcast %bitcast_convert_type3A_272 : i32 to vector<1024x128xi32>
    %ge3A_274 = arith.cmpi sge, %bitcast_convert_type3A_12, %ge3A_273 : vector<1024x128xi32>
    %convert_element_type3A_275 = arith.extui %ge3A_274 : vector<1024x128xi1> to vector<1024x128xi32>
    %reduce_sum3A_276 = vector.shape_cast %convert_element_type3A_275 : vector<1024x128xi32> to vector<1x1024x128xi32>
    %reduce_sum3A_277 = arith.constant dense<0> : vector<1xi32>
    %reduce_sum3A_278 = vector.multi_reduction <add>, %reduce_sum3A_276, %reduce_sum3A_277 [1, 2] : vector<1x1024x128xi32> to vector<1xi32>
    %reduce_sum3A_279 = vector.shape_cast %reduce_sum3A_278 : vector<1xi32> to vector<1x1x1xi32>
    %reduce_sum3A_280 = vector.extract %reduce_sum3A_279[0, 0, 0] : i32 from vector<1x1x1xi32>
    %ge3A_281 = arith.constant 16384 : i32
    %ge3A_282 = arith.cmpi sge, %reduce_sum3A_280, %ge3A_281 : i32
    %select_n3A_283 = arith.select %ge3A_282, %or3A_269, %select_n3A_267 : i32
    %or3A_284 = arith.constant 16384 : i32
    %or3A_285 = arith.ori %select_n3A_283, %or3A_284 : i32
    %xor3A_286 = arith.constant -2147483648 : i32
    %xor3A_287 = arith.xori %or3A_285, %xor3A_286 : i32
    %bitcast_convert_type3A_288 = arith.bitcast %xor3A_287 : i32 to i32
    %ge3A_289 = vector.broadcast %bitcast_convert_type3A_288 : i32 to vector<1024x128xi32>
    %ge3A_290 = arith.cmpi sge, %bitcast_convert_type3A_12, %ge3A_289 : vector<1024x128xi32>
    %convert_element_type3A_291 = arith.extui %ge3A_290 : vector<1024x128xi1> to vector<1024x128xi32>
    %reduce_sum3A_292 = vector.shape_cast %convert_element_type3A_291 : vector<1024x128xi32> to vector<1x1024x128xi32>
    %reduce_sum3A_293 = arith.constant dense<0> : vector<1xi32>
    %reduce_sum3A_294 = vector.multi_reduction <add>, %reduce_sum3A_292, %reduce_sum3A_293 [1, 2] : vector<1x1024x128xi32> to vector<1xi32>
    %reduce_sum3A_295 = vector.shape_cast %reduce_sum3A_294 : vector<1xi32> to vector<1x1x1xi32>
    %reduce_sum3A_296 = vector.extract %reduce_sum3A_295[0, 0, 0] : i32 from vector<1x1x1xi32>
    %ge3A_297 = arith.constant 16384 : i32
    %ge3A_298 = arith.cmpi sge, %reduce_sum3A_296, %ge3A_297 : i32
    %select_n3A_299 = arith.select %ge3A_298, %or3A_285, %select_n3A_283 : i32
    %or3A_300 = arith.constant 8192 : i32
    %or3A_301 = arith.ori %select_n3A_299, %or3A_300 : i32
    %xor3A_302 = arith.constant -2147483648 : i32
    %xor3A_303 = arith.xori %or3A_301, %xor3A_302 : i32
    %bitcast_convert_type3A_304 = arith.bitcast %xor3A_303 : i32 to i32
    %ge3A_305 = vector.broadcast %bitcast_convert_type3A_304 : i32 to vector<1024x128xi32>
    %ge3A_306 = arith.cmpi sge, %bitcast_convert_type3A_12, %ge3A_305 : vector<1024x128xi32>
    %convert_element_type3A_307 = arith.extui %ge3A_306 : vector<1024x128xi1> to vector<1024x128xi32>
    %reduce_sum3A_308 = vector.shape_cast %convert_element_type3A_307 : vector<1024x128xi32> to vector<1x1024x128xi32>
    %reduce_sum3A_309 = arith.constant dense<0> : vector<1xi32>
    %reduce_sum3A_310 = vector.multi_reduction <add>, %reduce_sum3A_308, %reduce_sum3A_309 [1, 2] : vector<1x1024x128xi32> to vector<1xi32>
    %reduce_sum3A_311 = vector.shape_cast %reduce_sum3A_310 : vector<1xi32> to vector<1x1x1xi32>
    %reduce_sum3A_312 = vector.extract %reduce_sum3A_311[0, 0, 0] : i32 from vector<1x1x1xi32>
    %ge3A_313 = arith.constant 16384 : i32
    %ge3A_314 = arith.cmpi sge, %reduce_sum3A_312, %ge3A_313 : i32
    %select_n3A_315 = arith.select %ge3A_314, %or3A_301, %select_n3A_299 : i32
    %or3A_316 = arith.constant 4096 : i32
    %or3A_317 = arith.ori %select_n3A_315, %or3A_316 : i32
    %xor3A_318 = arith.constant -2147483648 : i32
    %xor3A_319 = arith.xori %or3A_317, %xor3A_318 : i32
    %bitcast_convert_type3A_320 = arith.bitcast %xor3A_319 : i32 to i32
    %ge3A_321 = vector.broadcast %bitcast_convert_type3A_320 : i32 to vector<1024x128xi32>
    %ge3A_322 = arith.cmpi sge, %bitcast_convert_type3A_12, %ge3A_321 : vector<1024x128xi32>
    %convert_element_type3A_323 = arith.extui %ge3A_322 : vector<1024x128xi1> to vector<1024x128xi32>
    %reduce_sum3A_324 = vector.shape_cast %convert_element_type3A_323 : vector<1024x128xi32> to vector<1x1024x128xi32>
    %reduce_sum3A_325 = arith.constant dense<0> : vector<1xi32>
    %reduce_sum3A_326 = vector.multi_reduction <add>, %reduce_sum3A_324, %reduce_sum3A_325 [1, 2] : vector<1x1024x128xi32> to vector<1xi32>
    %reduce_sum3A_327 = vector.shape_cast %reduce_sum3A_326 : vector<1xi32> to vector<1x1x1xi32>
    %reduce_sum3A_328 = vector.extract %reduce_sum3A_327[0, 0, 0] : i32 from vector<1x1x1xi32>
    %ge3A_329 = arith.constant 16384 : i32
    %ge3A_330 = arith.cmpi sge, %reduce_sum3A_328, %ge3A_329 : i32
    %select_n3A_331 = arith.select %ge3A_330, %or3A_317, %select_n3A_315 : i32
    %or3A_332 = arith.constant 2048 : i32
    %or3A_333 = arith.ori %select_n3A_331, %or3A_332 : i32
    %xor3A_334 = arith.constant -2147483648 : i32
    %xor3A_335 = arith.xori %or3A_333, %xor3A_334 : i32
    %bitcast_convert_type3A_336 = arith.bitcast %xor3A_335 : i32 to i32
    %ge3A_337 = vector.broadcast %bitcast_convert_type3A_336 : i32 to vector<1024x128xi32>
    %ge3A_338 = arith.cmpi sge, %bitcast_convert_type3A_12, %ge3A_337 : vector<1024x128xi32>
    %convert_element_type3A_339 = arith.extui %ge3A_338 : vector<1024x128xi1> to vector<1024x128xi32>
    %reduce_sum3A_340 = vector.shape_cast %convert_element_type3A_339 : vector<1024x128xi32> to vector<1x1024x128xi32>
    %reduce_sum3A_341 = arith.constant dense<0> : vector<1xi32>
    %reduce_sum3A_342 = vector.multi_reduction <add>, %reduce_sum3A_340, %reduce_sum3A_341 [1, 2] : vector<1x1024x128xi32> to vector<1xi32>
    %reduce_sum3A_343 = vector.shape_cast %reduce_sum3A_342 : vector<1xi32> to vector<1x1x1xi32>
    %reduce_sum3A_344 = vector.extract %reduce_sum3A_343[0, 0, 0] : i32 from vector<1x1x1xi32>
    %ge3A_345 = arith.constant 16384 : i32
    %ge3A_346 = arith.cmpi sge, %reduce_sum3A_344, %ge3A_345 : i32
    %select_n3A_347 = arith.select %ge3A_346, %or3A_333, %select_n3A_331 : i32
    %or3A_348 = arith.constant 1024 : i32
    %or3A_349 = arith.ori %select_n3A_347, %or3A_348 : i32
    %xor3A_350 = arith.constant -2147483648 : i32
    %xor3A_351 = arith.xori %or3A_349, %xor3A_350 : i32
    %bitcast_convert_type3A_352 = arith.bitcast %xor3A_351 : i32 to i32
    %ge3A_353 = vector.broadcast %bitcast_convert_type3A_352 : i32 to vector<1024x128xi32>
    %ge3A_354 = arith.cmpi sge, %bitcast_convert_type3A_12, %ge3A_353 : vector<1024x128xi32>
    %convert_element_type3A_355 = arith.extui %ge3A_354 : vector<1024x128xi1> to vector<1024x128xi32>
    %reduce_sum3A_356 = vector.shape_cast %convert_element_type3A_355 : vector<1024x128xi32> to vector<1x1024x128xi32>
    %reduce_sum3A_357 = arith.constant dense<0> : vector<1xi32>
    %reduce_sum3A_358 = vector.multi_reduction <add>, %reduce_sum3A_356, %reduce_sum3A_357 [1, 2] : vector<1x1024x128xi32> to vector<1xi32>
    %reduce_sum3A_359 = vector.shape_cast %reduce_sum3A_358 : vector<1xi32> to vector<1x1x1xi32>
    %reduce_sum3A_360 = vector.extract %reduce_sum3A_359[0, 0, 0] : i32 from vector<1x1x1xi32>
    %ge3A_361 = arith.constant 16384 : i32
    %ge3A_362 = arith.cmpi sge, %reduce_sum3A_360, %ge3A_361 : i32
    %select_n3A_363 = arith.select %ge3A_362, %or3A_349, %select_n3A_347 : i32
    %or3A_364 = arith.constant 512 : i32
    %or3A_365 = arith.ori %select_n3A_363, %or3A_364 : i32
    %xor3A_366 = arith.constant -2147483648 : i32
    %xor3A_367 = arith.xori %or3A_365, %xor3A_366 : i32
    %bitcast_convert_type3A_368 = arith.bitcast %xor3A_367 : i32 to i32
    %ge3A_369 = vector.broadcast %bitcast_convert_type3A_368 : i32 to vector<1024x128xi32>
    %ge3A_370 = arith.cmpi sge, %bitcast_convert_type3A_12, %ge3A_369 : vector<1024x128xi32>
    %convert_element_type3A_371 = arith.extui %ge3A_370 : vector<1024x128xi1> to vector<1024x128xi32>
    %reduce_sum3A_372 = vector.shape_cast %convert_element_type3A_371 : vector<1024x128xi32> to vector<1x1024x128xi32>
    %reduce_sum3A_373 = arith.constant dense<0> : vector<1xi32>
    %reduce_sum3A_374 = vector.multi_reduction <add>, %reduce_sum3A_372, %reduce_sum3A_373 [1, 2] : vector<1x1024x128xi32> to vector<1xi32>
    %reduce_sum3A_375 = vector.shape_cast %reduce_sum3A_374 : vector<1xi32> to vector<1x1x1xi32>
    %reduce_sum3A_376 = vector.extract %reduce_sum3A_375[0, 0, 0] : i32 from vector<1x1x1xi32>
    %ge3A_377 = arith.constant 16384 : i32
    %ge3A_378 = arith.cmpi sge, %reduce_sum3A_376, %ge3A_377 : i32
    %select_n3A_379 = arith.select %ge3A_378, %or3A_365, %select_n3A_363 : i32
    %or3A_380 = arith.constant 256 : i32
    %or3A_381 = arith.ori %select_n3A_379, %or3A_380 : i32
    %xor3A_382 = arith.constant -2147483648 : i32
    %xor3A_383 = arith.xori %or3A_381, %xor3A_382 : i32
    %bitcast_convert_type3A_384 = arith.bitcast %xor3A_383 : i32 to i32
    %ge3A_385 = vector.broadcast %bitcast_convert_type3A_384 : i32 to vector<1024x128xi32>
    %ge3A_386 = arith.cmpi sge, %bitcast_convert_type3A_12, %ge3A_385 : vector<1024x128xi32>
    %convert_element_type3A_387 = arith.extui %ge3A_386 : vector<1024x128xi1> to vector<1024x128xi32>
    %reduce_sum3A_388 = vector.shape_cast %convert_element_type3A_387 : vector<1024x128xi32> to vector<1x1024x128xi32>
    %reduce_sum3A_389 = arith.constant dense<0> : vector<1xi32>
    %reduce_sum3A_390 = vector.multi_reduction <add>, %reduce_sum3A_388, %reduce_sum3A_389 [1, 2] : vector<1x1024x128xi32> to vector<1xi32>
    %reduce_sum3A_391 = vector.shape_cast %reduce_sum3A_390 : vector<1xi32> to vector<1x1x1xi32>
    %reduce_sum3A_392 = vector.extract %reduce_sum3A_391[0, 0, 0] : i32 from vector<1x1x1xi32>
    %ge3A_393 = arith.constant 16384 : i32
    %ge3A_394 = arith.cmpi sge, %reduce_sum3A_392, %ge3A_393 : i32
    %select_n3A_395 = arith.select %ge3A_394, %or3A_381, %select_n3A_379 : i32
    %or3A_396 = arith.constant 128 : i32
    %or3A_397 = arith.ori %select_n3A_395, %or3A_396 : i32
    %xor3A_398 = arith.constant -2147483648 : i32
    %xor3A_399 = arith.xori %or3A_397, %xor3A_398 : i32
    %bitcast_convert_type3A_400 = arith.bitcast %xor3A_399 : i32 to i32
    %ge3A_401 = vector.broadcast %bitcast_convert_type3A_400 : i32 to vector<1024x128xi32>
    %ge3A_402 = arith.cmpi sge, %bitcast_convert_type3A_12, %ge3A_401 : vector<1024x128xi32>
    %convert_element_type3A_403 = arith.extui %ge3A_402 : vector<1024x128xi1> to vector<1024x128xi32>
    %reduce_sum3A_404 = vector.shape_cast %convert_element_type3A_403 : vector<1024x128xi32> to vector<1x1024x128xi32>
    %reduce_sum3A_405 = arith.constant dense<0> : vector<1xi32>
    %reduce_sum3A_406 = vector.multi_reduction <add>, %reduce_sum3A_404, %reduce_sum3A_405 [1, 2] : vector<1x1024x128xi32> to vector<1xi32>
    %reduce_sum3A_407 = vector.shape_cast %reduce_sum3A_406 : vector<1xi32> to vector<1x1x1xi32>
    %reduce_sum3A_408 = vector.extract %reduce_sum3A_407[0, 0, 0] : i32 from vector<1x1x1xi32>
    %ge3A_409 = arith.constant 16384 : i32
    %ge3A_410 = arith.cmpi sge, %reduce_sum3A_408, %ge3A_409 : i32
    %select_n3A_411 = arith.select %ge3A_410, %or3A_397, %select_n3A_395 : i32
    %or3A_412 = arith.constant 64 : i32
    %or3A_413 = arith.ori %select_n3A_411, %or3A_412 : i32
    %xor3A_414 = arith.constant -2147483648 : i32
    %xor3A_415 = arith.xori %or3A_413, %xor3A_414 : i32
    %bitcast_convert_type3A_416 = arith.bitcast %xor3A_415 : i32 to i32
    %ge3A_417 = vector.broadcast %bitcast_convert_type3A_416 : i32 to vector<1024x128xi32>
    %ge3A_418 = arith.cmpi sge, %bitcast_convert_type3A_12, %ge3A_417 : vector<1024x128xi32>
    %convert_element_type3A_419 = arith.extui %ge3A_418 : vector<1024x128xi1> to vector<1024x128xi32>
    %reduce_sum3A_420 = vector.shape_cast %convert_element_type3A_419 : vector<1024x128xi32> to vector<1x1024x128xi32>
    %reduce_sum3A_421 = arith.constant dense<0> : vector<1xi32>
    %reduce_sum3A_422 = vector.multi_reduction <add>, %reduce_sum3A_420, %reduce_sum3A_421 [1, 2] : vector<1x1024x128xi32> to vector<1xi32>
    %reduce_sum3A_423 = vector.shape_cast %reduce_sum3A_422 : vector<1xi32> to vector<1x1x1xi32>
    %reduce_sum3A_424 = vector.extract %reduce_sum3A_423[0, 0, 0] : i32 from vector<1x1x1xi32>
    %ge3A_425 = arith.constant 16384 : i32
    %ge3A_426 = arith.cmpi sge, %reduce_sum3A_424, %ge3A_425 : i32
    %select_n3A_427 = arith.select %ge3A_426, %or3A_413, %select_n3A_411 : i32
    %or3A_428 = arith.constant 32 : i32
    %or3A_429 = arith.ori %select_n3A_427, %or3A_428 : i32
    %xor3A_430 = arith.constant -2147483648 : i32
    %xor3A_431 = arith.xori %or3A_429, %xor3A_430 : i32
    %bitcast_convert_type3A_432 = arith.bitcast %xor3A_431 : i32 to i32
    %ge3A_433 = vector.broadcast %bitcast_convert_type3A_432 : i32 to vector<1024x128xi32>
    %ge3A_434 = arith.cmpi sge, %bitcast_convert_type3A_12, %ge3A_433 : vector<1024x128xi32>
    %convert_element_type3A_435 = arith.extui %ge3A_434 : vector<1024x128xi1> to vector<1024x128xi32>
    %reduce_sum3A_436 = vector.shape_cast %convert_element_type3A_435 : vector<1024x128xi32> to vector<1x1024x128xi32>
    %reduce_sum3A_437 = arith.constant dense<0> : vector<1xi32>
    %reduce_sum3A_438 = vector.multi_reduction <add>, %reduce_sum3A_436, %reduce_sum3A_437 [1, 2] : vector<1x1024x128xi32> to vector<1xi32>
    %reduce_sum3A_439 = vector.shape_cast %reduce_sum3A_438 : vector<1xi32> to vector<1x1x1xi32>
    %reduce_sum3A_440 = vector.extract %reduce_sum3A_439[0, 0, 0] : i32 from vector<1x1x1xi32>
    %ge3A_441 = arith.constant 16384 : i32
    %ge3A_442 = arith.cmpi sge, %reduce_sum3A_440, %ge3A_441 : i32
    %select_n3A_443 = arith.select %ge3A_442, %or3A_429, %select_n3A_427 : i32
    %or3A_444 = arith.constant 16 : i32
    %or3A_445 = arith.ori %select_n3A_443, %or3A_444 : i32
    %xor3A_446 = arith.constant -2147483648 : i32
    %xor3A_447 = arith.xori %or3A_445, %xor3A_446 : i32
    %bitcast_convert_type3A_448 = arith.bitcast %xor3A_447 : i32 to i32
    %ge3A_449 = vector.broadcast %bitcast_convert_type3A_448 : i32 to vector<1024x128xi32>
    %ge3A_450 = arith.cmpi sge, %bitcast_convert_type3A_12, %ge3A_449 : vector<1024x128xi32>
    %convert_element_type3A_451 = arith.extui %ge3A_450 : vector<1024x128xi1> to vector<1024x128xi32>
    %reduce_sum3A_452 = vector.shape_cast %convert_element_type3A_451 : vector<1024x128xi32> to vector<1x1024x128xi32>
    %reduce_sum3A_453 = arith.constant dense<0> : vector<1xi32>
    %reduce_sum3A_454 = vector.multi_reduction <add>, %reduce_sum3A_452, %reduce_sum3A_453 [1, 2] : vector<1x1024x128xi32> to vector<1xi32>
    %reduce_sum3A_455 = vector.shape_cast %reduce_sum3A_454 : vector<1xi32> to vector<1x1x1xi32>
    %reduce_sum3A_456 = vector.extract %reduce_sum3A_455[0, 0, 0] : i32 from vector<1x1x1xi32>
    %ge3A_457 = arith.constant 16384 : i32
    %ge3A_458 = arith.cmpi sge, %reduce_sum3A_456, %ge3A_457 : i32
    %select_n3A_459 = arith.select %ge3A_458, %or3A_445, %select_n3A_443 : i32
    %or3A_460 = arith.constant 8 : i32
    %or3A_461 = arith.ori %select_n3A_459, %or3A_460 : i32
    %xor3A_462 = arith.constant -2147483648 : i32
    %xor3A_463 = arith.xori %or3A_461, %xor3A_462 : i32
    %bitcast_convert_type3A_464 = arith.bitcast %xor3A_463 : i32 to i32
    %ge3A_465 = vector.broadcast %bitcast_convert_type3A_464 : i32 to vector<1024x128xi32>
    %ge3A_466 = arith.cmpi sge, %bitcast_convert_type3A_12, %ge3A_465 : vector<1024x128xi32>
    %convert_element_type3A_467 = arith.extui %ge3A_466 : vector<1024x128xi1> to vector<1024x128xi32>
    %reduce_sum3A_468 = vector.shape_cast %convert_element_type3A_467 : vector<1024x128xi32> to vector<1x1024x128xi32>
    %reduce_sum3A_469 = arith.constant dense<0> : vector<1xi32>
    %reduce_sum3A_470 = vector.multi_reduction <add>, %reduce_sum3A_468, %reduce_sum3A_469 [1, 2] : vector<1x1024x128xi32> to vector<1xi32>
    %reduce_sum3A_471 = vector.shape_cast %reduce_sum3A_470 : vector<1xi32> to vector<1x1x1xi32>
    %reduce_sum3A_472 = vector.extract %reduce_sum3A_471[0, 0, 0] : i32 from vector<1x1x1xi32>
    %ge3A_473 = arith.constant 16384 : i32
    %ge3A_474 = arith.cmpi sge, %reduce_sum3A_472, %ge3A_473 : i32
    %select_n3A_475 = arith.select %ge3A_474, %or3A_461, %select_n3A_459 : i32
    %or3A_476 = arith.constant 4 : i32
    %or3A_477 = arith.ori %select_n3A_475, %or3A_476 : i32
    %xor3A_478 = arith.constant -2147483648 : i32
    %xor3A_479 = arith.xori %or3A_477, %xor3A_478 : i32
    %bitcast_convert_type3A_480 = arith.bitcast %xor3A_479 : i32 to i32
    %ge3A_481 = vector.broadcast %bitcast_convert_type3A_480 : i32 to vector<1024x128xi32>
    %ge3A_482 = arith.cmpi sge, %bitcast_convert_type3A_12, %ge3A_481 : vector<1024x128xi32>
    %convert_element_type3A_483 = arith.extui %ge3A_482 : vector<1024x128xi1> to vector<1024x128xi32>
    %reduce_sum3A_484 = vector.shape_cast %convert_element_type3A_483 : vector<1024x128xi32> to vector<1x1024x128xi32>
    %reduce_sum3A_485 = arith.constant dense<0> : vector<1xi32>
    %reduce_sum3A_486 = vector.multi_reduction <add>, %reduce_sum3A_484, %reduce_sum3A_485 [1, 2] : vector<1x1024x128xi32> to vector<1xi32>
    %reduce_sum3A_487 = vector.shape_cast %reduce_sum3A_486 : vector<1xi32> to vector<1x1x1xi32>
    %reduce_sum3A_488 = vector.extract %reduce_sum3A_487[0, 0, 0] : i32 from vector<1x1x1xi32>
    %ge3A_489 = arith.constant 16384 : i32
    %ge3A_490 = arith.cmpi sge, %reduce_sum3A_488, %ge3A_489 : i32
    %select_n3A_491 = arith.select %ge3A_490, %or3A_477, %select_n3A_475 : i32
    %or3A_492 = arith.constant 2 : i32
    %or3A_493 = arith.ori %select_n3A_491, %or3A_492 : i32
    %xor3A_494 = arith.constant -2147483648 : i32
    %xor3A_495 = arith.xori %or3A_493, %xor3A_494 : i32
    %bitcast_convert_type3A_496 = arith.bitcast %xor3A_495 : i32 to i32
    %ge3A_497 = vector.broadcast %bitcast_convert_type3A_496 : i32 to vector<1024x128xi32>
    %ge3A_498 = arith.cmpi sge, %bitcast_convert_type3A_12, %ge3A_497 : vector<1024x128xi32>
    %convert_element_type3A_499 = arith.extui %ge3A_498 : vector<1024x128xi1> to vector<1024x128xi32>
    %reduce_sum3A_500 = vector.shape_cast %convert_element_type3A_499 : vector<1024x128xi32> to vector<1x1024x128xi32>
    %reduce_sum3A_501 = arith.constant dense<0> : vector<1xi32>
    %reduce_sum3A_502 = vector.multi_reduction <add>, %reduce_sum3A_500, %reduce_sum3A_501 [1, 2] : vector<1x1024x128xi32> to vector<1xi32>
    %reduce_sum3A_503 = vector.shape_cast %reduce_sum3A_502 : vector<1xi32> to vector<1x1x1xi32>
    %reduce_sum3A_504 = vector.extract %reduce_sum3A_503[0, 0, 0] : i32 from vector<1x1x1xi32>
    %ge3A_505 = arith.constant 16384 : i32
    %ge3A_506 = arith.cmpi sge, %reduce_sum3A_504, %ge3A_505 : i32
    %select_n3A_507 = arith.select %ge3A_506, %or3A_493, %select_n3A_491 : i32
    %or3A_508 = arith.constant 1 : i32
    %or3A_509 = arith.ori %select_n3A_507, %or3A_508 : i32
    %xor3A_510 = arith.constant -2147483648 : i32
    %xor3A_511 = arith.xori %or3A_509, %xor3A_510 : i32
    %bitcast_convert_type3A_512 = arith.bitcast %xor3A_511 : i32 to i32
    %ge3A_513 = vector.broadcast %bitcast_convert_type3A_512 : i32 to vector<1024x128xi32>
    %ge3A_514 = arith.cmpi sge, %bitcast_convert_type3A_12, %ge3A_513 : vector<1024x128xi32>
    %convert_element_type3A_515 = arith.extui %ge3A_514 : vector<1024x128xi1> to vector<1024x128xi32>
    %reduce_sum3A_516 = vector.shape_cast %convert_element_type3A_515 : vector<1024x128xi32> to vector<1x1024x128xi32>
    %reduce_sum3A_517 = arith.constant dense<0> : vector<1xi32>
    %reduce_sum3A_518 = vector.multi_reduction <add>, %reduce_sum3A_516, %reduce_sum3A_517 [1, 2] : vector<1x1024x128xi32> to vector<1xi32>
    %reduce_sum3A_519 = vector.shape_cast %reduce_sum3A_518 : vector<1xi32> to vector<1x1x1xi32>
    %reduce_sum3A_520 = vector.extract %reduce_sum3A_519[0, 0, 0] : i32 from vector<1x1x1xi32>
    %ge3A_521 = arith.constant 16384 : i32
    %ge3A_522 = arith.cmpi sge, %reduce_sum3A_520, %ge3A_521 : i32
    %select_n3A_523 = arith.select %ge3A_522, %or3A_509, %select_n3A_507 : i32
    %xor3A_524 = arith.constant -2147483648 : i32
    %xor3A_525 = arith.xori %select_n3A_523, %xor3A_524 : i32
    %bitcast_convert_type3A_526 = arith.bitcast %xor3A_525 : i32 to i32
    %gt3A = vector.broadcast %bitcast_convert_type3A_526 : i32 to vector<1024x128xi32>
    %gt3A_527 = arith.cmpi sgt, %bitcast_convert_type3A_12, %gt3A : vector<1024x128xi32>
    %eq3A_528 = vector.broadcast %bitcast_convert_type3A_526 : i32 to vector<1024x128xi32>
    %eq3A_529 = arith.cmpi eq, %bitcast_convert_type3A_12, %eq3A_528 : vector<1024x128xi32>
    %convert_element_type3A_530 = arith.extui %gt3A_527 : vector<1024x128xi1> to vector<1024x128xi32>
    %reduce_sum3A_531 = vector.shape_cast %convert_element_type3A_530 : vector<1024x128xi32> to vector<1x1024x128xi32>
    %reduce_sum3A_532 = arith.constant dense<0> : vector<1xi32>
    %reduce_sum3A_533 = vector.multi_reduction <add>, %reduce_sum3A_531, %reduce_sum3A_532 [1, 2] : vector<1x1024x128xi32> to vector<1xi32>
    %reduce_sum3A_534 = vector.shape_cast %reduce_sum3A_533 : vector<1xi32> to vector<1x1x1xi32>
    %reduce_sum3A_535 = vector.extract %reduce_sum3A_534[0, 0, 0] : i32 from vector<1x1x1xi32>
    %sub3A = arith.constant 16384 : i32
    %sub3A_536 = arith.subi %sub3A, %reduce_sum3A_535 : i32
    %iota3A = tpu.iota {dimensions = array<i32: 0>} : vector<128x128xi32>
    %iota3A_537 = tpu.iota {dimensions = array<i32: 1>} : vector<128x128xi32>
    %lt3A = arith.cmpi slt, %iota3A, %iota3A_537 : vector<128x128xi32>
    %convert_element_type3A_538 = arith.extui %lt3A : vector<128x128xi1> to vector<128x128xi32>
    %convert_element_type3A_539 = arith.sitofp %convert_element_type3A_538 : vector<128x128xi32> to vector<128x128xf32>
    %iota3A_540 = tpu.iota {dimensions = array<i32: 0>} : vector<1024x1024xi32>
    %iota3A_541 = tpu.iota {dimensions = array<i32: 1>} : vector<1024x1024xi32>
    %lt3A_542 = arith.cmpi slt, %iota3A_541, %iota3A_540 : vector<1024x1024xi32>
    %convert_element_type3A_543 = arith.extui %lt3A_542 : vector<1024x1024xi1> to vector<1024x1024xi32>
    %convert_element_type3A_544 = arith.sitofp %convert_element_type3A_543 : vector<1024x1024xi32> to vector<1024x1024xf32>
    %convert_element_type3A_545 = arith.extui %eq3A_529 : vector<1024x128xi1> to vector<1024x128xi32>
    %convert_element_type3A_546 = arith.sitofp %convert_element_type3A_545 : vector<1024x128xi32> to vector<1024x128xf32>
    %dot_general3A = arith.constant dense<0.000000e+00> : vector<1024x128xf32>
    %dot_general3A_547 = tpu.matmul %convert_element_type3A_546, %convert_element_type3A_539, %dot_general3A {dimension_numbers = #tpu.dot_dimension_numbers<[1], [0], [0], [1], [0, 0, 1, 1], [], []>, transpose_lhs_hint = false} : vector<1024x128xf32>, vector<128x128xf32>, vector<1024x128xf32> -> vector<1024x128xf32>
    %reduce_sum3A_548 = arith.constant dense<0.000000e+00> : vector<1024xf32>
    %reduce_sum3A_549 = vector.multi_reduction <add>, %convert_element_type3A_546, %reduce_sum3A_548 [1] : vector<1024x128xf32> to vector<1024xf32>
    %broadcast_in_dim3A_550 = vector.shape_cast %reduce_sum3A_549 : vector<1024xf32> to vector<1024x1xf32>
    %dot_general3A_551 = arith.constant dense<0.000000e+00> : vector<1024x1xf32>
    %dot_general3A_552 = tpu.matmul %convert_element_type3A_544, %broadcast_in_dim3A_550, %dot_general3A_551 {dimension_numbers = #tpu.dot_dimension_numbers<[1], [0], [0], [1], [0, 0, 1, 1], [], []>, transpose_lhs_hint = false} : vector<1024x1024xf32>, vector<1024x1xf32>, vector<1024x1xf32> -> vector<1024x1xf32>
    %add3A = vector.broadcast %dot_general3A_552 : vector<1024x1xf32> to vector<1024x128xf32>
    %add3A_553 = arith.addf %dot_general3A_547, %add3A : vector<1024x128xf32>
    %convert_element_type3A_554 = arith.fptosi %add3A_553 : vector<1024x128xf32> to vector<1024x128xi32>
    %lt3A_555 = vector.broadcast %sub3A_536 : i32 to vector<1024x128xi32>
    %lt3A_556 = arith.cmpi slt, %convert_element_type3A_554, %lt3A_555 : vector<1024x128xi32>
    %and3A = arith.andi %eq3A_529, %lt3A_556 : vector<1024x128xi1>
    %or3A_557 = arith.ori %gt3A_527, %and3A : vector<1024x128xi1>
    %convert_element_type3A_558 = arith.extui %or3A_557 : vector<1024x128xi1> to vector<1024x128xi32>
    %convert_element_type3A_559 = arith.sitofp %convert_element_type3A_558 : vector<1024x128xi32> to vector<1024x128xf32>
    %dot_general3A_560 = arith.constant dense<0.000000e+00> : vector<1024x128xf32>
    %dot_general3A_561 = tpu.matmul %convert_element_type3A_559, %convert_element_type3A_539, %dot_general3A_560 {dimension_numbers = #tpu.dot_dimension_numbers<[1], [0], [0], [1], [0, 0, 1, 1], [], []>, transpose_lhs_hint = false} : vector<1024x128xf32>, vector<128x128xf32>, vector<1024x128xf32> -> vector<1024x128xf32>
    %reduce_sum3A_562 = arith.constant dense<0.000000e+00> : vector<1024xf32>
    %reduce_sum3A_563 = vector.multi_reduction <add>, %convert_element_type3A_559, %reduce_sum3A_562 [1] : vector<1024x128xf32> to vector<1024xf32>
    %broadcast_in_dim3A_564 = vector.shape_cast %reduce_sum3A_563 : vector<1024xf32> to vector<1024x1xf32>
    %dot_general3A_565 = arith.constant dense<0.000000e+00> : vector<1024x1xf32>
    %dot_general3A_566 = tpu.matmul %convert_element_type3A_544, %broadcast_in_dim3A_564, %dot_general3A_565 {dimension_numbers = #tpu.dot_dimension_numbers<[1], [0], [0], [1], [0, 0, 1, 1], [], []>, transpose_lhs_hint = false} : vector<1024x1024xf32>, vector<1024x1xf32>, vector<1024x1xf32> -> vector<1024x1xf32>
    %add3A_567 = vector.broadcast %dot_general3A_566 : vector<1024x1xf32> to vector<1024x128xf32>
    %add3A_568 = arith.addf %dot_general3A_561, %add3A_567 : vector<1024x128xf32>
    %convert_element_type3A_569 = arith.fptosi %add3A_568 : vector<1024x128xf32> to vector<1024x128xi32>
    %iota3A_570 = tpu.iota {dimensions = array<i32: 0>} : vector<1024x128xi32>
    %iota3A_571 = tpu.iota {dimensions = array<i32: 1>} : vector<1024x128xi32>
    %mul3A = arith.constant 128 : i32
    %mul3A_572 = vector.broadcast %mul3A : i32 to vector<1024x128xi32>
    %mul3A_573 = arith.muli %iota3A_570, %mul3A_572 : vector<1024x128xi32>
    %add3A_574 = arith.addi %mul3A_573, %iota3A_571 : vector<1024x128xi32>
    %add3A_575 = arith.constant 16384 : i32
    %add3A_576 = vector.broadcast %add3A_575 : i32 to vector<1024x128xi32>
    %add3A_577 = arith.addi %add3A_576, %add3A_574 : vector<1024x128xi32>
    %select_n3A_578 = arith.select %or3A_557, %convert_element_type3A_569, %add3A_577 : vector<1024x128xi1>, vector<1024x128xi32>
    %swap3A = arith.constant 0 : index
    %swap3A_579 = arith.constant 0 : index
    %swap3A_580 = vector.load %arg1[%swap3A, %swap3A_579] : memref<1024x128xi32, #tpu.memory_space<vmem>>, vector<1024x128xi32>
    tpu.vector_store %arg1[%swap3A, %swap3A_579], %select_n3A_578 {strides = array<i32>} : memref<1024x128xi32, #tpu.memory_space<vmem>>, vector<1024x128xi32>,
    return
  }
}

</mosaic_0001>

<sc_bundles>
// kernel: kernel.5.cloned.1.call-start
scs
__scs_entry_jumppad:
0x0: {  	(pc) =	sbr.rel $0x88, $3  }
0x1: {  	(tag) =	ssettag $0x0;
	lr =	simm.s32 $0x1  }
0x2: {  	[smem:$0x3F9F] =	sst lr;
	_ =	strace $0xD0000000  }
0x3: {  	_ = 	snop  }
0x4: {  	_ = 	snop  }
0x5: {  	_ = 	snop  }
0x6: {  	_ = 	snop  }
0x7: {  	_ = 	snop  }
__scs_overlays_trampoline_lowered:
0x8: {  	[smem:$0x3FAE] =	sst s0  }
0x9: {  	[smem:$0x3FAF] =	sst s1  }
0xa: {  	[smem:$0x3FB0] =	sst s2  }
0xb: {  	[smem:$0x3FB1] =	sst s3  }
0xc: {  	[smem:$0x3FB2] =	sst s4  }
0xd: {  	[smem:$0x3FB3] =	sst s5  }
0xe: {  	[smem:$0x3FB4] =	sst s6  }
0xf: {  	[smem:$0x3FB5] =	sst s7  }
0x10: {  	[smem:$0x3FB6] =	sst s8  }
0x11: {  	[smem:$0x3FB7] =	sst s9;
	s0 =	simm.s32 @!p0 $0x0  }
0x12: {  	s1 =	sld [smem:$0x3F9D];
	s0 =	simm.s32 @p0 $0x1  }
0x13: {  	[smem:$0x3FB8] =	sst s0;
	s0 =	simm.s32 @!p1 $0x0  }
0x14: {  	s2 =	sld [smem:$0x3F9C];
	s0 =	simm.s32 @p1 $0x1  }
0x15: {  	[smem:$0x3FB9] =	sst s0;
	s0 =	simm.s32 @!p2 $0x0  }
0x16: {  	s3 =	sld [smem:$0x3FDB];
	s0 =	simm.s32 @p2 $0x1  }
0x17: {  	s4 =	simm.s32 $0x1BF5;
	[smem:$0x3FBB] =	sst s0  }
0x18: {  	s0 =	sld [smem:$0x3F9E];
	_ =	swait.ge [sflag:s4], $0x0  }
0x19: {  	s7 =	sld [smem:$0x3F9F]  }
0x1a: {  	s8 =	sadd.s32 $0xFFFFE003, lr  }
0x1b: {  	s9 =	sadd.s32 $0xFFFFFEF7, lr;
	s5 =	simm.s32 $0xFFFFFFFF;
	p2 =	slt.u32 s8, $0xFFFFF086  }
0x1c: {  	p1 =	slt.u32 s9, $0xF7A;
	s5 =	simm.s32 @!p2 $0x0  }
0x1d: {  	s5 =	simm.s32 @p1 $0x1;
	p0 =	seq.s32 s7, s2  }
0x1e: {  	s7 =	smul.u32 @!p0 $0xF7A, s2;
	p2 =	seq.s32 @!p0 s5, $0x0  }
0x1f: {  	s9 =	smul.u32 $0xF7A, s1;
	s8 =	simm.s32 @!p0 $0x1BF5;
	p2 =	por !p2, p0  }
0x20: {  	[sflag:s8] =	ssyncset.s32 @!p0 $0xFFFFF086;
	s6 =	sadd.s32 @!p0 s3, s7;
	s7 =	simm.s32 @!p0 $0x108  }
0x21: {  	s3 =	sadd.s32 s3, s9;
	s6 =	sadd.s32 @!p0 $0x88, s6;
	s7 =	simm.s32 @p2 $0x1082  }
0x22: {  	[simem:s7], [sflag:s8] =	dma.local @!p0 [hbm:s6], $0xF7A  }
0x23: {  	s9 =	sor.u32 $0xD0000000, s2;
	s6 =	simm.s32 $0x108;
	_ =	swait.ge @!p0 [sflag:s8], $0x0  }
0x24: {  	s3 =	sadd.s32 $0x88, s3;
	s6 =	simm.s32 @!p1 $0x1082;
	[sflag:s4] =	ssyncset.s32 $0xFFFFF086  }
0x25: {  	[simem:s6], [sflag:s4] =	dma.local [hbm:s3], $0xF7A  }
0x26: {  	[smem:$0x3F9F] =	sst s1;
	(tag) =	ssettag s2;
	_ =	strace s9  }
0x27: {  	s1 =	sld [smem:$0x3FAF]  }
0x28: {  	s2 =	sld [smem:$0x3FB0]  }
0x29: {  	s4 =	sld [smem:$0x3FB2]  }
0x2a: {  	p0 =	seq.s32 s5, $0x0;
	s5 =	sld [smem:$0x3FB3]  }
0x2b: {  	s6 =	sld [smem:$0x3FB4]  }
0x2c: {  	s7 =	sld [smem:$0x3FB5]  }
0x2d: {  	s3 =	simm.s32 $0x108;
	s8 =	sld [smem:$0x3FB6]  }
0x2e: {  	s3 =	simm.s32 @!p0 $0x1082;
	s9 =	sld [smem:$0x3FB7]  }
0x2f: {  	lr =	sadd.s32 s0, s3;
	s0 =	sld [smem:$0x3FAE]  }
0x30: {  	s3 =	sld [smem:$0x3FB1]  }
0x31: {  	[smem:$0x3FBA] =	sst s10  }
0x32: {  	s10 =	sld [smem:$0x3FB8];
	_ =	sdelay $0x3  }
0x33: {  	p0 =	seq.s32 s10, $0x1;
	s10 =	sld [smem:$0x3FBA];
	_ =	sdelay $0x3  }
0x34: {  	[smem:$0x3FBA] =	sst s10  }
0x35: {  	s10 =	sld [smem:$0x3FB9];
	_ =	sdelay $0x3  }
0x36: {  	p1 =	seq.s32 s10, $0x1;
	s10 =	sld [smem:$0x3FBA];
	_ =	sdelay $0x3  }
0x37: {  	[smem:$0x3FBA] =	sst s10  }
0x38: {  	s10 =	sld [smem:$0x3FBB]  }
0x39: {  	_ = 	snop;
	(pc) =	sbr.ind lr, $3  }
0x3a: {  	_ = 	snop  }
0x3b: {  	_ = 	snop  }
0x3c: {  	p2 =	seq.s32 s10, $0x1;
	s10 =	sld [smem:$0x3FBA]  }
0x3d: {  	_ =	shalt  }
0x3e: {  	_ =	shalt  }
0x3f: {  	_ =	shalt  }
0x40: {  	_ =	shalt  }
0x41: {  	_ =	shalt  }
0x42: {  	_ =	shalt  }
0x43: {  	_ =	shalt  }
0x44: {  	_ =	shalt  }
0x45: {  	_ =	shalt  }
0x46: {  	_ =	shalt  }
0x47: {  	_ =	shalt  }
0x48: {  	_ =	shalt  }
0x49: {  	_ =	shalt  }
0x4a: {  	_ =	shalt  }
0x4b: {  	_ =	shalt  }
0x4c: {  	_ =	shalt  }
0x4d: {  	_ =	shalt  }
0x4e: {  	_ =	shalt  }
0x4f: {  	_ =	shalt  }
0x50: {  	_ =	shalt  }
0x51: {  	_ =	shalt  }
0x52: {  	_ =	shalt  }
0x53: {  	_ =	shalt  }
0x54: {  	_ =	shalt  }
0x55: {  	_ =	shalt  }
0x56: {  	_ =	shalt  }
0x57: {  	_ =	shalt  }
0x58: {  	_ =	shalt  }
0x59: {  	_ =	shalt  }
0x5a: {  	_ =	shalt  }
0x5b: {  	_ =	shalt  }
0x5c: {  	_ =	shalt  }
0x5d: {  	_ =	shalt  }
0x5e: {  	_ =	shalt  }
0x5f: {  	_ =	shalt  }
0x60: {  	_ =	shalt  }
0x61: {  	_ =	shalt  }
0x62: {  	_ =	shalt  }
0x63: {  	_ =	shalt  }
0x64: {  	_ =	shalt  }
0x65: {  	_ =	shalt  }
0x66: {  	_ =	shalt  }
0x67: {  	_ =	shalt  }
0x68: {  	_ =	shalt  }
0x69: {  	_ =	shalt  }
0x6a: {  	_ =	shalt  }
0x6b: {  	_ =	shalt  }
0x6c: {  	_ =	shalt  }
0x6d: {  	_ =	shalt  }
0x6e: {  	_ =	shalt  }
0x6f: {  	_ =	shalt  }
0x70: {  	_ =	shalt  }
0x71: {  	_ =	shalt  }
0x72: {  	_ =	shalt  }
0x73: {  	_ =	shalt  }
0x74: {  	_ =	shalt  }
0x75: {  	_ =	shalt  }
0x76: {  	_ =	shalt  }
0x77: {  	_ =	shalt  }
0x78: {  	_ =	shalt  }
0x79: {  	_ =	shalt  }
0x7a: {  	_ =	shalt  }
0x7b: {  	_ =	shalt  }
0x7c: {  	_ =	shalt  }
0x7d: {  	_ =	shalt  }
0x7e: {  	_ =	shalt  }
0x7f: {  	_ =	shalt  }
0x80: {  	_ =	shalt  }
0x81: {  	_ =	shalt  }
0x82: {  	_ =	shalt  }
0x83: {  	_ =	shalt  }
0x84: {  	_ =	shalt  }
0x85: {  	_ =	shalt  }
0x86: {  	_ =	shalt  }
0x87: {  	_ =	shalt  }
.Lfunc_end0:
.L_simem_size_0:
called_computation_lowered:
.L_overlay_start_0:
0x88: {  	s2 =	sld [smem:$0x3FD9]  }
0x89: {  	s3 =	sld [smem:$0x3FFE];
	_ =	sdelay $0x1  }
0x8a: {  	s1 =	srdreg.scid  }
0x8b: {  	s0 =	sand.u32 $0x1, s1  }
0x8c: {  	s17 =	sshll.u32 s0, $0xA;
	s2 =	sadd.s32 s3, s2  }
0x8d: {  	s2 =	sadd.s32 s2, s17  }
0x8e: {  	[smem:$0x3FC6] =	sst s2  }
0x8f: {  	_ = 	snop  }
0x90: {  	s2 =	sld [smem:$0x3FD0];
	(tm) =	ssettm $0x1  }
0x91: {  	s18 =	sld [smem:$0x3FFB];
	_ =	sdelay $0x3  }
0x92: {  	_ =	strace s18  }
0x93: {  	s3 =	sld [smem:$0x3FFC];
	_ =	sdelay $0x3  }
0x94: {  	_ =	strace s3  }
0x95: {  	s3 =	sld [smem:$0x3FFD];
	_ =	sdelay $0x3  }
0x96: {  	_ =	strace s3  }
0x97: {  	_ =	strace $0x8FFFFFFF  }
0x98: {  	s19 =	sld [smem:$0x3FDB];
	_ =	sdelay $0x1  }
0x99: {  	s4 =	simm.s32 $_scs_section_size  }
0x9a: {  	s5 =	simm.s32 $_size__tile_overlayer_lowered;
	s6 =	simm.s32 $_tile_overlayer_lowered  }
0x9b: {  	s22 =	simm.s32 $0x1BFF;
	s21 =	sshll.u32 s6, $0x1;
	s3 =	sadd.s32 s4, s19  }
0x9c: {  	s7 =	simm.s32 $0x0;
	s20 =	sshll.u32 s5, $0x1;
	s5 =	sadd.s32 s21, s3  }
0x9d: {  	[timem:s7], [sflag:s22] =	dma.local [hbm:s5], s20  }
0x9e: {  	_ =	swait.ge [sflag:s22], s20  }
0x9f: {  	s4 =	ssub.s32 $0x0, s20;
	[sflag:s22] =	ssyncset.done $0x0  }
0xa0: {  	[sflag:s22] =	ssyncadd.s32 s4;
	_ =	sdelay $0x1  }
0xa1: {  	s23 =	simm.s32 $0x1B8B  }
0xa2: {  	_ =	swait.ge [sflag:s23], $0x1  }
0xa3: {  	[sflag:s23] =	ssyncset.done $0x0  }
0xa4: {  	s25 =	simm.s32 $0x1B8E;
	s24 =	sld [smem:$0x3FFE];
	[sflag:s23] =	ssyncadd.s32 $0xFFFFFFFF  }
0xa5: {  	s26 =	simm.s32 $execute0_lowered;
	[smem:$0x3FD2] =	sst s25  }
0xa6: {  	s5 =	sshll.u32 s26, $0x1;
	_ =	strace $0x80000046;
	[dreg:$0x1] =	wrdreg $0xFFFFFFFF  }
0xa7: {  	s28 =	simm.s32 $_size_execute0_lowered;
	s3 =	sadd.s32 s3, s5;
	[dreg:$0x0] =	wrdreg $0x0  }
0xa8: {  	s5 =	sshll.u32 s28, $0x1;
	[dreg:$0x2] =	wrdreg s3  }
0xa9: {  	[dreg:$0x3] =	wrdreg s5  }
0xaa: {  	[dreg:$0x4] =	wrdreg $0xC0  }
0xab: {  	_ =	task [dreg:s7], $0x5FFFF  }
0xac: {  	[dreg:$0x1] =	wrdreg $0xFFFFFFFF  }
0xad: {  	[dreg:$0x0] =	wrdreg $0x60  }
0xae: {  	[dreg:$0x2] =	wrdreg s24  }
0xaf: {  	[dreg:$0x3] =	wrdreg s2  }
0xb0: {  	[dreg:$0x4] =	wrdreg $0x40000  }
0xb1: {  	[dreg:$0x5] =	wrdreg $0x9  }
0xb2: {  	_ =	task.clear_ibuf [dreg:s7], $0x6FFFF;
	_ =	strace $0x90000046  }
0xb3: {  	s29 =	simm.s32 $0x9;
	_ =	strace $0x80000048  }
0xb4: {  	_ =	swait.ge [sflag:s29], $0x1  }
0xb5: {  	[sflag:s29] =	ssyncadd.s32 $0xFFFFFFFF  }
0xb6: {  	_ =	strace $0x90000048  }
0xb7: {  	_ =	sfence  }
0xb8: {  	s30 =	sld [smem:$0x0];
	_ =	sdelay $0x2  }
0xb9: {  	s31 =	sshll.u32 s1, $0xD;
	s1 =	sshrl.u32 s1, $0x2  }
0xba: {  	s3 =	sand.u32 $0x4000, s31;
	s1 =	sadd.s32 s1, s30  }
0xbb: {  	s0 =	sor.u32 s3, s0;
	s1 =	sshll.u32 s1, $0x11  }
0xbc: {  	s0 =	sor.u32 s1, s0  }
0xbd: {  	s0 =	sadd.s32 $0x8F2B, s0  }
0xbe: {  	[sflag:s0] =	ssyncadd.remote.s32 $0x1  }
0xbf: {  	_ =	sfence.sel $0xFFFF  }
0xc0: {  	[dreg:$0x0] =	wrdreg $0xFFFFFFFF;
	(pc) =	sbr.abs _section_cstart, $3  }
0xc1: {  	[dreg:$0x1] =	wrdreg $0xFFFFFFFF  }
0xc2: {  	_ =	task.clear_ibuf [dreg:s7], $0x2FFFF;
	_ =	strace $0x9FFFFFFF  }
0xc3: {  	(tm) =	ssettm $0x7FFFFFFF  }
tec
execute0_lowered:
.L_overlay_start_1:
0x0: {  	(tag) =	ssettag $0x1  }
0x1: {  	s0 =	rddreg [dreg:$0x0]  }
0x2: {  	s3 =	rddreg [dreg:$0x1]  }
0x3: {  	s1 =	rddreg [dreg:$0x2];
	s2 =	simm.s32 $0x0  }
0x4: {  	s4 =	srdreg.scid;
	s10 =	stileid.u32;
	s11 =	simm.s32 $0x80  }
0x5: {  	s29 =	simm.s32 $0x3E80;
	s30 =	simm.s32 $0x1F00;
	s31 =	simm.s32 $0x3F00  }
0x6: {  	s12 =	simm.s32 $0x1;
	s13 =	simm.s32 $0x6400;
	s14 =	simm.s32 $0x6600  }
0x7: {  	s15 =	simm.s32 $0x6480;
	s16 =	simm.s32 $0x8600;
	s17 =	simm.s32 $0x6500  }
0x8: {  	s18 =	simm.s32 $0xA600;
	s19 =	simm.s32 $0x6580;
	s20 =	simm.s32 $0xC600  }
0x9: {  	[smem:$0x7FF] =	sst s2;
	s5 =	sand.u32 $0x1, s4;
	s4 =	sadd.s32 $0x200600, s0  }
0xa: {  	s21 =	simm.s32 $0x0;
	s7 =	sshll.u32 s10, $0xA;
	_ =	strace $0x80000047  }
0xb: {  	s6 =	ssub.s32 $0x2, s5;
	s5 =	sshll.u32 s5, $0x9;
	s0 =	sadd.s32 s7, s0  }
0xc: {  	s8 =	sshrl.u32 s6, $0x1;
	s7 =	sor.u32 s5, s7;
	s5 =	sadd.s32 $0x600, s0  }
0xd: {  	s0 =	simm.s32 $0x1F80;
	s9 =	ssub.s32 s6, s8;
	s6 =	sshll.u32 s10, $0xD  }
0xe: {  	s28 =	sshll.u32 s7, $0x3;
	s7 =	sadd.s32 s7, s1;
	s10 =	simm.s32 $0x2  }
0xf: {  	v0 =	vlaneseq.u32;
	s8 =	sadd.s32 s3, s28;
	s9 =	smax.u32 s9, $0x1;
	s3 =	simm.s32 $0x3F80  }
.LBB2_1:
0x10: {  	[tilespmem:s2], [sflag:$0x2] =	stream.linear.gather [hbm4b:s5+s2], $0x2000, $0x38;
	[tilespmem:$0xE600] =	vst v63  }
0x11: {  	s23 =	sadd.s32 $0x0, s6;
	_ =	swait.ge [sflag:s10], $0x2000  }
0x12: {  	s24 =	sadd.s32 $0x70, s23;
	[sflag:s10] =	ssyncset.done $0x0  }
0x13: {  	s22 =	simm.s32 $0x2040;
	s25 =	sadd.s32 $0x10, s23;
	v1 =	vor.u32 s24, v0;
	[sflag:s10] =	ssyncadd.s32 $0xFFFFE000  }
0x14: {  	s26 =	sadd.s32 $0x20, s23;
	v2 =	vor.u32 s25, v0;
	[tilespmem:s22+$0x30] =	vst v1  }
0x15: {  	s28 =	sadd.s32 $0x30, s23;
	v1 =	vor.u32 s26, v0;
	[tilespmem:s22+$0xFFFFFFD0] =	vst v2  }
0x16: {  	s25 =	sadd.s32 $0x40, s23;
	v2 =	vor.u32 s28, v0;
	[tilespmem:s22+$0xFFFFFFE0] =	vst v1  }
0x17: {  	s26 =	sadd.s32 $0x50, s23;
	v1 =	vor.u32 s25, v0;
	[tilespmem:s22+$0xFFFFFFF0] =	vst v2  }
0x18: {  	s28 =	sadd.s32 $0x60, s23;
	v3 =	vor.u32 s26, v0;
	[tilespmem:s22+$0x0] =	vst v1  }
0x19: {  	s24 =	simm.s32 $0x100;
	v2 =	vor.u32 s28, v0;
	v1 =	vor.u32 s23, v0;
	s23 =	sadd.s32 $0x80, s6;
	[tilespmem:s22+$0x10] =	vst v3  }
.LBB2_2:
0x1a: {  	p0 =	sne.s32 s24, $0x1F80;
	v3 =	vor.u32 s23, v0;
	s25 =	sadd.s32 $0x10, s23;
	s26 =	sadd.s32 $0x70, s23;
	[tilespmem:s22+$0x20] =	vst v2  }
0x1b: {  	s28 =	sadd.s32 $0x30, s23;
	v2 =	vor.u32 s25, v0;
	s25 =	sadd.s32 $0x20, s23;
	v4 =	vor.u32 s26, v0;
	[tilespmem:s22+$0xFFFFFFC0] =	vst v1;
	s22 =	sadd.s32 $0x80, s22;
	v1 =	vmov v3  }
0x1c: {  	v5 =	vor.u32 s28, v0;
	s26 =	sadd.s32 $0x50, s23;
	v3 =	vor.u32 s25, v0;
	s25 =	sadd.s32 $0x40, s23;
	s23 =	sadd.s32 $0x60, s23;
	[tilespmem:s22+$0x30] =	vst v4  }
.Ltmp0:
0x1d: {  	v6 =	vor.u32 s26, v0;
	[tilespmem:s22+$0xFFFFFFD0] =	vst v2;
	v4 =	vor.u32 s25, v0;
	v2 =	vor.u32 s23, v0;
	(pc) =	sbr.rel @p0 .LBB2_2-.Ltmp0, $4  }
0x1e: {  	[tilespmem:s22+$0xFFFFFFE0] =	vst v3  }
0x1f: {  	[tilespmem:s22+$0xFFFFFFF0] =	vst v5  }
0x20: {  	[tilespmem:s22+$0x0] =	vst v4  }
0x21: {  	s23 =	sadd.s32 s24, s6;
	s24 =	sadd.s32 $0x80, s24;
	[tilespmem:s22+$0x10] =	vst v6  }
0x22: {  	s24 =	sadd.s32 $0x70, s23;
	[tilespmem:s22+$0x20] =	vst v2  }
0x23: {  	s25 =	sadd.s32 $0x10, s23;
	[tilespmem:s22+$0xFFFFFFC0] =	vst v1;
	s22 =	sadd.s32 $0x80, s22;
	v2 =	vor.u32 s24, v0  }
0x24: {  	s26 =	sadd.s32 $0x20, s23;
	v1 =	vor.u32 s25, v0;
	[tilespmem:s22+$0x30] =	vst v2  }
0x25: {  	s28 =	sadd.s32 $0x30, s23;
	v2 =	vor.u32 s26, v0;
	[tilespmem:s22+$0xFFFFFFD0] =	vst v1  }
0x26: {  	s25 =	sadd.s32 $0x40, s23;
	v1 =	vor.u32 s28, v0;
	[tilespmem:s22+$0xFFFFFFE0] =	vst v2  }
0x27: {  	s26 =	sadd.s32 $0x50, s23;
	v2 =	vor.u32 s25, v0;
	[tilespmem:s22+$0xFFFFFFF0] =	vst v1  }
0x28: {  	s28 =	sadd.s32 $0x60, s23;
	v1 =	vor.u32 s26, v0;
	[tilespmem:s22+$0x0] =	vst v2  }
0x29: {  	v2 =	vor.u32 s28, v0;
	[tilespmem:s22+$0x10] =	vst v1  }
0x2a: {  	v1 =	vor.u32 s23, v0;
	[tilespmem:s22+$0x20] =	vst v2  }
0x2b: {  	s24 =	simm.s32 $0x2000;
	[tilespmem:s22+$0xFFFFFFC0] =	vst v1  }
0x2c: {  	[spmem:s1] =	stream.indirect.scatter [tilespmem:s24], [sflag:$0x1], $0x1, s2, s11, $0xb8;
	[tilespmem:$0xE600] =	vst v63  }
0x2d: {  	s25 =	simm.s32 $0x2080  }
0x2e: {  	[spmem:s1] =	stream.indirect.scatter [tilespmem:s25], [sflag:$0x1], $0x1, s11, s11, $0xb8;
	[tilespmem:$0xE600] =	vst v63  }
0x2f: {  	s26 =	simm.s32 $0x100;
	s28 =	simm.s32 $0x2100  }
0x30: {  	[spmem:s1] =	stream.indirect.scatter [tilespmem:s28], [sflag:$0x1], $0x1, s26, s11, $0xb8;
	[tilespmem:$0xE600] =	vst v63  }
0x31: {  	s24 =	simm.s32 $0x180;
	s25 =	simm.s32 $0x2180  }
0x32: {  	[spmem:s1] =	stream.indirect.scatter [tilespmem:s25], [sflag:$0x1], $0x1, s24, s11, $0xb8;
	[tilespmem:$0xE600] =	vst v63  }
0x33: {  	s26 =	simm.s32 $0x200;
	s28 =	simm.s32 $0x2200  }
0x34: {  	[spmem:s1] =	stream.indirect.scatter [tilespmem:s28], [sflag:$0x1], $0x1, s26, s11, $0xb8;
	[tilespmem:$0xE600] =	vst v63  }
0x35: {  	s24 =	simm.s32 $0x280;
	s25 =	simm.s32 $0x2280  }
0x36: {  	[spmem:s1] =	stream.indirect.scatter [tilespmem:s25], [sflag:$0x1], $0x1, s24, s11, $0xb8;
	[tilespmem:$0xE600] =	vst v63  }
0x37: {  	s26 =	simm.s32 $0x300;
	s28 =	simm.s32 $0x2300  }
0x38: {  	[spmem:s1] =	stream.indirect.scatter [tilespmem:s28], [sflag:$0x1], $0x1, s26, s11, $0xb8;
	[tilespmem:$0xE600] =	vst v63  }
0x39: {  	s24 =	simm.s32 $0x380;
	s25 =	simm.s32 $0x2380  }
0x3a: {  	[spmem:s1] =	stream.indirect.scatter [tilespmem:s25], [sflag:$0x1], $0x1, s24, s11, $0xb8;
	[tilespmem:$0xE600] =	vst v63  }
0x3b: {  	s26 =	simm.s32 $0x400;
	s28 =	simm.s32 $0x2400  }
0x3c: {  	[spmem:s1] =	stream.indirect.scatter [tilespmem:s28], [sflag:$0x1], $0x1, s26, s11, $0xb8;
	[tilespmem:$0xE600] =	vst v63  }
0x3d: {  	s24 =	simm.s32 $0x480;
	s25 =	simm.s32 $0x2480  }
0x3e: {  	[spmem:s1] =	stream.indirect.scatter [tilespmem:s25], [sflag:$0x1], $0x1, s24, s11, $0xb8;
	[tilespmem:$0xE600] =	vst v63  }
0x3f: {  	s26 =	simm.s32 $0x500;
	s28 =	simm.s32 $0x2500  }
0x40: {  	[spmem:s1] =	stream.indirect.scatter [tilespmem:s28], [sflag:$0x1], $0x1, s26, s11, $0xb8;
	[tilespmem:$0xE600] =	vst v63  }
0x41: {  	s24 =	simm.s32 $0x580;
	s25 =	simm.s32 $0x2580  }
0x42: {  	[spmem:s1] =	stream.indirect.scatter [tilespmem:s25], [sflag:$0x1], $0x1, s24, s11, $0xb8;
	[tilespmem:$0xE600] =	vst v63  }
0x43: {  	s26 =	simm.s32 $0x600;
	s28 =	simm.s32 $0x2600  }
0x44: {  	[spmem:s1] =	stream.indirect.scatter [tilespmem:s28], [sflag:$0x1], $0x1, s26, s11, $0xb8;
	[tilespmem:$0xE600] =	vst v63  }
0x45: {  	s24 =	simm.s32 $0x680;
	s25 =	simm.s32 $0x2680  }
0x46: {  	[spmem:s1] =	stream.indirect.scatter [tilespmem:s25], [sflag:$0x1], $0x1, s24, s11, $0xb8;
	[tilespmem:$0xE600] =	vst v63  }
0x47: {  	s26 =	simm.s32 $0x700;
	s28 =	simm.s32 $0x2700  }
0x48: {  	[spmem:s1] =	stream.indirect.scatter [tilespmem:s28], [sflag:$0x1], $0x1, s26, s11, $0xb8;
	[tilespmem:$0xE600] =	vst v63  }
0x49: {  	s24 =	simm.s32 $0x780;
	s25 =	simm.s32 $0x2780  }
0x4a: {  	[spmem:s1] =	stream.indirect.scatter [tilespmem:s25], [sflag:$0x1], $0x1, s24, s11, $0xb8;
	[tilespmem:$0xE600] =	vst v63  }
0x4b: {  	s26 =	simm.s32 $0x800;
	s28 =	simm.s32 $0x2800  }
0x4c: {  	[spmem:s1] =	stream.indirect.scatter [tilespmem:s28], [sflag:$0x1], $0x1, s26, s11, $0xb8;
	[tilespmem:$0xE600] =	vst v63  }
0x4d: {  	s24 =	simm.s32 $0x880;
	s25 =	simm.s32 $0x2880  }
0x4e: {  	[spmem:s1] =	stream.indirect.scatter [tilespmem:s25], [sflag:$0x1], $0x1, s24, s11, $0xb8;
	[tilespmem:$0xE600] =	vst v63  }
0x4f: {  	s26 =	simm.s32 $0x900;
	s28 =	simm.s32 $0x2900  }
0x50: {  	[spmem:s1] =	stream.indirect.scatter [tilespmem:s28], [sflag:$0x1], $0x1, s26, s11, $0xb8;
	[tilespmem:$0xE600] =	vst v63  }
0x51: {  	s24 =	simm.s32 $0x980;
	s25 =	simm.s32 $0x2980  }
0x52: {  	[spmem:s1] =	stream.indirect.scatter [tilespmem:s25], [sflag:$0x1], $0x1, s24, s11, $0xb8;
	[tilespmem:$0xE600] =	vst v63  }
0x53: {  	s26 =	simm.s32 $0xA00;
	s28 =	simm.s32 $0x2A00  }
0x54: {  	[spmem:s1] =	stream.indirect.scatter [tilespmem:s28], [sflag:$0x1], $0x1, s26, s11, $0xb8;
	[tilespmem:$0xE600] =	vst v63  }
0x55: {  	s24 =	simm.s32 $0xA80;
	s25 =	simm.s32 $0x2A80  }
0x56: {  	[spmem:s1] =	stream.indirect.scatter [tilespmem:s25], [sflag:$0x1], $0x1, s24, s11, $0xb8;
	[tilespmem:$0xE600] =	vst v63  }
0x57: {  	s26 =	simm.s32 $0xB00;
	s28 =	simm.s32 $0x2B00  }
0x58: {  	[spmem:s1] =	stream.indirect.scatter [tilespmem:s28], [sflag:$0x1], $0x1, s26, s11, $0xb8;
	[tilespmem:$0xE600] =	vst v63  }
0x59: {  	s24 =	simm.s32 $0xB80;
	s25 =	simm.s32 $0x2B80  }
0x5a: {  	[spmem:s1] =	stream.indirect.scatter [tilespmem:s25], [sflag:$0x1], $0x1, s24, s11, $0xb8;
	[tilespmem:$0xE600] =	vst v63  }
0x5b: {  	s26 =	simm.s32 $0xC00;
	s28 =	simm.s32 $0x2C00  }
0x5c: {  	[spmem:s1] =	stream.indirect.scatter [tilespmem:s28], [sflag:$0x1], $0x1, s26, s11, $0xb8;
	[tilespmem:$0xE600] =	vst v63  }
0x5d: {  	s24 =	simm.s32 $0xC80;
	s25 =	simm.s32 $0x2C80  }
0x5e: {  	[spmem:s1] =	stream.indirect.scatter [tilespmem:s25], [sflag:$0x1], $0x1, s24, s11, $0xb8;
	[tilespmem:$0xE600] =	vst v63  }
0x5f: {  	s26 =	simm.s32 $0xD00;
	s28 =	simm.s32 $0x2D00  }
0x60: {  	[spmem:s1] =	stream.indirect.scatter [tilespmem:s28], [sflag:$0x1], $0x1, s26, s11, $0xb8;
	[tilespmem:$0xE600] =	vst v63  }
0x61: {  	s24 =	simm.s32 $0xD80;
	s25 =	simm.s32 $0x2D80  }
0x62: {  	[spmem:s1] =	stream.indirect.scatter [tilespmem:s25], [sflag:$0x1], $0x1, s24, s11, $0xb8;
	[tilespmem:$0xE600] =	vst v63  }
0x63: {  	s26 =	simm.s32 $0xE00;
	s28 =	simm.s32 $0x2E00  }
0x64: {  	[spmem:s1] =	stream.indirect.scatter [tilespmem:s28], [sflag:$0x1], $0x1, s26, s11, $0xb8;
	[tilespmem:$0xE600] =	vst v63  }
0x65: {  	s24 =	simm.s32 $0xE80;
	s25 =	simm.s32 $0x2E80  }
0x66: {  	[spmem:s1] =	stream.indirect.scatter [tilespmem:s25], [sflag:$0x1], $0x1, s24, s11, $0xb8;
	[tilespmem:$0xE600] =	vst v63  }
0x67: {  	s26 =	simm.s32 $0xF00;
	s28 =	simm.s32 $0x2F00  }
0x68: {  	[spmem:s1] =	stream.indirect.scatter [tilespmem:s28], [sflag:$0x1], $0x1, s26, s11, $0xb8;
	[tilespmem:$0xE600] =	vst v63  }
0x69: {  	s24 =	simm.s32 $0xF80;
	s25 =	simm.s32 $0x2F80  }
0x6a: {  	[spmem:s1] =	stream.indirect.scatter [tilespmem:s25], [sflag:$0x1], $0x1, s24, s11, $0xb8;
	[tilespmem:$0xE600] =	vst v63  }
0x6b: {  	s26 =	simm.s32 $0x1000;
	s28 =	simm.s32 $0x3000  }
0x6c: {  	[spmem:s1] =	stream.indirect.scatter [tilespmem:s28], [sflag:$0x1], $0x1, s26, s11, $0xb8;
	[tilespmem:$0xE600] =	vst v63  }
0x6d: {  	s24 =	simm.s32 $0x1080;
	s25 =	simm.s32 $0x3080  }
0x6e: {  	[spmem:s1] =	stream.indirect.scatter [tilespmem:s25], [sflag:$0x1], $0x1, s24, s11, $0xb8;
	[tilespmem:$0xE600] =	vst v63  }
0x6f: {  	s26 =	simm.s32 $0x1100;
	s28 =	simm.s32 $0x3100  }
0x70: {  	[spmem:s1] =	stream.indirect.scatter [tilespmem:s28], [sflag:$0x1], $0x1, s26, s11, $0xb8;
	[tilespmem:$0xE600] =	vst v63  }
0x71: {  	s24 =	simm.s32 $0x1180;
	s25 =	simm.s32 $0x3180  }
0x72: {  	[spmem:s1] =	stream.indirect.scatter [tilespmem:s25], [sflag:$0x1], $0x1, s24, s11, $0xb8;
	[tilespmem:$0xE600] =	vst v63  }
0x73: {  	s26 =	simm.s32 $0x1200;
	s28 =	simm.s32 $0x3200  }
0x74: {  	[spmem:s1] =	stream.indirect.scatter [tilespmem:s28], [sflag:$0x1], $0x1, s26, s11, $0xb8;
	[tilespmem:$0xE600] =	vst v63  }
0x75: {  	s24 =	simm.s32 $0x1280;
	s25 =	simm.s32 $0x3280  }
0x76: {  	[spmem:s1] =	stream.indirect.scatter [tilespmem:s25], [sflag:$0x1], $0x1, s24, s11, $0xb8;
	[tilespmem:$0xE600] =	vst v63  }
0x77: {  	s26 =	simm.s32 $0x1300;
	s28 =	simm.s32 $0x3300  }
0x78: {  	[spmem:s1] =	stream.indirect.scatter [tilespmem:s28], [sflag:$0x1], $0x1, s26, s11, $0xb8;
	[tilespmem:$0xE600] =	vst v63  }
0x79: {  	s24 =	simm.s32 $0x1380;
	s25 =	simm.s32 $0x3380  }
0x7a: {  	[spmem:s1] =	stream.indirect.scatter [tilespmem:s25], [sflag:$0x1], $0x1, s24, s11, $0xb8;
	[tilespmem:$0xE600] =	vst v63  }
0x7b: {  	s26 =	simm.s32 $0x1400;
	s28 =	simm.s32 $0x3400  }
0x7c: {  	[spmem:s1] =	stream.indirect.scatter [tilespmem:s28], [sflag:$0x1], $0x1, s26, s11, $0xb8;
	[tilespmem:$0xE600] =	vst v63  }
0x7d: {  	s24 =	simm.s32 $0x1480;
	s25 =	simm.s32 $0x3480  }
0x7e: {  	[spmem:s1] =	stream.indirect.scatter [tilespmem:s25], [sflag:$0x1], $0x1, s24, s11, $0xb8;
	[tilespmem:$0xE600] =	vst v63  }
0x7f: {  	s26 =	simm.s32 $0x1500;
	s28 =	simm.s32 $0x3500  }
0x80: {  	[spmem:s1] =	stream.indirect.scatter [tilespmem:s28], [sflag:$0x1], $0x1, s26, s11, $0xb8;
	[tilespmem:$0xE600] =	vst v63  }
0x81: {  	s24 =	simm.s32 $0x1580;
	s25 =	simm.s32 $0x3580  }
0x82: {  	[spmem:s1] =	stream.indirect.scatter [tilespmem:s25], [sflag:$0x1], $0x1, s24, s11, $0xb8;
	[tilespmem:$0xE600] =	vst v63  }
0x83: {  	s26 =	simm.s32 $0x1600;
	s28 =	simm.s32 $0x3600  }
0x84: {  	[spmem:s1] =	stream.indirect.scatter [tilespmem:s28], [sflag:$0x1], $0x1, s26, s11, $0xb8;
	[tilespmem:$0xE600] =	vst v63  }
0x85: {  	s24 =	simm.s32 $0x1680;
	s25 =	simm.s32 $0x3680  }
0x86: {  	[spmem:s1] =	stream.indirect.scatter [tilespmem:s25], [sflag:$0x1], $0x1, s24, s11, $0xb8;
	[tilespmem:$0xE600] =	vst v63  }
0x87: {  	s26 =	simm.s32 $0x1700;
	s28 =	simm.s32 $0x3700  }
0x88: {  	[spmem:s1] =	stream.indirect.scatter [tilespmem:s28], [sflag:$0x1], $0x1, s26, s11, $0xb8;
	[tilespmem:$0xE600] =	vst v63  }
0x89: {  	s24 =	simm.s32 $0x1780;
	s25 =	simm.s32 $0x3780  }
0x8a: {  	[spmem:s1] =	stream.indirect.scatter [tilespmem:s25], [sflag:$0x1], $0x1, s24, s11, $0xb8;
	[tilespmem:$0xE600] =	vst v63  }
0x8b: {  	s26 =	simm.s32 $0x1800;
	s28 =	simm.s32 $0x3800  }
0x8c: {  	[spmem:s1] =	stream.indirect.scatter [tilespmem:s28], [sflag:$0x1], $0x1, s26, s11, $0xb8;
	[tilespmem:$0xE600] =	vst v63  }
0x8d: {  	s24 =	simm.s32 $0x1880;
	s25 =	simm.s32 $0x3880  }
0x8e: {  	[spmem:s1] =	stream.indirect.scatter [tilespmem:s25], [sflag:$0x1], $0x1, s24, s11, $0xb8;
	[tilespmem:$0xE600] =	vst v63  }
0x8f: {  	s26 =	simm.s32 $0x1900;
	s28 =	simm.s32 $0x3900  }
0x90: {  	[spmem:s1] =	stream.indirect.scatter [tilespmem:s28], [sflag:$0x1], $0x1, s26, s11, $0xb8;
	[tilespmem:$0xE600] =	vst v63  }
0x91: {  	s24 =	simm.s32 $0x1980;
	s25 =	simm.s32 $0x3980  }
0x92: {  	[spmem:s1] =	stream.indirect.scatter [tilespmem:s25], [sflag:$0x1], $0x1, s24, s11, $0xb8;
	[tilespmem:$0xE600] =	vst v63  }
0x93: {  	s26 =	simm.s32 $0x1A00;
	s28 =	simm.s32 $0x3A00  }
0x94: {  	[spmem:s1] =	stream.indirect.scatter [tilespmem:s28], [sflag:$0x1], $0x1, s26, s11, $0xb8;
	[tilespmem:$0xE600] =	vst v63  }
0x95: {  	s24 =	simm.s32 $0x1A80;
	s25 =	simm.s32 $0x3A80  }
0x96: {  	[spmem:s1] =	stream.indirect.scatter [tilespmem:s25], [sflag:$0x1], $0x1, s24, s11, $0xb8;
	[tilespmem:$0xE600] =	vst v63  }
0x97: {  	s26 =	simm.s32 $0x1B00;
	s28 =	simm.s32 $0x3B00  }
0x98: {  	[spmem:s1] =	stream.indirect.scatter [tilespmem:s28], [sflag:$0x1], $0x1, s26, s11, $0xb8;
	[tilespmem:$0xE600] =	vst v63  }
0x99: {  	s24 =	simm.s32 $0x1B80;
	s25 =	simm.s32 $0x3B80  }
0x9a: {  	[spmem:s1] =	stream.indirect.scatter [tilespmem:s25], [sflag:$0x1], $0x1, s24, s11, $0xb8;
	[tilespmem:$0xE600] =	vst v63  }
0x9b: {  	s26 =	simm.s32 $0x1C00;
	s28 =	simm.s32 $0x3C00  }
0x9c: {  	[spmem:s1] =	stream.indirect.scatter [tilespmem:s28], [sflag:$0x1], $0x1, s26, s11, $0xb8;
	[tilespmem:$0xE600] =	vst v63  }
0x9d: {  	s24 =	simm.s32 $0x1C80;
	s25 =	simm.s32 $0x3C80  }
0x9e: {  	[spmem:s1] =	stream.indirect.scatter [tilespmem:s25], [sflag:$0x1], $0x1, s24, s11, $0xb8;
	[tilespmem:$0xE600] =	vst v63  }
0x9f: {  	s26 =	simm.s32 $0x1D00;
	s28 =	simm.s32 $0x3D00  }
0xa0: {  	[spmem:s1] =	stream.indirect.scatter [tilespmem:s28], [sflag:$0x1], $0x1, s26, s11, $0xb8;
	[tilespmem:$0xE600] =	vst v63  }
0xa1: {  	s23 =	simm.s32 $0x1D80;
	s24 =	simm.s32 $0x3D80  }
0xa2: {  	[spmem:s1] =	stream.indirect.scatter [tilespmem:s24], [sflag:$0x1], $0x1, s23, s11, $0xb8;
	[tilespmem:$0xE600] =	vst v63  }
0xa3: {  	s25 =	simm.s32 $0x1E00;
	s26 =	simm.s32 $0x3E00  }
0xa4: {  	[spmem:s1] =	stream.indirect.scatter [tilespmem:s26], [sflag:$0x1], $0x1, s25, s11, $0xb8;
	[tilespmem:$0xE600] =	vst v63  }
0xa5: {  	s28 =	simm.s32 $0x1E80  }
0xa6: {  	[spmem:s1] =	stream.indirect.scatter [tilespmem:s29], [sflag:$0x1], $0x1, s28, s11, $0xb8;
	[tilespmem:$0xE600] =	vst v63  }
0xa7: {  	_ = 	snop  }
0xa8: {  	[spmem:s1] =	stream.indirect.scatter [tilespmem:s31], [sflag:$0x1], $0x1, s30, s11, $0xb8;
	[tilespmem:$0xE600] =	vst v63  }
0xa9: {  	_ = 	snop  }
0xaa: {  	[spmem:s1] =	stream.indirect.scatter [tilespmem:s3], [sflag:$0x1], $0x1, s0, s11, $0xb8;
	[tilespmem:$0xE600] =	vst v63  }
0xab: {  	_ =	swait.ge [sflag:s12], $0x80  }
0xac: {  	[sflag:s12] =	ssyncset.done $0x0  }
0xad: {  	[sflag:s12] =	ssyncadd.s32 $0xFFFFFF80  }
0xae: {  	_ =	swait.ge [sflag:s12], $0x80  }
0xaf: {  	[sflag:s12] =	ssyncset.done $0x0  }
0xb0: {  	[sflag:s12] =	ssyncadd.s32 $0xFFFFFF80  }
0xb1: {  	_ =	swait.ge [sflag:s12], $0x80  }
0xb2: {  	[sflag:s12] =	ssyncset.done $0x0  }
0xb3: {  	[sflag:s12] =	ssyncadd.s32 $0xFFFFFF80  }
0xb4: {  	_ =	swait.ge [sflag:s12], $0x80  }
0xb5: {  	[sflag:s12] =	ssyncset.done $0x0  }
0xb6: {  	[sflag:s12] =	ssyncadd.s32 $0xFFFFFF80  }
0xb7: {  	_ =	swait.ge [sflag:s12], $0x80  }
0xb8: {  	[sflag:s12] =	ssyncset.done $0x0  }
0xb9: {  	[sflag:s12] =	ssyncadd.s32 $0xFFFFFF80  }
0xba: {  	_ =	swait.ge [sflag:s12], $0x80  }
0xbb: {  	[sflag:s12] =	ssyncset.done $0x0  }
0xbc: {  	[sflag:s12] =	ssyncadd.s32 $0xFFFFFF80  }
0xbd: {  	_ =	swait.ge [sflag:s12], $0x80  }
0xbe: {  	[sflag:s12] =	ssyncset.done $0x0  }
0xbf: {  	[sflag:s12] =	ssyncadd.s32 $0xFFFFFF80  }
0xc0: {  	_ =	swait.ge [sflag:s12], $0x80  }
0xc1: {  	[sflag:s12] =	ssyncset.done $0x0  }
0xc2: {  	[sflag:s12] =	ssyncadd.s32 $0xFFFFFF80  }
0xc3: {  	_ =	swait.ge [sflag:s12], $0x80  }
0xc4: {  	[sflag:s12] =	ssyncset.done $0x0  }
0xc5: {  	[sflag:s12] =	ssyncadd.s32 $0xFFFFFF80  }
0xc6: {  	_ =	swait.ge [sflag:s12], $0x80  }
0xc7: {  	[sflag:s12] =	ssyncset.done $0x0  }
0xc8: {  	[sflag:s12] =	ssyncadd.s32 $0xFFFFFF80  }
0xc9: {  	_ =	swait.ge [sflag:s12], $0x80  }
0xca: {  	[sflag:s12] =	ssyncset.done $0x0  }
0xcb: {  	[sflag:s12] =	ssyncadd.s32 $0xFFFFFF80  }
0xcc: {  	_ =	swait.ge [sflag:s12], $0x80  }
0xcd: {  	[sflag:s12] =	ssyncset.done $0x0  }
0xce: {  	[sflag:s12] =	ssyncadd.s32 $0xFFFFFF80  }
0xcf: {  	_ =	swait.ge [sflag:s12], $0x80  }
0xd0: {  	[sflag:s12] =	ssyncset.done $0x0  }
0xd1: {  	[sflag:s12] =	ssyncadd.s32 $0xFFFFFF80  }
0xd2: {  	_ =	swait.ge [sflag:s12], $0x80  }
0xd3: {  	[sflag:s12] =	ssyncset.done $0x0  }
0xd4: {  	[sflag:s12] =	ssyncadd.s32 $0xFFFFFF80  }
0xd5: {  	_ =	swait.ge [sflag:s12], $0x80  }
0xd6: {  	[sflag:s12] =	ssyncset.done $0x0  }
0xd7: {  	[sflag:s12] =	ssyncadd.s32 $0xFFFFFF80  }
0xd8: {  	_ =	swait.ge [sflag:s12], $0x80  }
0xd9: {  	[sflag:s12] =	ssyncset.done $0x0  }
0xda: {  	[sflag:s12] =	ssyncadd.s32 $0xFFFFFF80  }
0xdb: {  	_ =	swait.ge [sflag:s12], $0x80  }
0xdc: {  	[sflag:s12] =	ssyncset.done $0x0  }
0xdd: {  	[sflag:s12] =	ssyncadd.s32 $0xFFFFFF80  }
0xde: {  	_ =	swait.ge [sflag:s12], $0x80  }
0xdf: {  	[sflag:s12] =	ssyncset.done $0x0  }
0xe0: {  	[sflag:s12] =	ssyncadd.s32 $0xFFFFFF80  }
0xe1: {  	_ =	swait.ge [sflag:s12], $0x80  }
0xe2: {  	[sflag:s12] =	ssyncset.done $0x0  }
0xe3: {  	[sflag:s12] =	ssyncadd.s32 $0xFFFFFF80  }
0xe4: {  	_ =	swait.ge [sflag:s12], $0x80  }
0xe5: {  	[sflag:s12] =	ssyncset.done $0x0  }
0xe6: {  	[sflag:s12] =	ssyncadd.s32 $0xFFFFFF80  }
0xe7: {  	_ =	swait.ge [sflag:s12], $0x80  }
0xe8: {  	[sflag:s12] =	ssyncset.done $0x0  }
0xe9: {  	[sflag:s12] =	ssyncadd.s32 $0xFFFFFF80  }
0xea: {  	_ =	swait.ge [sflag:s12], $0x80  }
0xeb: {  	[sflag:s12] =	ssyncset.done $0x0  }
0xec: {  	[sflag:s12] =	ssyncadd.s32 $0xFFFFFF80  }
0xed: {  	_ =	swait.ge [sflag:s12], $0x80  }
0xee: {  	[sflag:s12] =	ssyncset.done $0x0  }
0xef: {  	[sflag:s12] =	ssyncadd.s32 $0xFFFFFF80  }
0xf0: {  	_ =	swait.ge [sflag:s12], $0x80  }
0xf1: {  	[sflag:s12] =	ssyncset.done $0x0  }
0xf2: {  	[sflag:s12] =	ssyncadd.s32 $0xFFFFFF80  }
0xf3: {  	_ =	swait.ge [sflag:s12], $0x80  }
0xf4: {  	[sflag:s12] =	ssyncset.done $0x0  }
0xf5: {  	[sflag:s12] =	ssyncadd.s32 $0xFFFFFF80  }
0xf6: {  	_ =	swait.ge [sflag:s12], $0x80  }
0xf7: {  	[sflag:s12] =	ssyncset.done $0x0  }
0xf8: {  	[sflag:s12] =	ssyncadd.s32 $0xFFFFFF80  }
0xf9: {  	_ =	swait.ge [sflag:s12], $0x80  }
0xfa: {  	[sflag:s12] =	ssyncset.done $0x0  }
0xfb: {  	[sflag:s12] =	ssyncadd.s32 $0xFFFFFF80  }
0xfc: {  	_ =	swait.ge [sflag:s12], $0x80  }
0xfd: {  	[sflag:s12] =	ssyncset.done $0x0  }
0xfe: {  	[sflag:s12] =	ssyncadd.s32 $0xFFFFFF80  }
0xff: {  	_ =	swait.ge [sflag:s12], $0x80  }
0x100: {  	[sflag:s12] =	ssyncset.done $0x0  }
0x101: {  	[sflag:s12] =	ssyncadd.s32 $0xFFFFFF80  }
0x102: {  	_ =	swait.ge [sflag:s12], $0x80  }
0x103: {  	[sflag:s12] =	ssyncset.done $0x0  }
0x104: {  	[sflag:s12] =	ssyncadd.s32 $0xFFFFFF80  }
0x105: {  	_ =	swait.ge [sflag:s12], $0x80  }
0x106: {  	[sflag:s12] =	ssyncset.done $0x0  }
0x107: {  	[sflag:s12] =	ssyncadd.s32 $0xFFFFFF80  }
0x108: {  	_ =	swait.ge [sflag:s12], $0x80  }
0x109: {  	[sflag:s12] =	ssyncset.done $0x0  }
0x10a: {  	[sflag:s12] =	ssyncadd.s32 $0xFFFFFF80  }
0x10b: {  	_ =	swait.ge [sflag:s12], $0x80  }
0x10c: {  	[sflag:s12] =	ssyncset.done $0x0  }
0x10d: {  	[sflag:s12] =	ssyncadd.s32 $0xFFFFFF80  }
0x10e: {  	_ =	swait.ge [sflag:s12], $0x80  }
0x10f: {  	[sflag:s12] =	ssyncset.done $0x0  }
0x110: {  	[sflag:s12] =	ssyncadd.s32 $0xFFFFFF80  }
0x111: {  	_ =	swait.ge [sflag:s12], $0x80  }
0x112: {  	[sflag:s12] =	ssyncset.done $0x0  }
0x113: {  	[sflag:s12] =	ssyncadd.s32 $0xFFFFFF80  }
0x114: {  	_ =	swait.ge [sflag:s12], $0x80  }
0x115: {  	[sflag:s12] =	ssyncset.done $0x0  }
0x116: {  	[sflag:s12] =	ssyncadd.s32 $0xFFFFFF80  }
0x117: {  	_ =	swait.ge [sflag:s12], $0x80  }
0x118: {  	[sflag:s12] =	ssyncset.done $0x0  }
0x119: {  	[sflag:s12] =	ssyncadd.s32 $0xFFFFFF80  }
0x11a: {  	_ =	swait.ge [sflag:s12], $0x80  }
0x11b: {  	[sflag:s12] =	ssyncset.done $0x0  }
0x11c: {  	[sflag:s12] =	ssyncadd.s32 $0xFFFFFF80  }
0x11d: {  	_ =	swait.ge [sflag:s12], $0x80  }
0x11e: {  	[sflag:s12] =	ssyncset.done $0x0  }
0x11f: {  	[sflag:s12] =	ssyncadd.s32 $0xFFFFFF80  }
0x120: {  	_ =	swait.ge [sflag:s12], $0x80  }
0x121: {  	[sflag:s12] =	ssyncset.done $0x0  }
0x122: {  	[sflag:s12] =	ssyncadd.s32 $0xFFFFFF80  }
0x123: {  	_ =	swait.ge [sflag:s12], $0x80  }
0x124: {  	[sflag:s12] =	ssyncset.done $0x0  }
0x125: {  	[sflag:s12] =	ssyncadd.s32 $0xFFFFFF80  }
0x126: {  	_ =	swait.ge [sflag:s12], $0x80  }
0x127: {  	[sflag:s12] =	ssyncset.done $0x0  }
0x128: {  	[sflag:s12] =	ssyncadd.s32 $0xFFFFFF80  }
0x129: {  	_ =	swait.ge [sflag:s12], $0x80  }
0x12a: {  	[sflag:s12] =	ssyncset.done $0x0  }
0x12b: {  	[sflag:s12] =	ssyncadd.s32 $0xFFFFFF80  }
0x12c: {  	_ =	swait.ge [sflag:s12], $0x80  }
0x12d: {  	[sflag:s12] =	ssyncset.done $0x0  }
0x12e: {  	[sflag:s12] =	ssyncadd.s32 $0xFFFFFF80  }
0x12f: {  	_ =	swait.ge [sflag:s12], $0x80  }
0x130: {  	[sflag:s12] =	ssyncset.done $0x0  }
0x131: {  	[sflag:s12] =	ssyncadd.s32 $0xFFFFFF80  }
0x132: {  	_ =	swait.ge [sflag:s12], $0x80  }
0x133: {  	[sflag:s12] =	ssyncset.done $0x0  }
0x134: {  	[sflag:s12] =	ssyncadd.s32 $0xFFFFFF80  }
0x135: {  	_ =	swait.ge [sflag:s12], $0x80  }
0x136: {  	[sflag:s12] =	ssyncset.done $0x0  }
0x137: {  	[sflag:s12] =	ssyncadd.s32 $0xFFFFFF80  }
0x138: {  	_ =	swait.ge [sflag:s12], $0x80  }
0x139: {  	[sflag:s12] =	ssyncset.done $0x0  }
0x13a: {  	[sflag:s12] =	ssyncadd.s32 $0xFFFFFF80  }
0x13b: {  	_ =	swait.ge [sflag:s12], $0x80  }
0x13c: {  	[sflag:s12] =	ssyncset.done $0x0  }
0x13d: {  	[sflag:s12] =	ssyncadd.s32 $0xFFFFFF80  }
0x13e: {  	_ =	swait.ge [sflag:s12], $0x80  }
0x13f: {  	[sflag:s12] =	ssyncset.done $0x0  }
0x140: {  	[sflag:s12] =	ssyncadd.s32 $0xFFFFFF80  }
0x141: {  	_ =	swait.ge [sflag:s12], $0x80  }
0x142: {  	[sflag:s12] =	ssyncset.done $0x0  }
0x143: {  	[sflag:s12] =	ssyncadd.s32 $0xFFFFFF80  }
0x144: {  	_ =	swait.ge [sflag:s12], $0x80  }
0x145: {  	[sflag:s12] =	ssyncset.done $0x0  }
0x146: {  	[sflag:s12] =	ssyncadd.s32 $0xFFFFFF80  }
0x147: {  	_ =	swait.ge [sflag:s12], $0x80  }
0x148: {  	[sflag:s12] =	ssyncset.done $0x0  }
0x149: {  	[sflag:s12] =	ssyncadd.s32 $0xFFFFFF80  }
0x14a: {  	_ =	swait.ge [sflag:s12], $0x80  }
0x14b: {  	[sflag:s12] =	ssyncset.done $0x0  }
0x14c: {  	[sflag:s12] =	ssyncadd.s32 $0xFFFFFF80  }
0x14d: {  	_ =	swait.ge [sflag:s12], $0x80  }
0x14e: {  	[sflag:s12] =	ssyncset.done $0x0  }
0x14f: {  	[sflag:s12] =	ssyncadd.s32 $0xFFFFFF80  }
0x150: {  	_ =	swait.ge [sflag:s12], $0x80  }
0x151: {  	[sflag:s12] =	ssyncset.done $0x0  }
0x152: {  	[sflag:s12] =	ssyncadd.s32 $0xFFFFFF80  }
0x153: {  	_ =	swait.ge [sflag:s12], $0x80  }
0x154: {  	[sflag:s12] =	ssyncset.done $0x0  }
0x155: {  	[sflag:s12] =	ssyncadd.s32 $0xFFFFFF80  }
0x156: {  	_ =	swait.ge [sflag:s12], $0x80  }
0x157: {  	[sflag:s12] =	ssyncset.done $0x0  }
0x158: {  	[sflag:s12] =	ssyncadd.s32 $0xFFFFFF80  }
0x159: {  	_ =	swait.ge [sflag:s12], $0x80  }
0x15a: {  	[sflag:s12] =	ssyncset.done $0x0  }
0x15b: {  	[sflag:s12] =	ssyncadd.s32 $0xFFFFFF80  }
0x15c: {  	_ =	swait.ge [sflag:s12], $0x80  }
0x15d: {  	[sflag:s12] =	ssyncset.done $0x0  }
0x15e: {  	[sflag:s12] =	ssyncadd.s32 $0xFFFFFF80  }
0x15f: {  	_ =	swait.ge [sflag:s12], $0x80  }
0x160: {  	[sflag:s12] =	ssyncset.done $0x0  }
0x161: {  	[sflag:s12] =	ssyncadd.s32 $0xFFFFFF80  }
0x162: {  	_ =	swait.ge [sflag:s12], $0x80  }
0x163: {  	[sflag:s12] =	ssyncset.done $0x0  }
0x164: {  	[sflag:s12] =	ssyncadd.s32 $0xFFFFFF80  }
0x165: {  	_ =	swait.ge [sflag:s12], $0x80  }
0x166: {  	[sflag:s12] =	ssyncset.done $0x0  }
0x167: {  	[sflag:s12] =	ssyncadd.s32 $0xFFFFFF80  }
0x168: {  	_ =	swait.ge [sflag:s12], $0x80  }
0x169: {  	[sflag:s12] =	ssyncset.done $0x0  }
0x16a: {  	[sflag:s12] =	ssyncadd.s32 $0xFFFFFF80  }
0x16b: {  	[bflag:$0x0] =	sbarrier.arrive $0xFFFF  }
0x16c: {  	[tilespmem:s13], [sflag:$0x2] =	stream.linear.gather [spmem:s7], $0x200, $0x38;
	[tilespmem:$0xE600] =	vst v63  }
0x16d: {  	_ =	swait.ge [sflag:s10], $0x200  }
0x16e: {  	[sflag:s10] =	ssyncset.done $0x0  }
0x16f: {  	[sflag:s10] =	ssyncadd.s32 $0xFFFFFE00  }
0x170: {  	[tilespmem:s14], [sflag:$0x1] =	stream.indirect.gather [hbm4b:s4+s11], $0x40, s13, s11, $0xb8;
	[tilespmem:$0xE600] =	vst v63  }
0x171: {  	_ = 	snop  }
0x172: {  	[tilespmem:s16], [sflag:$0x1] =	stream.indirect.gather [hbm4b:s4+s11], $0x40, s15, s11, $0xb8;
	[tilespmem:$0xE600] =	vst v63  }
0x173: {  	_ = 	snop  }
0x174: {  	[tilespmem:s18], [sflag:$0x1] =	stream.indirect.gather [hbm4b:s4+s11], $0x40, s17, s11, $0xb8;
	[tilespmem:$0xE600] =	vst v63  }
0x175: {  	_ = 	snop  }
0x176: {  	[tilespmem:s20], [sflag:$0x1] =	stream.indirect.gather [hbm4b:s4+s11], $0x40, s19, s11, $0xb8;
	[tilespmem:$0xE600] =	vst v63  }
0x177: {  	_ =	swait.ge [sflag:s12], $0x2000  }
0x178: {  	[sflag:s12] =	ssyncset.done $0x0  }
0x179: {  	[sflag:s12] =	ssyncadd.s32 $0xFFFFE000  }
0x17a: {  	_ =	swait.ge [sflag:s12], $0x2000  }
0x17b: {  	[sflag:s12] =	ssyncset.done $0x0  }
0x17c: {  	[sflag:s12] =	ssyncadd.s32 $0xFFFFE000  }
0x17d: {  	_ =	swait.ge [sflag:s12], $0x2000  }
0x17e: {  	[sflag:s12] =	ssyncset.done $0x0  }
0x17f: {  	[sflag:s12] =	ssyncadd.s32 $0xFFFFE000  }
0x180: {  	s21 =	sadd.s32 $0x1, s21;
	_ =	swait.ge [sflag:s12], $0x2000  }
0x181: {  	p0 =	sne.s32 s21, s9;
	[sflag:s12] =	ssyncset.done $0x0  }
.Ltmp1:
0x182: {  	[sflag:s12] =	ssyncadd.s32 $0xFFFFE000;
	(pc) =	sbr.rel @p0 .LBB2_1-.Ltmp1, $4  }
0x183: {  	[hbm4b:s8+s2] =	stream.linear.scatter [tilespmem:s14], [sflag:$0x2], $0x8000, $0x38;
	[tilespmem:$0xE600] =	vst v63  }
0x184: {  	_ =	swait.ge [sflag:s10], $0x8000  }
0x185: {  	[sflag:s10] =	ssyncset.done $0x0  }
0x186: {  	[sflag:s10] =	ssyncadd.s32 $0xFFFF8000  }
0x187: {  	_ =	sfence.sel $0x180000  }
0x188: {  	[bflag:$0x0] =	sbarrier.arrive $0xFFFF  }
0x189: {  	_ =	strace $0x90000047  }
0x18a: {  	s0 =	stileid.u32;
	[bflag:$0x2] =	sbarrier.arrive $0xFFFF  }
0x18b: {  	p0 =	sne.s32 s0, $0x0;
	s0 =	rddreg [dreg:$0x3]  }
0x18c: {  	s0 =	sadd.s32 @!p0 $0x100000, s0  }
0x18d: {  	[sflag:s0] =	ssyncadd.tile.s32 @!p0 $0x1;
	_ =	shalt  }
.Lfunc_end2:
_tile_overlayer_lowered:
.L_overlay_start_2:
0x18e: {  	(tag) =	ssettag $0x2  }
0x18f: {  	s0 =	rddreg [dreg:$0x0];
	s2 =	stileid.u32  }
0x190: {  	s1 =	rddreg [dreg:$0x1];
	p0 =	sne.s32 s2, $0x0  }
0x191: {  	s3 =	rddreg [dreg:$0x2];
	[bflag:$0x3] =	sbarrier.arrive $0xFFFF;
	s2 =	simm.s32 @!p0 $0x1C02  }
0x192: {  	[timem:s3], [sflag:s2] =	dma.local @!p0 [hbm:s0], s1  }
0x193: {  	s0 =	simm.s32 @!p0 $0x2  }
0x194: {  	_ =	swait.ge @!p0 [sflag:s0], s1  }
0x195: {  	s1 =	ssub.s32 @!p0 $0x0, s1;
	[sflag:s0] =	ssyncset.done @!p0 $0x0  }
0x196: {  	[sflag:s0] =	ssyncadd.s32 @!p0 s1  }
0x197: {  	[bflag:$0x3] =	sbarrier.arrive $0xFFFF  }
0x198: {  	_ =	shalt  }

</sc_bundles>
